<compile_context>
chip_gen: v7x
topology: tpu7x:2x2x1
jax: 0.10.2.dev20260603
libtpu: 0.0.44.dev20260713+nightly
codegen_flags: <defaults>
</compile_context>

<pallas_src>
import functools

import jax
import jax.numpy as jnp
from jax import lax
from jax.experimental import pallas as pl
from jax.experimental.pallas import tpu as pltpu
from jax.experimental.pallas import tpu_sc as plsc

N_TOKENS = 131072
NUM_CLUSTERS = 16
HIDDEN = 256
OUT_DIM = 56
PE_LEVELS = 10
IN_DIM = 3 + 3 * 2 * PE_LEVELS
DW = 128

B_T = 512
N_PAD = N_TOKENS + NUM_CLUSTERS * B_T
NB = N_PAD // B_T
NB_PAD = ((NB + 15) // 16) * 16

NW = 32
CHUNK = N_TOKENS // NW
RB = 256
CROWS = CHUNK // RB

@functools.lru_cache(maxsize=None)
def _sc_mesh_opts():
  return dict(
      mesh=plsc.VectorSubcoreMesh(core_axis_name="c", subcore_axis_name="s"),
      compiler_params=pltpu.CompilerParams(needs_layout_passes=False),
  )


def _wid():
  return lax.axis_index("s") * 2 + lax.axis_index("c")




def _pe_body(x_ref, out_ref):
  xb = x_ref[...]
  rows = xb.shape[0]
  col = lax.broadcasted_iota(jnp.int32, (rows, DW), 1)
  col1 = lax.broadcasted_iota(jnp.int32, (3, DW), 1)
  drow = lax.broadcasted_iota(jnp.int32, (3, DW), 0)
  r = (col1 - 3) % 6
  dmap = jnp.where(col1 < 3, col1, r % 3)
  sel = jnp.where(dmap == drow, 1.0, 0.0).astype(jnp.float32)
  X = jnp.dot(xb, sel, preferred_element_type=jnp.float32)
  lvl = lax.broadcasted_iota(jnp.int32, (rows, DW), 1)
  lvl = jnp.maximum(lvl - 3, 0) // 6
  freqpow = jnp.exp2(lvl.astype(jnp.float32))
  is_cos = ((col - 3) % 6) >= 3
  phase = jnp.where(is_cos, 0.5, 0.0).astype(jnp.float32)
  u = X - 2.0 * jnp.round(X * 0.5)
  f = u * freqpow
  w = f + phase
  t = w - 2.0 * jnp.round(w * 0.5)
  a = jnp.abs(t)
  m = jnp.minimum(a, 1.0 - a)
  s = jnp.where(t < 0, -m, m)
  z = s * s
  p = jnp.float32(-7.3704309e-03)
  p = p * z + jnp.float32(8.2145887e-02)
  p = p * z - jnp.float32(5.9926453e-01)
  p = p * z + jnp.float32(2.5501640e+00)
  p = p * z - jnp.float32(5.1677128e+00)
  p = p * z + jnp.float32(3.1415927e+00)
  Z = s * p
  out_ref[...] = jnp.where(col < 3, X, jnp.where(col < IN_DIM, Z, 0.0))


def _pe_encode(x):
  rows = 2048
  return pl.pallas_call(
      _pe_body,
      grid=(N_TOKENS // rows,),
      in_specs=[pl.BlockSpec((rows, 3), lambda b: (b, 0))],
      out_specs=pl.BlockSpec((rows, DW), lambda b: (b, 0)),
      out_shape=jax.ShapeDtypeStruct((N_TOKENS, DW), jnp.float32),
  )(x)




@functools.lru_cache(maxsize=None)
def _make_hist_kernel():
  return pl.kernel(
      _hist_body,
      out_type=jax.ShapeDtypeStruct((NW, 16), jnp.int32),
      scratch_types=[
          pltpu.VMEM((CHUNK,), jnp.int32),
          pltpu.VMEM((16,), jnp.int32),
      ],
      **_sc_mesh_opts(),
  )


def _hist_body(ids_hbm, hist_o, ids_v, hist_v):
  wid = _wid()
  pltpu.sync_copy(ids_hbm.at[pl.ds(wid * CHUNK, CHUNK)], ids_v)
  hist_v[...] = jnp.zeros((16,), jnp.int32)
  ones = jnp.ones((16,), jnp.int32)

  def body(k, _):
    c = ids_v[pl.ds(k * 16, 16)]
    plsc.addupdate_scatter(hist_v, [c], ones)
    return 0

  lax.fori_loop(0, CHUNK // 16, body, 0)
  pltpu.sync_copy(hist_v, hist_o.at[wid])




@functools.lru_cache(maxsize=None)
def _make_pos_kernel():
  return pl.kernel(
      _pos_body,
      out_type=(
          jax.ShapeDtypeStruct((N_TOKENS,), jnp.int32),
          jax.ShapeDtypeStruct((NB_PAD,), jnp.int32),
      ),
      scratch_types=[
          pltpu.VMEM((CHUNK,), jnp.int32),
          pltpu.VMEM((NW, 16), jnp.int32),
          pltpu.VMEM((16,), jnp.int32),
          pltpu.VMEM((16,), jnp.int32),
          pltpu.VMEM((16,), jnp.int32),
          pltpu.VMEM((16,), jnp.int32),
          pltpu.VMEM((CHUNK,), jnp.int32),
          pltpu.VMEM((NB_PAD,), jnp.int32),
      ],
      **_sc_mesh_opts(),
  )


def _pos_body(ids_hbm, hist_hbm, dpos_o, bexp_o,
              ids_v, hist_v, base_v, seg_v, tmp_v, tmp2_v, pos_v, bexp_v):
  wid = _wid()
  i16 = lax.iota(jnp.int32, 16)
  ones = jnp.ones((16,), jnp.int32)
  zeros = jnp.zeros((16,), jnp.int32)

  pltpu.sync_copy(ids_hbm.at[pl.ds(wid * CHUNK, CHUNK)], ids_v)
  pltpu.sync_copy(hist_hbm, hist_v)

  totals = zeros
  pre = zeros
  for t in range(NW):
    row = hist_v[t]
    totals = totals + row
    pre = pre + jnp.where(t < wid, row, zeros)
  pt = (totals + (B_T - 1)) & ~(B_T - 1)
  seg = plsc.cumsum(pt) - pt
  base_v[...] = seg + pre
  seg_v[...] = seg

  def body(k, _):
    c = ids_v[pl.ds(k * 16, 16)]
    s, v = plsc.sort_key_val(c, i16)
    tmp_v[...] = s
    sh = plsc.load_gather(tmp_v, [jnp.maximum(i16 - 1, 0)])
    bnd = (i16 == 0) | (s != sh)
    st = plsc.cummax(jnp.where(bnd, i16, 0))
    plsc.store_scatter(tmp2_v, [v], i16 - st)
    rank = tmp2_v[...]
    g = plsc.load_gather(base_v, [c])
    pos = g + rank
    plsc.addupdate_scatter(base_v, [c], ones)
    pos_v[pl.ds(k * 16, 16)] = pos
    return 0

  lax.fori_loop(0, CHUNK // 16, body, 0)

  pltpu.sync_copy(pos_v, dpos_o.at[pl.ds(wid * CHUNK, CHUNK)])

  @pl.when(wid == 0)
  def _():
    def bbody(i, _):
      p16 = i16 + i * 16
      acc = jnp.full((16,), -1, jnp.int32)
      for cl in range(NUM_CLUSTERS):
        sv = plsc.load_gather(seg_v, [jnp.full((16,), cl, jnp.int32)])
        acc = acc + jnp.where(p16 * B_T >= sv, 1, 0)
      bexp_v[pl.ds(i * 16, 16)] = acc
      return 0

    lax.fori_loop(0, NB_PAD // 16, bbody, 0)
    pltpu.sync_copy(bexp_v, bexp_o)




@functools.lru_cache(maxsize=None)
def _make_scatter_kernel():
  return pl.kernel(
      _scatter_body,
      out_type=jax.ShapeDtypeStruct((N_PAD, DW), jnp.float32),
      scratch_types=[
          pltpu.VMEM((CHUNK,), jnp.int32),
          pltpu.VMEM((RB, DW), jnp.float32),
          pltpu.VMEM((RB, DW), jnp.float32),
          pltpu.SemaphoreType.DMA,
          pltpu.SemaphoreType.DMA,
      ],
      **_sc_mesh_opts(),
  )


def _scatter_body(dpos_hbm, xe_hbm, xs_o, pos_v, bufa, bufb, sema, semb):
  wid = _wid()
  pltpu.sync_copy(dpos_hbm.at[pl.ds(wid * CHUNK, CHUNK)], pos_v)

  row0 = wid * CHUNK
  pltpu.sync_copy(xe_hbm.at[pl.ds(row0, RB)], bufa)
  pltpu.async_copy(bufa, xs_o.at[pos_v.at[pl.ds(0, RB)]], sema)

  def sbody(j, _):
    @pl.when(j % 2 == 0)
    def _():
      pltpu.sync_copy(xe_hbm.at[pl.ds(row0 + (j + 1) * RB, RB)], bufb)
      pltpu.async_copy(bufb, xs_o.at[pos_v.at[pl.ds((j + 1) * RB, RB)]], semb)
      pltpu.make_async_copy(bufa, xs_o.at[pos_v.at[pl.ds(j * RB, RB)]], sema).wait()

    @pl.when(j % 2 == 1)
    def _():
      pltpu.sync_copy(xe_hbm.at[pl.ds(row0 + (j + 1) * RB, RB)], bufa)
      pltpu.async_copy(bufa, xs_o.at[pos_v.at[pl.ds((j + 1) * RB, RB)]], sema)
      pltpu.make_async_copy(bufb, xs_o.at[pos_v.at[pl.ds(j * RB, RB)]], semb).wait()

    return 0

  lax.fori_loop(0, CROWS - 1, sbody, 0)
  pltpu.make_async_copy(bufb, xs_o.at[pos_v.at[pl.ds((CROWS - 1) * RB, RB)]], semb).wait()




def _mlp_body(bexp_ref, xs_ref, w_ref, b_ref, out_ref):
  del bexp_ref
  f32 = jnp.float32
  bf = jnp.bfloat16
  W = w_ref[0]
  B = b_ref[0]
  h = xs_ref[...].astype(bf)
  h = jnp.tanh(jnp.dot(h, W[0, :DW, :], preferred_element_type=f32) + B[0:1])
  h = jnp.tanh(jnp.dot(h.astype(bf), W[1], preferred_element_type=f32) + B[1:2])
  h = jnp.tanh(jnp.dot(h.astype(bf), W[2], preferred_element_type=f32) + B[2:3])
  h = jnp.tanh(jnp.dot(h.astype(bf), W[3], preferred_element_type=f32) + B[3:4])
  out_ref[...] = (jnp.dot(h.astype(bf), W[4, :, :DW],
                          preferred_element_type=f32) + B[4:5, :DW])


def _grouped_mlp(xs, bexp, wstk, bstk):
  def xmap(b, bexp_ref):
    del bexp_ref
    return (b, 0)

  def wmap(b, bexp_ref):
    return (bexp_ref[b], 0, 0, 0)

  def bmap(b, bexp_ref):
    return (bexp_ref[b], 0, 0)

  grid_spec = pltpu.PrefetchScalarGridSpec(
      num_scalar_prefetch=1,
      grid=(NB,),
      in_specs=[
          pl.BlockSpec((B_T, DW), xmap),
          pl.BlockSpec((1, 5, HIDDEN, HIDDEN), wmap),
          pl.BlockSpec((1, 5, HIDDEN), bmap),
      ],
      out_specs=pl.BlockSpec((B_T, DW), xmap),
  )
  return pl.pallas_call(
      _mlp_body,
      grid_spec=grid_spec,
      out_shape=jax.ShapeDtypeStruct((N_PAD, DW), jnp.float32),
      compiler_params=pltpu.CompilerParams(
          dimension_semantics=("arbitrary",),
      ),
  )(bexp, xs, wstk, bstk)




@functools.lru_cache(maxsize=None)
def _make_gather_kernel():
  return pl.kernel(
      _gather_body,
      out_type=jax.ShapeDtypeStruct((N_TOKENS, DW), jnp.float32),
      scratch_types=[
          pltpu.VMEM((CHUNK,), jnp.int32),
          pltpu.VMEM((RB, DW), jnp.float32),
          pltpu.VMEM((RB, DW), jnp.float32),
          pltpu.SemaphoreType.DMA,
          pltpu.SemaphoreType.DMA,
      ],
      **_sc_mesh_opts(),
  )


def _gather_body(dpos_hbm, outs_hbm, outw_o, pos_v, bufa, bufb, sema, semb):
  wid = _wid()
  pltpu.sync_copy(dpos_hbm.at[pl.ds(wid * CHUNK, CHUNK)], pos_v)
  row0 = wid * CHUNK

  cpa = pltpu.async_copy(outs_hbm.at[pos_v.at[pl.ds(0, RB)]], bufa, sema)

  def gbody2(j, _):
    @pl.when(j % 2 == 0)
    def _():
      cpb = pltpu.async_copy(outs_hbm.at[pos_v.at[pl.ds((j + 1) * RB, RB)]], bufb, semb)
      pltpu.sync_copy(bufa, outw_o.at[pl.ds(row0 + j * RB, RB)])
      cpb.wait()

    @pl.when(j % 2 == 1)
    def _():
      cpa2 = pltpu.async_copy(outs_hbm.at[pos_v.at[pl.ds((j + 1) * RB, RB)]], bufa, sema)
      pltpu.sync_copy(bufb, outw_o.at[pl.ds(row0 + j * RB, RB)])
      cpa2.wait()

    return 0

  cpa.wait()
  lax.fori_loop(0, CROWS - 1, gbody2, 0)
  last = CROWS - 1
  buf_last = bufa if (last % 2 == 0) else bufb
  pltpu.sync_copy(buf_last, outw_o.at[pl.ds(row0 + last * RB, RB)])




def _narrow_body(in_ref, out_ref):
  out_ref[...] = in_ref[:, :OUT_DIM]


def _narrow(outw):
  rows = 1024
  return pl.pallas_call(
      _narrow_body,
      grid=(N_TOKENS // rows,),
      in_specs=[pl.BlockSpec((rows, DW), lambda b: (b, 0))],
      out_specs=pl.BlockSpec((rows, OUT_DIM), lambda b: (b, 0)),
      out_shape=jax.ShapeDtypeStruct((N_TOKENS, OUT_DIM), jnp.float32),
  )(outw)




def kernel(x, cluster_ids, W0, b0, W1, b1, W2, b2, W3, b3, W4, b4):
  ids = cluster_ids.astype(jnp.int32)

  w0p = jnp.pad(W0, ((0, 0), (0, HIDDEN - IN_DIM), (0, 0)))
  w4p = jnp.pad(W4, ((0, 0), (0, 0), (0, HIDDEN - OUT_DIM)))
  wstk = jnp.stack([w0p, W1, W2, W3, w4p], axis=1).astype(jnp.bfloat16)
  b4p = jnp.pad(b4, ((0, 0), (0, HIDDEN - OUT_DIM)))
  bstk = jnp.stack([b0, b1, b2, b3, b4p], axis=1)

  hist = _make_hist_kernel()(ids)
  dpos, bexp = _make_pos_kernel()(ids, hist)
  xe = _pe_encode(x)
  xs = _make_scatter_kernel()(dpos, xe)
  outs = _grouped_mlp(xs, bexp, wstk, bstk)
  outw = _make_gather_kernel()(dpos, outs)
  return _narrow(outw)

# --- scband reference (transcript-rebuilt; emitter-appended) ---
"""Pipeline reference for scband-multi-mlp-44401371906497 (READ-ONLY COPY).

The authoritative reference and input builder live on the scoring server;
editing this copy changes nothing except your own understanding.
"""

import jax, jax.numpy as jnp
import numpy as np
import math

NUM_CLUSTERS = 16
OUTPUT_DIM = 56
HIDDEN_DIM = 256
PE_LEVELS = 10
INPUT_DIM = 3 + 3 * 2 * PE_LEVELS  # 63
N_TOKENS = 131072


def positional_encoding(x):
    freq_bands = (2.0 ** jnp.arange(PE_LEVELS, dtype=jnp.float32)) * math.pi
    out = [x]
    for i in range(PE_LEVELS):
        f = freq_bands[i]
        out.append(jnp.sin(x * f))
        out.append(jnp.cos(x * f))
    return jnp.concatenate(out, axis=-1)


def setup_inputs(seed: int = 0) -> dict:
    key = jax.random.key(seed)
    kx, kc, kw = jax.random.split(key, 3)
    x = jax.random.normal(kx, (N_TOKENS, 3), dtype=jnp.float32)
    cluster_ids = jax.random.randint(kc, (N_TOKENS,), 0, NUM_CLUSTERS, dtype=jnp.int64 if jax.config.jax_enable_x64 else jnp.int32)
    # Per-expert MLP params: 5 linear layers per expert, stacked over experts
    dims = [(INPUT_DIM, HIDDEN_DIM), (HIDDEN_DIM, HIDDEN_DIM), (HIDDEN_DIM, HIDDEN_DIM), (HIDDEN_DIM, HIDDEN_DIM), (HIDDEN_DIM, OUTPUT_DIM)]
    params = {}
    for li, (din, dout) in enumerate(dims):
        kw, k1, k2 = jax.random.split(kw, 3)
        bound = 1.0 / math.sqrt(din)
        params[f"W{li}"] = jax.random.uniform(k1, (NUM_CLUSTERS, din, dout), minval=-bound, maxval=bound, dtype=jnp.float32)
        params[f"b{li}"] = jax.random.uniform(k2, (NUM_CLUSTERS, dout), minval=-bound, maxval=bound, dtype=jnp.float32)
    inp = {"x": x, "cluster_ids": cluster_ids}
    inp.update(params)
    return inp


def reference(x, cluster_ids, W0, b0, W1, b1, W2, b2, W3, b3, W4, b4):
    h0 = positional_encoding(x)  # [N, 63]
    # Gather per-token expert weights and apply (faithful to per-cluster MLP)
    def layer(h, W, b, act):
        Wg = jnp.take(W, cluster_ids, axis=0)  # [N, din, dout]
        bg = jnp.take(b, cluster_ids, axis=0)  # [N, dout]
        out = jnp.einsum('ni,nio->no', h, Wg) + bg
        return jnp.tanh(out) if act else out
    h = layer(h0, W0, b0, True)
    h = layer(h, W1, b1, True)
    h = layer(h, W2, b2, True)
    h = layer(h, W3, b3, True)
    out = layer(h, W4, b4, False)
    return out

if __name__ == "__main__":
    import jax
    _d = setup_inputs()
    print(jax.jit(kernel)(*tuple(_d.values())))

</pallas_src>

<mosaic_0001>
#map = affine_map<(d0, d1) -> (0)>
#map1 = affine_map<(d0, d1) -> (0, 0)>
module attributes {stable_mosaic.version = 14 : i64} {
  func.func @_hist_body(%arg0: i32, %arg1: i32, %arg2: memref<131072xi32, #tpu.memory_space<hbm>>, %arg3: memref<32x16xi32, #tpu.memory_space<hbm>>, %arg4: memref<4096xi32, #tpu.memory_space<vmem>>, %arg5: memref<16xi32, #tpu.memory_space<vmem>>) attributes {dimension_semantics = [#tpu.dimension_semantics<core_parallel>, #tpu.dimension_semantics<subcore_parallel>], iteration_bounds = array<i64: 2, 16>, scalar_prefetch = 0 : i64, scratch_operands = 2 : i64, tpu.core_type = #tpu.core_type<sc_vector_subcore>, window_params = [{transform_indices = #map}, {transform_indices = #map1}]} {
    %mul3A = arith.constant 2 : i32
    %mul3A_0 = arith.muli %arg1, %mul3A : i32
    %add3A = arith.addi %mul3A_0, %arg0 : i32
    %mul3A_1 = arith.constant 4096 : i32
    %mul3A_2 = arith.muli %add3A, %mul3A_1 : i32
    "tpu.region"() ({
      %run_scoped3A = tpu.sem_alloc : memref<!tpu.dma_semaphore, #tpu.memory_space<semaphore_mem>>
      %dma_start3A = tpu.memref_slice %arg2[%mul3A_2] : memref<131072xi32, #tpu.memory_space<hbm>> -> memref<4096xi32, #tpu.memory_space<hbm>>
      %dma_start3A_13 = tpu.memref_slice %arg2[%mul3A_2] : memref<131072xi32, #tpu.memory_space<hbm>> -> memref<4096xi32, #tpu.memory_space<hbm>>
      tpu.enqueue_dma source(%dma_start3A_13 : memref<4096xi32, #tpu.memory_space<hbm>>) target(%arg4 : memref<4096xi32, #tpu.memory_space<vmem>>) target_semaphore(%run_scoped3A : memref<!tpu.dma_semaphore, #tpu.memory_space<semaphore_mem>>)
      %dma_wait3A = tpu.memref_slice %arg2[%mul3A_2] : memref<131072xi32, #tpu.memory_space<hbm>> -> memref<4096xi32, #tpu.memory_space<hbm>>
      %dma_wait3A_14 = tpu.memref_slice %arg2[%mul3A_2] : memref<131072xi32, #tpu.memory_space<hbm>> -> memref<4096xi32, #tpu.memory_space<hbm>>
      tpu.wait_dma2 semaphore(%run_scoped3A : memref<!tpu.dma_semaphore, #tpu.memory_space<semaphore_mem>>) src(%dma_wait3A_14 : memref<4096xi32, #tpu.memory_space<hbm>>) dst(%arg4 : memref<4096xi32, #tpu.memory_space<vmem>>)
      tpu.yield
    }) : () -> ()
    %broadcast_in_dim3A = arith.constant 0 : i32
    %broadcast_in_dim3A_3 = vector.broadcast %broadcast_in_dim3A : i32 to vector<16xi32>
    %swap3A = arith.constant 0 : index
    %swap3A_4 = tpu.vector_load %arg5[%swap3A] {strides = array<i32>} : memref<16xi32, #tpu.memory_space<vmem>>, vector<16xi32>,
    tpu.vector_store %arg5[%swap3A], %broadcast_in_dim3A_3 {strides = array<i32>} : memref<16xi32, #tpu.memory_space<vmem>>, vector<16xi32>,
    %broadcast_in_dim3A_5 = arith.constant 1 : i32
    %broadcast_in_dim3A_6 = vector.broadcast %broadcast_in_dim3A_5 : i32 to vector<16xi32>
    %scan3A = arith.constant 0 : i32
    %scan3A_7 = arith.constant 0 : i32
    %scan3A_8 = arith.constant 256 : i32
    %scan3A_9 = arith.addi %scan3A_7, %scan3A_8 : i32
    %scan3A_10 = arith.constant 1 : i32
    %scan3A_11 = scf.for %scan3A_13 = %scan3A_7 to %scan3A_9 step %scan3A_10 iter_args(%scan3A_14 = %scan3A) -> (i32)  : i32 {
      %mul3A_15 = arith.constant 16 : i32
      %mul3A_16 = arith.muli %scan3A_13, %mul3A_15 : i32
      %get3A = arith.index_cast %mul3A_16 : i32 to index
      %get3A_17 = tpu.vector_load %arg4[%get3A] {strides = array<i32>} : memref<4096xi32, #tpu.memory_space<vmem>>, vector<16xi32>,
      tpu.vector_store_idx %arg5[%get3A_17], %broadcast_in_dim3A_6 {add = true} : memref<16xi32, #tpu.memory_space<vmem>>[vector<16xi32>], vector<16xi32>,
      %scan3A_18 = arith.constant 0 : i32
      scf.yield %scan3A_18 : i32
    }
    %scan3A_12 = arith.constant 256 : i32
    "tpu.region"() ({
      %run_scoped3A = tpu.sem_alloc : memref<!tpu.dma_semaphore, #tpu.memory_space<semaphore_mem>>
      %dma_start3A = arith.constant 0 : i32
      %dma_start3A_13 = tpu.memref_slice %arg3[%add3A, %dma_start3A] : memref<32x16xi32, #tpu.memory_space<hbm>> -> memref<1x16xi32, #tpu.memory_space<hbm>>
      %dma_start3A_14 = tpu.memref_squeeze %dma_start3A_13 : memref<1x16xi32, #tpu.memory_space<hbm>> -> memref<16xi32, #tpu.memory_space<hbm>>
      %dma_start3A_15 = arith.constant 0 : i32
      %dma_start3A_16 = tpu.memref_slice %arg3[%add3A, %dma_start3A_15] : memref<32x16xi32, #tpu.memory_space<hbm>> -> memref<1x16xi32, #tpu.memory_space<hbm>>
      %dma_start3A_17 = tpu.memref_squeeze %dma_start3A_16 : memref<1x16xi32, #tpu.memory_space<hbm>> -> memref<16xi32, #tpu.memory_space<hbm>>
      tpu.enqueue_dma source(%arg5 : memref<16xi32, #tpu.memory_space<vmem>>) target(%dma_start3A_17 : memref<16xi32, #tpu.memory_space<hbm>>) target_semaphore(%run_scoped3A : memref<!tpu.dma_semaphore, #tpu.memory_space<semaphore_mem>>)
      %dma_wait3A = arith.constant 0 : i32
      %dma_wait3A_18 = tpu.memref_slice %arg3[%add3A, %dma_wait3A] : memref<32x16xi32, #tpu.memory_space<hbm>> -> memref<1x16xi32, #tpu.memory_space<hbm>>
      %dma_wait3A_19 = tpu.memref_squeeze %dma_wait3A_18 : memref<1x16xi32, #tpu.memory_space<hbm>> -> memref<16xi32, #tpu.memory_space<hbm>>
      %dma_wait3A_20 = arith.constant 0 : i32
      %dma_wait3A_21 = tpu.memref_slice %arg3[%add3A, %dma_wait3A_20] : memref<32x16xi32, #tpu.memory_space<hbm>> -> memref<1x16xi32, #tpu.memory_space<hbm>>
      %dma_wait3A_22 = tpu.memref_squeeze %dma_wait3A_21 : memref<1x16xi32, #tpu.memory_space<hbm>> -> memref<16xi32, #tpu.memory_space<hbm>>
      tpu.wait_dma2 semaphore(%run_scoped3A : memref<!tpu.dma_semaphore, #tpu.memory_space<semaphore_mem>>) src(%arg5 : memref<16xi32, #tpu.memory_space<vmem>>) dst(%dma_wait3A_22 : memref<16xi32, #tpu.memory_space<hbm>>)
      tpu.yield
    }) : () -> ()
    return
  }
}

#map = affine_map<(d0, d1) -> (0)>
#map1 = affine_map<(d0, d1) -> (0, 0)>
module attributes {stable_mosaic.version = 14 : i64} {
  func.func @_scatter_body(%arg0: i32, %arg1: i32, %arg2: memref<131072xi32, #tpu.memory_space<hbm>>, %arg3: memref<131072x128xf32, #tpu.memory_space<hbm>>, %arg4: memref<139264x128xf32, #tpu.memory_space<hbm>>, %arg5: memref<4096xi32, #tpu.memory_space<vmem>>, %arg6: memref<256x128xf32, #tpu.memory_space<vmem>>, %arg7: memref<256x128xf32, #tpu.memory_space<vmem>>, %arg8: memref<!tpu.dma_semaphore, #tpu.memory_space<semaphore_mem>>, %arg9: memref<!tpu.dma_semaphore, #tpu.memory_space<semaphore_mem>>) attributes {dimension_semantics = [#tpu.dimension_semantics<core_parallel>, #tpu.dimension_semantics<subcore_parallel>], iteration_bounds = array<i64: 2, 16>, scalar_prefetch = 0 : i64, scratch_operands = 5 : i64, tpu.core_type = #tpu.core_type<sc_vector_subcore>, window_params = [{transform_indices = #map}, {transform_indices = #map1}, {transform_indices = #map1}]} {
    %mul3A = arith.constant 2 : i32
    %mul3A_0 = arith.muli %arg1, %mul3A : i32
    %add3A = arith.addi %mul3A_0, %arg0 : i32
    %mul3A_1 = arith.constant 4096 : i32
    %mul3A_2 = arith.muli %add3A, %mul3A_1 : i32
    "tpu.region"() ({
      %run_scoped3A = tpu.sem_alloc : memref<!tpu.dma_semaphore, #tpu.memory_space<semaphore_mem>>
      %dma_start3A_19 = tpu.memref_slice %arg2[%mul3A_2] : memref<131072xi32, #tpu.memory_space<hbm>> -> memref<4096xi32, #tpu.memory_space<hbm>>
      %dma_start3A_20 = tpu.memref_slice %arg2[%mul3A_2] : memref<131072xi32, #tpu.memory_space<hbm>> -> memref<4096xi32, #tpu.memory_space<hbm>>
      tpu.enqueue_dma source(%dma_start3A_20 : memref<4096xi32, #tpu.memory_space<hbm>>) target(%arg5 : memref<4096xi32, #tpu.memory_space<vmem>>) target_semaphore(%run_scoped3A : memref<!tpu.dma_semaphore, #tpu.memory_space<semaphore_mem>>)
      %dma_wait3A_21 = tpu.memref_slice %arg2[%mul3A_2] : memref<131072xi32, #tpu.memory_space<hbm>> -> memref<4096xi32, #tpu.memory_space<hbm>>
      %dma_wait3A_22 = tpu.memref_slice %arg2[%mul3A_2] : memref<131072xi32, #tpu.memory_space<hbm>> -> memref<4096xi32, #tpu.memory_space<hbm>>
      tpu.wait_dma2 semaphore(%run_scoped3A : memref<!tpu.dma_semaphore, #tpu.memory_space<semaphore_mem>>) src(%dma_wait3A_22 : memref<4096xi32, #tpu.memory_space<hbm>>) dst(%arg5 : memref<4096xi32, #tpu.memory_space<vmem>>)
      tpu.yield
    }) : () -> ()
    %mul3A_3 = arith.constant 4096 : i32
    %mul3A_4 = arith.muli %add3A, %mul3A_3 : i32
    "tpu.region"() ({
      %run_scoped3A = tpu.sem_alloc : memref<!tpu.dma_semaphore, #tpu.memory_space<semaphore_mem>>
      %dma_start3A_19 = arith.constant 0 : i32
      %dma_start3A_20 = tpu.memref_slice %arg3[%mul3A_4, %dma_start3A_19] : memref<131072x128xf32, #tpu.memory_space<hbm>> -> memref<256x128xf32, #tpu.memory_space<hbm>>
      %dma_start3A_21 = arith.constant 0 : i32
      %dma_start3A_22 = tpu.memref_slice %arg3[%mul3A_4, %dma_start3A_21] : memref<131072x128xf32, #tpu.memory_space<hbm>> -> memref<256x128xf32, #tpu.memory_space<hbm>>
      tpu.enqueue_dma source(%dma_start3A_22 : memref<256x128xf32, #tpu.memory_space<hbm>>) target(%arg6 : memref<256x128xf32, #tpu.memory_space<vmem>>) target_semaphore(%run_scoped3A : memref<!tpu.dma_semaphore, #tpu.memory_space<semaphore_mem>>)
      %dma_wait3A_23 = arith.constant 0 : i32
      %dma_wait3A_24 = tpu.memref_slice %arg3[%mul3A_4, %dma_wait3A_23] : memref<131072x128xf32, #tpu.memory_space<hbm>> -> memref<256x128xf32, #tpu.memory_space<hbm>>
      %dma_wait3A_25 = arith.constant 0 : i32
      %dma_wait3A_26 = tpu.memref_slice %arg3[%mul3A_4, %dma_wait3A_25] : memref<131072x128xf32, #tpu.memory_space<hbm>> -> memref<256x128xf32, #tpu.memory_space<hbm>>
      tpu.wait_dma2 semaphore(%run_scoped3A : memref<!tpu.dma_semaphore, #tpu.memory_space<semaphore_mem>>) src(%dma_wait3A_26 : memref<256x128xf32, #tpu.memory_space<hbm>>) dst(%arg6 : memref<256x128xf32, #tpu.memory_space<vmem>>)
      tpu.yield
    }) : () -> ()
    %dma_start3A = arith.constant 0 : i32
    %dma_start3A_5 = tpu.memref_slice %arg5[%dma_start3A] : memref<4096xi32, #tpu.memory_space<vmem>> -> memref<256xi32, #tpu.memory_space<vmem>>
    %dma_start3A_6 = arith.constant 0 : i32
    %dma_start3A_7 = arith.constant 0 : i32
    %dma_start3A_8 = tpu.memref_slice %arg4[%dma_start3A_6, %dma_start3A_7] : memref<139264x128xf32, #tpu.memory_space<hbm>> -> memref<139264x128xf32, #tpu.memory_space<hbm>>
    tpu.enqueue_indirect_dma source(%arg6 : memref<256x128xf32, #tpu.memory_space<vmem>>) target(%dma_start3A_8 : memref<139264x128xf32, #tpu.memory_space<hbm>>) offsets(%dma_start3A_5 : memref<256xi32, #tpu.memory_space<vmem>>) semaphore(%arg8 : memref<!tpu.dma_semaphore, #tpu.memory_space<semaphore_mem>>)
    %scan3A = arith.constant 0 : i32
    %scan3A_9 = arith.constant 0 : i32
    %scan3A_10 = arith.constant 15 : i32
    %scan3A_11 = arith.addi %scan3A_9, %scan3A_10 : i32
    %scan3A_12 = arith.constant 1 : i32
    %scan3A_13 = scf.for %scan3A_19 = %scan3A_9 to %scan3A_11 step %scan3A_12 iter_args(%scan3A_20 = %scan3A) -> (i32)  : i32 {
      %jit3A = arith.constant 2 : i32
      %eq3A = arith.constant 0 : i32
      %eq3A_21 = arith.cmpi eq, %jit3A, %eq3A : i32
      %jit3A_22 = arith.constant 1 : i32
      %select_n3A = arith.select %eq3A_21, %jit3A_22, %jit3A : i32
      %rem3A = arith.remsi %scan3A_19, %select_n3A : i32
      %ne3A = arith.constant 0 : i32
      %ne3A_23 = arith.cmpi ne, %rem3A, %ne3A : i32
      %lt3A = arith.constant 0 : i32
      %lt3A_24 = arith.cmpi slt, %rem3A, %lt3A : i32
      %lt3A_25 = arith.constant 0 : i32
      %lt3A_26 = arith.cmpi slt, %select_n3A, %lt3A_25 : i32
      %ne3A_27 = arith.xori %lt3A_24, %lt3A_26 : i1
      %and3A = arith.andi %ne3A_27, %ne3A_23 : i1
      %add3A_28 = arith.addi %rem3A, %select_n3A : i32
      %select_n3A_29 = arith.select %and3A, %add3A_28, %rem3A : i32
      %eq3A_30 = arith.constant 0 : i32
      %eq3A_31 = arith.cmpi eq, %select_n3A_29, %eq3A_30 : i32
      %convert_element_type3A = arith.extui %eq3A_31 : i1 to i32
      %cond3A = arith.constant 0 : i32
      %cond3A_32 = arith.cmpi ne, %convert_element_type3A, %cond3A : i32
      scf.if %cond3A_32 {
        %add3A_55 = arith.constant 1 : i32
        %add3A_56 = arith.addi %scan3A_19, %add3A_55 : i32
        %mul3A_57 = arith.constant 256 : i32
        %mul3A_58 = arith.muli %add3A_56, %mul3A_57 : i32
        %add3A_59 = arith.addi %mul3A_4, %mul3A_58 : i32
        "tpu.region"() ({
          %run_scoped3A = tpu.sem_alloc : memref<!tpu.dma_semaphore, #tpu.memory_space<semaphore_mem>>
          %dma_start3A_74 = arith.constant 0 : i32
          %dma_start3A_75 = tpu.memref_slice %arg3[%add3A_59, %dma_start3A_74] : memref<131072x128xf32, #tpu.memory_space<hbm>> -> memref<256x128xf32, #tpu.memory_space<hbm>>
          %dma_start3A_76 = arith.constant 0 : i32
          %dma_start3A_77 = tpu.memref_slice %arg3[%add3A_59, %dma_start3A_76] : memref<131072x128xf32, #tpu.memory_space<hbm>> -> memref<256x128xf32, #tpu.memory_space<hbm>>
          tpu.enqueue_dma source(%dma_start3A_77 : memref<256x128xf32, #tpu.memory_space<hbm>>) target(%arg7 : memref<256x128xf32, #tpu.memory_space<vmem>>) target_semaphore(%run_scoped3A : memref<!tpu.dma_semaphore, #tpu.memory_space<semaphore_mem>>)
          %dma_wait3A_78 = arith.constant 0 : i32
          %dma_wait3A_79 = tpu.memref_slice %arg3[%add3A_59, %dma_wait3A_78] : memref<131072x128xf32, #tpu.memory_space<hbm>> -> memref<256x128xf32, #tpu.memory_space<hbm>>
          %dma_wait3A_80 = arith.constant 0 : i32
          %dma_wait3A_81 = tpu.memref_slice %arg3[%add3A_59, %dma_wait3A_80] : memref<131072x128xf32, #tpu.memory_space<hbm>> -> memref<256x128xf32, #tpu.memory_space<hbm>>
          tpu.wait_dma2 semaphore(%run_scoped3A : memref<!tpu.dma_semaphore, #tpu.memory_space<semaphore_mem>>) src(%dma_wait3A_81 : memref<256x128xf32, #tpu.memory_space<hbm>>) dst(%arg7 : memref<256x128xf32, #tpu.memory_space<vmem>>)
          tpu.yield
        }) : () -> ()
        %add3A_60 = arith.constant 1 : i32
        %add3A_61 = arith.addi %scan3A_19, %add3A_60 : i32
        %mul3A_62 = arith.constant 256 : i32
        %mul3A_63 = arith.muli %add3A_61, %mul3A_62 : i32
        %dma_start3A_64 = tpu.memref_slice %arg5[%mul3A_63] : memref<4096xi32, #tpu.memory_space<vmem>> -> memref<256xi32, #tpu.memory_space<vmem>>
        %dma_start3A_65 = arith.constant 0 : i32
        %dma_start3A_66 = arith.constant 0 : i32
        %dma_start3A_67 = tpu.memref_slice %arg4[%dma_start3A_65, %dma_start3A_66] : memref<139264x128xf32, #tpu.memory_space<hbm>> -> memref<139264x128xf32, #tpu.memory_space<hbm>>
        tpu.enqueue_indirect_dma source(%arg7 : memref<256x128xf32, #tpu.memory_space<vmem>>) target(%dma_start3A_67 : memref<139264x128xf32, #tpu.memory_space<hbm>>) offsets(%dma_start3A_64 : memref<256xi32, #tpu.memory_space<vmem>>) semaphore(%arg9 : memref<!tpu.dma_semaphore, #tpu.memory_space<semaphore_mem>>)
        %mul3A_68 = arith.constant 256 : i32
        %mul3A_69 = arith.muli %scan3A_19, %mul3A_68 : i32
        %dma_wait3A_70 = tpu.memref_slice %arg5[%mul3A_69] : memref<4096xi32, #tpu.memory_space<vmem>> -> memref<256xi32, #tpu.memory_space<vmem>>
        %dma_wait3A_71 = arith.constant 0 : i32
        %dma_wait3A_72 = arith.constant 0 : i32
        %dma_wait3A_73 = tpu.memref_slice %arg4[%dma_wait3A_71, %dma_wait3A_72] : memref<139264x128xf32, #tpu.memory_space<hbm>> -> memref<139264x128xf32, #tpu.memory_space<hbm>>
        tpu.wait_indirect_dma semaphore(%arg8 : memref<!tpu.dma_semaphore, #tpu.memory_space<semaphore_mem>>) src(%arg6 : memref<256x128xf32, #tpu.memory_space<vmem>>) dst(%dma_wait3A_73 : memref<139264x128xf32, #tpu.memory_space<hbm>>)
      } else {
      }
      %jit3A_33 = arith.constant 2 : i32
      %eq3A_34 = arith.constant 0 : i32
      %eq3A_35 = arith.cmpi eq, %jit3A_33, %eq3A_34 : i32
      %jit3A_36 = arith.constant 1 : i32
      %select_n3A_37 = arith.select %eq3A_35, %jit3A_36, %jit3A_33 : i32
      %rem3A_38 = arith.remsi %scan3A_19, %select_n3A_37 : i32
      %ne3A_39 = arith.constant 0 : i32
      %ne3A_40 = arith.cmpi ne, %rem3A_38, %ne3A_39 : i32
      %lt3A_41 = arith.constant 0 : i32
      %lt3A_42 = arith.cmpi slt, %rem3A_38, %lt3A_41 : i32
      %lt3A_43 = arith.constant 0 : i32
      %lt3A_44 = arith.cmpi slt, %select_n3A_37, %lt3A_43 : i32
      %ne3A_45 = arith.xori %lt3A_42, %lt3A_44 : i1
      %and3A_46 = arith.andi %ne3A_45, %ne3A_40 : i1
      %add3A_47 = arith.addi %rem3A_38, %select_n3A_37 : i32
      %select_n3A_48 = arith.select %and3A_46, %add3A_47, %rem3A_38 : i32
      %eq3A_49 = arith.constant 1 : i32
      %eq3A_50 = arith.cmpi eq, %select_n3A_48, %eq3A_49 : i32
      %convert_element_type3A_51 = arith.extui %eq3A_50 : i1 to i32
      %cond3A_52 = arith.constant 0 : i32
      %cond3A_53 = arith.cmpi ne, %convert_element_type3A_51, %cond3A_52 : i32
      scf.if %cond3A_53 {
        %add3A_55 = arith.constant 1 : i32
        %add3A_56 = arith.addi %scan3A_19, %add3A_55 : i32
        %mul3A_57 = arith.constant 256 : i32
        %mul3A_58 = arith.muli %add3A_56, %mul3A_57 : i32
        %add3A_59 = arith.addi %mul3A_4, %mul3A_58 : i32
        "tpu.region"() ({
          %run_scoped3A = tpu.sem_alloc : memref<!tpu.dma_semaphore, #tpu.memory_space<semaphore_mem>>
          %dma_start3A_74 = arith.constant 0 : i32
          %dma_start3A_75 = tpu.memref_slice %arg3[%add3A_59, %dma_start3A_74] : memref<131072x128xf32, #tpu.memory_space<hbm>> -> memref<256x128xf32, #tpu.memory_space<hbm>>
          %dma_start3A_76 = arith.constant 0 : i32
          %dma_start3A_77 = tpu.memref_slice %arg3[%add3A_59, %dma_start3A_76] : memref<131072x128xf32, #tpu.memory_space<hbm>> -> memref<256x128xf32, #tpu.memory_space<hbm>>
          tpu.enqueue_dma source(%dma_start3A_77 : memref<256x128xf32, #tpu.memory_space<hbm>>) target(%arg6 : memref<256x128xf32, #tpu.memory_space<vmem>>) target_semaphore(%run_scoped3A : memref<!tpu.dma_semaphore, #tpu.memory_space<semaphore_mem>>)
          %dma_wait3A_78 = arith.constant 0 : i32
          %dma_wait3A_79 = tpu.memref_slice %arg3[%add3A_59, %dma_wait3A_78] : memref<131072x128xf32, #tpu.memory_space<hbm>> -> memref<256x128xf32, #tpu.memory_space<hbm>>
          %dma_wait3A_80 = arith.constant 0 : i32
          %dma_wait3A_81 = tpu.memref_slice %arg3[%add3A_59, %dma_wait3A_80] : memref<131072x128xf32, #tpu.memory_space<hbm>> -> memref<256x128xf32, #tpu.memory_space<hbm>>
          tpu.wait_dma2 semaphore(%run_scoped3A : memref<!tpu.dma_semaphore, #tpu.memory_space<semaphore_mem>>) src(%dma_wait3A_81 : memref<256x128xf32, #tpu.memory_space<hbm>>) dst(%arg6 : memref<256x128xf32, #tpu.memory_space<vmem>>)
          tpu.yield
        }) : () -> ()
        %add3A_60 = arith.constant 1 : i32
        %add3A_61 = arith.addi %scan3A_19, %add3A_60 : i32
        %mul3A_62 = arith.constant 256 : i32
        %mul3A_63 = arith.muli %add3A_61, %mul3A_62 : i32
        %dma_start3A_64 = tpu.memref_slice %arg5[%mul3A_63] : memref<4096xi32, #tpu.memory_space<vmem>> -> memref<256xi32, #tpu.memory_space<vmem>>
        %dma_start3A_65 = arith.constant 0 : i32
        %dma_start3A_66 = arith.constant 0 : i32
        %dma_start3A_67 = tpu.memref_slice %arg4[%dma_start3A_65, %dma_start3A_66] : memref<139264x128xf32, #tpu.memory_space<hbm>> -> memref<139264x128xf32, #tpu.memory_space<hbm>>
        tpu.enqueue_indirect_dma source(%arg6 : memref<256x128xf32, #tpu.memory_space<vmem>>) target(%dma_start3A_67 : memref<139264x128xf32, #tpu.memory_space<hbm>>) offsets(%dma_start3A_64 : memref<256xi32, #tpu.memory_space<vmem>>) semaphore(%arg8 : memref<!tpu.dma_semaphore, #tpu.memory_space<semaphore_mem>>)
        %mul3A_68 = arith.constant 256 : i32
        %mul3A_69 = arith.muli %scan3A_19, %mul3A_68 : i32
        %dma_wait3A_70 = tpu.memref_slice %arg5[%mul3A_69] : memref<4096xi32, #tpu.memory_space<vmem>> -> memref<256xi32, #tpu.memory_space<vmem>>
        %dma_wait3A_71 = arith.constant 0 : i32
        %dma_wait3A_72 = arith.constant 0 : i32
        %dma_wait3A_73 = tpu.memref_slice %arg4[%dma_wait3A_71, %dma_wait3A_72] : memref<139264x128xf32, #tpu.memory_space<hbm>> -> memref<139264x128xf32, #tpu.memory_space<hbm>>
        tpu.wait_indirect_dma semaphore(%arg9 : memref<!tpu.dma_semaphore, #tpu.memory_space<semaphore_mem>>) src(%arg7 : memref<256x128xf32, #tpu.memory_space<vmem>>) dst(%dma_wait3A_73 : memref<139264x128xf32, #tpu.memory_space<hbm>>)
      } else {
      }
      %scan3A_54 = arith.constant 0 : i32
      scf.yield %scan3A_54 : i32
    }
    %scan3A_14 = arith.constant 15 : i32
    %dma_wait3A = arith.constant 3840 : i32
    %dma_wait3A_15 = tpu.memref_slice %arg5[%dma_wait3A] : memref<4096xi32, #tpu.memory_space<vmem>> -> memref<256xi32, #tpu.memory_space<vmem>>
    %dma_wait3A_16 = arith.constant 0 : i32
    %dma_wait3A_17 = arith.constant 0 : i32
    %dma_wait3A_18 = tpu.memref_slice %arg4[%dma_wait3A_16, %dma_wait3A_17] : memref<139264x128xf32, #tpu.memory_space<hbm>> -> memref<139264x128xf32, #tpu.memory_space<hbm>>
    tpu.wait_indirect_dma semaphore(%arg9 : memref<!tpu.dma_semaphore, #tpu.memory_space<semaphore_mem>>) src(%arg7 : memref<256x128xf32, #tpu.memory_space<vmem>>) dst(%dma_wait3A_18 : memref<139264x128xf32, #tpu.memory_space<hbm>>)
    return
  }
}

#map = affine_map<(d0, d1) -> (0)>
#map1 = affine_map<(d0, d1) -> (0, 0)>
module attributes {stable_mosaic.version = 14 : i64} {
  func.func @_pos_body(%arg0: i32, %arg1: i32, %arg2: memref<131072xi32, #tpu.memory_space<hbm>>, %arg3: memref<32x16xi32, #tpu.memory_space<hbm>>, %arg4: memref<131072xi32, #tpu.memory_space<hbm>>, %arg5: memref<272xi32, #tpu.memory_space<hbm>>, %arg6: memref<4096xi32, #tpu.memory_space<vmem>>, %arg7: memref<32x16xi32, #tpu.memory_space<vmem>>, %arg8: memref<16xi32, #tpu.memory_space<vmem>>, %arg9: memref<16xi32, #tpu.memory_space<vmem>>, %arg10: memref<16xi32, #tpu.memory_space<vmem>>, %arg11: memref<16xi32, #tpu.memory_space<vmem>>, %arg12: memref<4096xi32, #tpu.memory_space<vmem>>, %arg13: memref<272xi32, #tpu.memory_space<vmem>>) attributes {dimension_semantics = [#tpu.dimension_semantics<core_parallel>, #tpu.dimension_semantics<subcore_parallel>], iteration_bounds = array<i64: 2, 16>, scalar_prefetch = 0 : i64, scratch_operands = 8 : i64, tpu.core_type = #tpu.core_type<sc_vector_subcore>, window_params = [{transform_indices = #map}, {transform_indices = #map1}, {transform_indices = #map}, {transform_indices = #map}]} {
    %mul3A = arith.constant 2 : i32
    %mul3A_0 = arith.muli %arg1, %mul3A : i32
    %add3A = arith.addi %mul3A_0, %arg0 : i32
    %iota3A = tpu.iota {dimensions = array<i32: 0>} : vector<16xi32>
    %broadcast_in_dim3A = arith.constant 1 : i32
    %broadcast_in_dim3A_1 = vector.broadcast %broadcast_in_dim3A : i32 to vector<16xi32>
    %broadcast_in_dim3A_2 = arith.constant 0 : i32
    %broadcast_in_dim3A_3 = vector.broadcast %broadcast_in_dim3A_2 : i32 to vector<16xi32>
    %mul3A_4 = arith.constant 4096 : i32
    %mul3A_5 = arith.muli %add3A, %mul3A_4 : i32
    "tpu.region"() ({
      %run_scoped3A = tpu.sem_alloc : memref<!tpu.dma_semaphore, #tpu.memory_space<semaphore_mem>>
      %dma_start3A = tpu.memref_slice %arg2[%mul3A_5] : memref<131072xi32, #tpu.memory_space<hbm>> -> memref<4096xi32, #tpu.memory_space<hbm>>
      %dma_start3A_312 = tpu.memref_slice %arg2[%mul3A_5] : memref<131072xi32, #tpu.memory_space<hbm>> -> memref<4096xi32, #tpu.memory_space<hbm>>
      tpu.enqueue_dma source(%dma_start3A_312 : memref<4096xi32, #tpu.memory_space<hbm>>) target(%arg6 : memref<4096xi32, #tpu.memory_space<vmem>>) target_semaphore(%run_scoped3A : memref<!tpu.dma_semaphore, #tpu.memory_space<semaphore_mem>>)
      %dma_wait3A = tpu.memref_slice %arg2[%mul3A_5] : memref<131072xi32, #tpu.memory_space<hbm>> -> memref<4096xi32, #tpu.memory_space<hbm>>
      %dma_wait3A_313 = tpu.memref_slice %arg2[%mul3A_5] : memref<131072xi32, #tpu.memory_space<hbm>> -> memref<4096xi32, #tpu.memory_space<hbm>>
      tpu.wait_dma2 semaphore(%run_scoped3A : memref<!tpu.dma_semaphore, #tpu.memory_space<semaphore_mem>>) src(%dma_wait3A_313 : memref<4096xi32, #tpu.memory_space<hbm>>) dst(%arg6 : memref<4096xi32, #tpu.memory_space<vmem>>)
      tpu.yield
    }) : () -> ()
    "tpu.region"() ({
      %run_scoped3A = tpu.sem_alloc : memref<!tpu.dma_semaphore, #tpu.memory_space<semaphore_mem>>
      tpu.enqueue_dma source(%arg3 : memref<32x16xi32, #tpu.memory_space<hbm>>) target(%arg7 : memref<32x16xi32, #tpu.memory_space<vmem>>) target_semaphore(%run_scoped3A : memref<!tpu.dma_semaphore, #tpu.memory_space<semaphore_mem>>)
      tpu.wait_dma2 semaphore(%run_scoped3A : memref<!tpu.dma_semaphore, #tpu.memory_space<semaphore_mem>>) src(%arg3 : memref<32x16xi32, #tpu.memory_space<hbm>>) dst(%arg7 : memref<32x16xi32, #tpu.memory_space<vmem>>)
      tpu.yield
    }) : () -> ()
    %get3A = arith.constant 0 : i32
    %get3A_6 = arith.index_cast %get3A : i32 to index
    %get3A_7 = arith.constant 0 : index
    %get3A_8 = tpu.vector_load %arg7[%get3A_6, %get3A_7] {strides = array<i32>} : memref<32x16xi32, #tpu.memory_space<vmem>>, vector<16xi32>,
    %add3A_9 = arith.addi %broadcast_in_dim3A_3, %get3A_8 : vector<16xi32>
    %gt3A = arith.constant 0 : i32
    %gt3A_10 = arith.cmpi sgt, %add3A, %gt3A : i32
    %select_n3A = arith.select %gt3A_10, %get3A_8, %broadcast_in_dim3A_3 : vector<16xi32>
    %add3A_11 = arith.addi %broadcast_in_dim3A_3, %select_n3A : vector<16xi32>
    %get3A_12 = arith.constant 1 : i32
    %get3A_13 = arith.index_cast %get3A_12 : i32 to index
    %get3A_14 = arith.constant 0 : index
    %get3A_15 = tpu.vector_load %arg7[%get3A_13, %get3A_14] {strides = array<i32>} : memref<32x16xi32, #tpu.memory_space<vmem>>, vector<16xi32>,
    %add3A_16 = arith.addi %add3A_9, %get3A_15 : vector<16xi32>
    %gt3A_17 = arith.constant 1 : i32
    %gt3A_18 = arith.cmpi sgt, %add3A, %gt3A_17 : i32
    %select_n3A_19 = arith.select %gt3A_18, %get3A_15, %broadcast_in_dim3A_3 : vector<16xi32>
    %add3A_20 = arith.addi %add3A_11, %select_n3A_19 : vector<16xi32>
    %get3A_21 = arith.constant 2 : i32
    %get3A_22 = arith.index_cast %get3A_21 : i32 to index
    %get3A_23 = arith.constant 0 : index
    %get3A_24 = tpu.vector_load %arg7[%get3A_22, %get3A_23] {strides = array<i32>} : memref<32x16xi32, #tpu.memory_space<vmem>>, vector<16xi32>,
    %add3A_25 = arith.addi %add3A_16, %get3A_24 : vector<16xi32>
    %gt3A_26 = arith.constant 2 : i32
    %gt3A_27 = arith.cmpi sgt, %add3A, %gt3A_26 : i32
    %select_n3A_28 = arith.select %gt3A_27, %get3A_24, %broadcast_in_dim3A_3 : vector<16xi32>
    %add3A_29 = arith.addi %add3A_20, %select_n3A_28 : vector<16xi32>
    %get3A_30 = arith.constant 3 : i32
    %get3A_31 = arith.index_cast %get3A_30 : i32 to index
    %get3A_32 = arith.constant 0 : index
    %get3A_33 = tpu.vector_load %arg7[%get3A_31, %get3A_32] {strides = array<i32>} : memref<32x16xi32, #tpu.memory_space<vmem>>, vector<16xi32>,
    %add3A_34 = arith.addi %add3A_25, %get3A_33 : vector<16xi32>
    %gt3A_35 = arith.constant 3 : i32
    %gt3A_36 = arith.cmpi sgt, %add3A, %gt3A_35 : i32
    %select_n3A_37 = arith.select %gt3A_36, %get3A_33, %broadcast_in_dim3A_3 : vector<16xi32>
    %add3A_38 = arith.addi %add3A_29, %select_n3A_37 : vector<16xi32>
    %get3A_39 = arith.constant 4 : i32
    %get3A_40 = arith.index_cast %get3A_39 : i32 to index
    %get3A_41 = arith.constant 0 : index
    %get3A_42 = tpu.vector_load %arg7[%get3A_40, %get3A_41] {strides = array<i32>} : memref<32x16xi32, #tpu.memory_space<vmem>>, vector<16xi32>,
    %add3A_43 = arith.addi %add3A_34, %get3A_42 : vector<16xi32>
    %gt3A_44 = arith.constant 4 : i32
    %gt3A_45 = arith.cmpi sgt, %add3A, %gt3A_44 : i32
    %select_n3A_46 = arith.select %gt3A_45, %get3A_42, %broadcast_in_dim3A_3 : vector<16xi32>
    %add3A_47 = arith.addi %add3A_38, %select_n3A_46 : vector<16xi32>
    %get3A_48 = arith.constant 5 : i32
    %get3A_49 = arith.index_cast %get3A_48 : i32 to index
    %get3A_50 = arith.constant 0 : index
    %get3A_51 = tpu.vector_load %arg7[%get3A_49, %get3A_50] {strides = array<i32>} : memref<32x16xi32, #tpu.memory_space<vmem>>, vector<16xi32>,
    %add3A_52 = arith.addi %add3A_43, %get3A_51 : vector<16xi32>
    %gt3A_53 = arith.constant 5 : i32
    %gt3A_54 = arith.cmpi sgt, %add3A, %gt3A_53 : i32
    %select_n3A_55 = arith.select %gt3A_54, %get3A_51, %broadcast_in_dim3A_3 : vector<16xi32>
    %add3A_56 = arith.addi %add3A_47, %select_n3A_55 : vector<16xi32>
    %get3A_57 = arith.constant 6 : i32
    %get3A_58 = arith.index_cast %get3A_57 : i32 to index
    %get3A_59 = arith.constant 0 : index
    %get3A_60 = tpu.vector_load %arg7[%get3A_58, %get3A_59] {strides = array<i32>} : memref<32x16xi32, #tpu.memory_space<vmem>>, vector<16xi32>,
    %add3A_61 = arith.addi %add3A_52, %get3A_60 : vector<16xi32>
    %gt3A_62 = arith.constant 6 : i32
    %gt3A_63 = arith.cmpi sgt, %add3A, %gt3A_62 : i32
    %select_n3A_64 = arith.select %gt3A_63, %get3A_60, %broadcast_in_dim3A_3 : vector<16xi32>
    %add3A_65 = arith.addi %add3A_56, %select_n3A_64 : vector<16xi32>
    %get3A_66 = arith.constant 7 : i32
    %get3A_67 = arith.index_cast %get3A_66 : i32 to index
    %get3A_68 = arith.constant 0 : index
    %get3A_69 = tpu.vector_load %arg7[%get3A_67, %get3A_68] {strides = array<i32>} : memref<32x16xi32, #tpu.memory_space<vmem>>, vector<16xi32>,
    %add3A_70 = arith.addi %add3A_61, %get3A_69 : vector<16xi32>
    %gt3A_71 = arith.constant 7 : i32
    %gt3A_72 = arith.cmpi sgt, %add3A, %gt3A_71 : i32
    %select_n3A_73 = arith.select %gt3A_72, %get3A_69, %broadcast_in_dim3A_3 : vector<16xi32>
    %add3A_74 = arith.addi %add3A_65, %select_n3A_73 : vector<16xi32>
    %get3A_75 = arith.constant 8 : i32
    %get3A_76 = arith.index_cast %get3A_75 : i32 to index
    %get3A_77 = arith.constant 0 : index
    %get3A_78 = tpu.vector_load %arg7[%get3A_76, %get3A_77] {strides = array<i32>} : memref<32x16xi32, #tpu.memory_space<vmem>>, vector<16xi32>,
    %add3A_79 = arith.addi %add3A_70, %get3A_78 : vector<16xi32>
    %gt3A_80 = arith.constant 8 : i32
    %gt3A_81 = arith.cmpi sgt, %add3A, %gt3A_80 : i32
    %select_n3A_82 = arith.select %gt3A_81, %get3A_78, %broadcast_in_dim3A_3 : vector<16xi32>
    %add3A_83 = arith.addi %add3A_74, %select_n3A_82 : vector<16xi32>
    %get3A_84 = arith.constant 9 : i32
    %get3A_85 = arith.index_cast %get3A_84 : i32 to index
    %get3A_86 = arith.constant 0 : index
    %get3A_87 = tpu.vector_load %arg7[%get3A_85, %get3A_86] {strides = array<i32>} : memref<32x16xi32, #tpu.memory_space<vmem>>, vector<16xi32>,
    %add3A_88 = arith.addi %add3A_79, %get3A_87 : vector<16xi32>
    %gt3A_89 = arith.constant 9 : i32
    %gt3A_90 = arith.cmpi sgt, %add3A, %gt3A_89 : i32
    %select_n3A_91 = arith.select %gt3A_90, %get3A_87, %broadcast_in_dim3A_3 : vector<16xi32>
    %add3A_92 = arith.addi %add3A_83, %select_n3A_91 : vector<16xi32>
    %get3A_93 = arith.constant 10 : i32
    %get3A_94 = arith.index_cast %get3A_93 : i32 to index
    %get3A_95 = arith.constant 0 : index
    %get3A_96 = tpu.vector_load %arg7[%get3A_94, %get3A_95] {strides = array<i32>} : memref<32x16xi32, #tpu.memory_space<vmem>>, vector<16xi32>,
    %add3A_97 = arith.addi %add3A_88, %get3A_96 : vector<16xi32>
    %gt3A_98 = arith.constant 10 : i32
    %gt3A_99 = arith.cmpi sgt, %add3A, %gt3A_98 : i32
    %select_n3A_100 = arith.select %gt3A_99, %get3A_96, %broadcast_in_dim3A_3 : vector<16xi32>
    %add3A_101 = arith.addi %add3A_92, %select_n3A_100 : vector<16xi32>
    %get3A_102 = arith.constant 11 : i32
    %get3A_103 = arith.index_cast %get3A_102 : i32 to index
    %get3A_104 = arith.constant 0 : index
    %get3A_105 = tpu.vector_load %arg7[%get3A_103, %get3A_104] {strides = array<i32>} : memref<32x16xi32, #tpu.memory_space<vmem>>, vector<16xi32>,
    %add3A_106 = arith.addi %add3A_97, %get3A_105 : vector<16xi32>
    %gt3A_107 = arith.constant 11 : i32
    %gt3A_108 = arith.cmpi sgt, %add3A, %gt3A_107 : i32
    %select_n3A_109 = arith.select %gt3A_108, %get3A_105, %broadcast_in_dim3A_3 : vector<16xi32>
    %add3A_110 = arith.addi %add3A_101, %select_n3A_109 : vector<16xi32>
    %get3A_111 = arith.constant 12 : i32
    %get3A_112 = arith.index_cast %get3A_111 : i32 to index
    %get3A_113 = arith.constant 0 : index
    %get3A_114 = tpu.vector_load %arg7[%get3A_112, %get3A_113] {strides = array<i32>} : memref<32x16xi32, #tpu.memory_space<vmem>>, vector<16xi32>,
    %add3A_115 = arith.addi %add3A_106, %get3A_114 : vector<16xi32>
    %gt3A_116 = arith.constant 12 : i32
    %gt3A_117 = arith.cmpi sgt, %add3A, %gt3A_116 : i32
    %select_n3A_118 = arith.select %gt3A_117, %get3A_114, %broadcast_in_dim3A_3 : vector<16xi32>
    %add3A_119 = arith.addi %add3A_110, %select_n3A_118 : vector<16xi32>
    %get3A_120 = arith.constant 13 : i32
    %get3A_121 = arith.index_cast %get3A_120 : i32 to index
    %get3A_122 = arith.constant 0 : index
    %get3A_123 = tpu.vector_load %arg7[%get3A_121, %get3A_122] {strides = array<i32>} : memref<32x16xi32, #tpu.memory_space<vmem>>, vector<16xi32>,
    %add3A_124 = arith.addi %add3A_115, %get3A_123 : vector<16xi32>
    %gt3A_125 = arith.constant 13 : i32
    %gt3A_126 = arith.cmpi sgt, %add3A, %gt3A_125 : i32
    %select_n3A_127 = arith.select %gt3A_126, %get3A_123, %broadcast_in_dim3A_3 : vector<16xi32>
    %add3A_128 = arith.addi %add3A_119, %select_n3A_127 : vector<16xi32>
    %get3A_129 = arith.constant 14 : i32
    %get3A_130 = arith.index_cast %get3A_129 : i32 to index
    %get3A_131 = arith.constant 0 : index
    %get3A_132 = tpu.vector_load %arg7[%get3A_130, %get3A_131] {strides = array<i32>} : memref<32x16xi32, #tpu.memory_space<vmem>>, vector<16xi32>,
    %add3A_133 = arith.addi %add3A_124, %get3A_132 : vector<16xi32>
    %gt3A_134 = arith.constant 14 : i32
    %gt3A_135 = arith.cmpi sgt, %add3A, %gt3A_134 : i32
    %select_n3A_136 = arith.select %gt3A_135, %get3A_132, %broadcast_in_dim3A_3 : vector<16xi32>
    %add3A_137 = arith.addi %add3A_128, %select_n3A_136 : vector<16xi32>
    %get3A_138 = arith.constant 15 : i32
    %get3A_139 = arith.index_cast %get3A_138 : i32 to index
    %get3A_140 = arith.constant 0 : index
    %get3A_141 = tpu.vector_load %arg7[%get3A_139, %get3A_140] {strides = array<i32>} : memref<32x16xi32, #tpu.memory_space<vmem>>, vector<16xi32>,
    %add3A_142 = arith.addi %add3A_133, %get3A_141 : vector<16xi32>
    %gt3A_143 = arith.constant 15 : i32
    %gt3A_144 = arith.cmpi sgt, %add3A, %gt3A_143 : i32
    %select_n3A_145 = arith.select %gt3A_144, %get3A_141, %broadcast_in_dim3A_3 : vector<16xi32>
    %add3A_146 = arith.addi %add3A_137, %select_n3A_145 : vector<16xi32>
    %get3A_147 = arith.constant 16 : i32
    %get3A_148 = arith.index_cast %get3A_147 : i32 to index
    %get3A_149 = arith.constant 0 : index
    %get3A_150 = tpu.vector_load %arg7[%get3A_148, %get3A_149] {strides = array<i32>} : memref<32x16xi32, #tpu.memory_space<vmem>>, vector<16xi32>,
    %add3A_151 = arith.addi %add3A_142, %get3A_150 : vector<16xi32>
    %gt3A_152 = arith.constant 16 : i32
    %gt3A_153 = arith.cmpi sgt, %add3A, %gt3A_152 : i32
    %select_n3A_154 = arith.select %gt3A_153, %get3A_150, %broadcast_in_dim3A_3 : vector<16xi32>
    %add3A_155 = arith.addi %add3A_146, %select_n3A_154 : vector<16xi32>
    %get3A_156 = arith.constant 17 : i32
    %get3A_157 = arith.index_cast %get3A_156 : i32 to index
    %get3A_158 = arith.constant 0 : index
    %get3A_159 = tpu.vector_load %arg7[%get3A_157, %get3A_158] {strides = array<i32>} : memref<32x16xi32, #tpu.memory_space<vmem>>, vector<16xi32>,
    %add3A_160 = arith.addi %add3A_151, %get3A_159 : vector<16xi32>
    %gt3A_161 = arith.constant 17 : i32
    %gt3A_162 = arith.cmpi sgt, %add3A, %gt3A_161 : i32
    %select_n3A_163 = arith.select %gt3A_162, %get3A_159, %broadcast_in_dim3A_3 : vector<16xi32>
    %add3A_164 = arith.addi %add3A_155, %select_n3A_163 : vector<16xi32>
    %get3A_165 = arith.constant 18 : i32
    %get3A_166 = arith.index_cast %get3A_165 : i32 to index
    %get3A_167 = arith.constant 0 : index
    %get3A_168 = tpu.vector_load %arg7[%get3A_166, %get3A_167] {strides = array<i32>} : memref<32x16xi32, #tpu.memory_space<vmem>>, vector<16xi32>,
    %add3A_169 = arith.addi %add3A_160, %get3A_168 : vector<16xi32>
    %gt3A_170 = arith.constant 18 : i32
    %gt3A_171 = arith.cmpi sgt, %add3A, %gt3A_170 : i32
    %select_n3A_172 = arith.select %gt3A_171, %get3A_168, %broadcast_in_dim3A_3 : vector<16xi32>
    %add3A_173 = arith.addi %add3A_164, %select_n3A_172 : vector<16xi32>
    %get3A_174 = arith.constant 19 : i32
    %get3A_175 = arith.index_cast %get3A_174 : i32 to index
    %get3A_176 = arith.constant 0 : index
    %get3A_177 = tpu.vector_load %arg7[%get3A_175, %get3A_176] {strides = array<i32>} : memref<32x16xi32, #tpu.memory_space<vmem>>, vector<16xi32>,
    %add3A_178 = arith.addi %add3A_169, %get3A_177 : vector<16xi32>
    %gt3A_179 = arith.constant 19 : i32
    %gt3A_180 = arith.cmpi sgt, %add3A, %gt3A_179 : i32
    %select_n3A_181 = arith.select %gt3A_180, %get3A_177, %broadcast_in_dim3A_3 : vector<16xi32>
    %add3A_182 = arith.addi %add3A_173, %select_n3A_181 : vector<16xi32>
    %get3A_183 = arith.constant 20 : i32
    %get3A_184 = arith.index_cast %get3A_183 : i32 to index
    %get3A_185 = arith.constant 0 : index
    %get3A_186 = tpu.vector_load %arg7[%get3A_184, %get3A_185] {strides = array<i32>} : memref<32x16xi32, #tpu.memory_space<vmem>>, vector<16xi32>,
    %add3A_187 = arith.addi %add3A_178, %get3A_186 : vector<16xi32>
    %gt3A_188 = arith.constant 20 : i32
    %gt3A_189 = arith.cmpi sgt, %add3A, %gt3A_188 : i32
    %select_n3A_190 = arith.select %gt3A_189, %get3A_186, %broadcast_in_dim3A_3 : vector<16xi32>
    %add3A_191 = arith.addi %add3A_182, %select_n3A_190 : vector<16xi32>
    %get3A_192 = arith.constant 21 : i32
    %get3A_193 = arith.index_cast %get3A_192 : i32 to index
    %get3A_194 = arith.constant 0 : index
    %get3A_195 = tpu.vector_load %arg7[%get3A_193, %get3A_194] {strides = array<i32>} : memref<32x16xi32, #tpu.memory_space<vmem>>, vector<16xi32>,
    %add3A_196 = arith.addi %add3A_187, %get3A_195 : vector<16xi32>
    %gt3A_197 = arith.constant 21 : i32
    %gt3A_198 = arith.cmpi sgt, %add3A, %gt3A_197 : i32
    %select_n3A_199 = arith.select %gt3A_198, %get3A_195, %broadcast_in_dim3A_3 : vector<16xi32>
    %add3A_200 = arith.addi %add3A_191, %select_n3A_199 : vector<16xi32>
    %get3A_201 = arith.constant 22 : i32
    %get3A_202 = arith.index_cast %get3A_201 : i32 to index
    %get3A_203 = arith.constant 0 : index
    %get3A_204 = tpu.vector_load %arg7[%get3A_202, %get3A_203] {strides = array<i32>} : memref<32x16xi32, #tpu.memory_space<vmem>>, vector<16xi32>,
    %add3A_205 = arith.addi %add3A_196, %get3A_204 : vector<16xi32>
    %gt3A_206 = arith.constant 22 : i32
    %gt3A_207 = arith.cmpi sgt, %add3A, %gt3A_206 : i32
    %select_n3A_208 = arith.select %gt3A_207, %get3A_204, %broadcast_in_dim3A_3 : vector<16xi32>
    %add3A_209 = arith.addi %add3A_200, %select_n3A_208 : vector<16xi32>
    %get3A_210 = arith.constant 23 : i32
    %get3A_211 = arith.index_cast %get3A_210 : i32 to index
    %get3A_212 = arith.constant 0 : index
    %get3A_213 = tpu.vector_load %arg7[%get3A_211, %get3A_212] {strides = array<i32>} : memref<32x16xi32, #tpu.memory_space<vmem>>, vector<16xi32>,
    %add3A_214 = arith.addi %add3A_205, %get3A_213 : vector<16xi32>
    %gt3A_215 = arith.constant 23 : i32
    %gt3A_216 = arith.cmpi sgt, %add3A, %gt3A_215 : i32
    %select_n3A_217 = arith.select %gt3A_216, %get3A_213, %broadcast_in_dim3A_3 : vector<16xi32>
    %add3A_218 = arith.addi %add3A_209, %select_n3A_217 : vector<16xi32>
    %get3A_219 = arith.constant 24 : i32
    %get3A_220 = arith.index_cast %get3A_219 : i32 to index
    %get3A_221 = arith.constant 0 : index
    %get3A_222 = tpu.vector_load %arg7[%get3A_220, %get3A_221] {strides = array<i32>} : memref<32x16xi32, #tpu.memory_space<vmem>>, vector<16xi32>,
    %add3A_223 = arith.addi %add3A_214, %get3A_222 : vector<16xi32>
    %gt3A_224 = arith.constant 24 : i32
    %gt3A_225 = arith.cmpi sgt, %add3A, %gt3A_224 : i32
    %select_n3A_226 = arith.select %gt3A_225, %get3A_222, %broadcast_in_dim3A_3 : vector<16xi32>
    %add3A_227 = arith.addi %add3A_218, %select_n3A_226 : vector<16xi32>
    %get3A_228 = arith.constant 25 : i32
    %get3A_229 = arith.index_cast %get3A_228 : i32 to index
    %get3A_230 = arith.constant 0 : index
    %get3A_231 = tpu.vector_load %arg7[%get3A_229, %get3A_230] {strides = array<i32>} : memref<32x16xi32, #tpu.memory_space<vmem>>, vector<16xi32>,
    %add3A_232 = arith.addi %add3A_223, %get3A_231 : vector<16xi32>
    %gt3A_233 = arith.constant 25 : i32
    %gt3A_234 = arith.cmpi sgt, %add3A, %gt3A_233 : i32
    %select_n3A_235 = arith.select %gt3A_234, %get3A_231, %broadcast_in_dim3A_3 : vector<16xi32>
    %add3A_236 = arith.addi %add3A_227, %select_n3A_235 : vector<16xi32>
    %get3A_237 = arith.constant 26 : i32
    %get3A_238 = arith.index_cast %get3A_237 : i32 to index
    %get3A_239 = arith.constant 0 : index
    %get3A_240 = tpu.vector_load %arg7[%get3A_238, %get3A_239] {strides = array<i32>} : memref<32x16xi32, #tpu.memory_space<vmem>>, vector<16xi32>,
    %add3A_241 = arith.addi %add3A_232, %get3A_240 : vector<16xi32>
    %gt3A_242 = arith.constant 26 : i32
    %gt3A_243 = arith.cmpi sgt, %add3A, %gt3A_242 : i32
    %select_n3A_244 = arith.select %gt3A_243, %get3A_240, %broadcast_in_dim3A_3 : vector<16xi32>
    %add3A_245 = arith.addi %add3A_236, %select_n3A_244 : vector<16xi32>
    %get3A_246 = arith.constant 27 : i32
    %get3A_247 = arith.index_cast %get3A_246 : i32 to index
    %get3A_248 = arith.constant 0 : index
    %get3A_249 = tpu.vector_load %arg7[%get3A_247, %get3A_248] {strides = array<i32>} : memref<32x16xi32, #tpu.memory_space<vmem>>, vector<16xi32>,
    %add3A_250 = arith.addi %add3A_241, %get3A_249 : vector<16xi32>
    %gt3A_251 = arith.constant 27 : i32
    %gt3A_252 = arith.cmpi sgt, %add3A, %gt3A_251 : i32
    %select_n3A_253 = arith.select %gt3A_252, %get3A_249, %broadcast_in_dim3A_3 : vector<16xi32>
    %add3A_254 = arith.addi %add3A_245, %select_n3A_253 : vector<16xi32>
    %get3A_255 = arith.constant 28 : i32
    %get3A_256 = arith.index_cast %get3A_255 : i32 to index
    %get3A_257 = arith.constant 0 : index
    %get3A_258 = tpu.vector_load %arg7[%get3A_256, %get3A_257] {strides = array<i32>} : memref<32x16xi32, #tpu.memory_space<vmem>>, vector<16xi32>,
    %add3A_259 = arith.addi %add3A_250, %get3A_258 : vector<16xi32>
    %gt3A_260 = arith.constant 28 : i32
    %gt3A_261 = arith.cmpi sgt, %add3A, %gt3A_260 : i32
    %select_n3A_262 = arith.select %gt3A_261, %get3A_258, %broadcast_in_dim3A_3 : vector<16xi32>
    %add3A_263 = arith.addi %add3A_254, %select_n3A_262 : vector<16xi32>
    %get3A_264 = arith.constant 29 : i32
    %get3A_265 = arith.index_cast %get3A_264 : i32 to index
    %get3A_266 = arith.constant 0 : index
    %get3A_267 = tpu.vector_load %arg7[%get3A_265, %get3A_266] {strides = array<i32>} : memref<32x16xi32, #tpu.memory_space<vmem>>, vector<16xi32>,
    %add3A_268 = arith.addi %add3A_259, %get3A_267 : vector<16xi32>
    %gt3A_269 = arith.constant 29 : i32
    %gt3A_270 = arith.cmpi sgt, %add3A, %gt3A_269 : i32
    %select_n3A_271 = arith.select %gt3A_270, %get3A_267, %broadcast_in_dim3A_3 : vector<16xi32>
    %add3A_272 = arith.addi %add3A_263, %select_n3A_271 : vector<16xi32>
    %get3A_273 = arith.constant 30 : i32
    %get3A_274 = arith.index_cast %get3A_273 : i32 to index
    %get3A_275 = arith.constant 0 : index
    %get3A_276 = tpu.vector_load %arg7[%get3A_274, %get3A_275] {strides = array<i32>} : memref<32x16xi32, #tpu.memory_space<vmem>>, vector<16xi32>,
    %add3A_277 = arith.addi %add3A_268, %get3A_276 : vector<16xi32>
    %gt3A_278 = arith.constant 30 : i32
    %gt3A_279 = arith.cmpi sgt, %add3A, %gt3A_278 : i32
    %select_n3A_280 = arith.select %gt3A_279, %get3A_276, %broadcast_in_dim3A_3 : vector<16xi32>
    %add3A_281 = arith.addi %add3A_272, %select_n3A_280 : vector<16xi32>
    %get3A_282 = arith.constant 31 : i32
    %get3A_283 = arith.index_cast %get3A_282 : i32 to index
    %get3A_284 = arith.constant 0 : index
    %get3A_285 = tpu.vector_load %arg7[%get3A_283, %get3A_284] {strides = array<i32>} : memref<32x16xi32, #tpu.memory_space<vmem>>, vector<16xi32>,
    %add3A_286 = arith.addi %add3A_277, %get3A_285 : vector<16xi32>
    %gt3A_287 = arith.constant 31 : i32
    %gt3A_288 = arith.cmpi sgt, %add3A, %gt3A_287 : i32
    %select_n3A_289 = arith.select %gt3A_288, %get3A_285, %broadcast_in_dim3A_3 : vector<16xi32>
    %add3A_290 = arith.addi %add3A_281, %select_n3A_289 : vector<16xi32>
    %add3A_291 = arith.constant 511 : i32
    %add3A_292 = vector.broadcast %add3A_291 : i32 to vector<16xi32>
    %add3A_293 = arith.addi %add3A_286, %add3A_292 : vector<16xi32>
    %and3A = arith.constant -512 : i32
    %and3A_294 = vector.broadcast %and3A : i32 to vector<16xi32>
    %and3A_295 = arith.andi %add3A_293, %and3A_294 : vector<16xi32>
    %broadcast_in_dim3A_296 = arith.constant true
    %broadcast_in_dim3A_297 = vector.broadcast %broadcast_in_dim3A_296 : i1 to vector<16xi1>
    %masked_cumsum3A = tpu.scan <sum>, %and3A_295 masked %broadcast_in_dim3A_297 : vector<16xi32>, vector<16xi1> -> vector<16xi32>
    %sub3A = arith.subi %masked_cumsum3A, %and3A_295 : vector<16xi32>
    %add3A_298 = arith.addi %sub3A, %add3A_290 : vector<16xi32>
    %swap3A = arith.constant 0 : index
    %swap3A_299 = tpu.vector_load %arg8[%swap3A] {strides = array<i32>} : memref<16xi32, #tpu.memory_space<vmem>>, vector<16xi32>,
    tpu.vector_store %arg8[%swap3A], %add3A_298 {strides = array<i32>} : memref<16xi32, #tpu.memory_space<vmem>>, vector<16xi32>,
    %swap3A_300 = arith.constant 0 : index
    %swap3A_301 = tpu.vector_load %arg9[%swap3A_300] {strides = array<i32>} : memref<16xi32, #tpu.memory_space<vmem>>, vector<16xi32>,
    tpu.vector_store %arg9[%swap3A_300], %sub3A {strides = array<i32>} : memref<16xi32, #tpu.memory_space<vmem>>, vector<16xi32>,
    %scan3A = arith.constant 0 : i32
    %scan3A_302 = arith.constant 0 : i32
    %scan3A_303 = arith.constant 256 : i32
    %scan3A_304 = arith.addi %scan3A_302, %scan3A_303 : i32
    %scan3A_305 = arith.constant 1 : i32
    %scan3A_306 = scf.for %scan3A_312 = %scan3A_302 to %scan3A_304 step %scan3A_305 iter_args(%scan3A_313 = %scan3A) -> (i32)  : i32 {
      %mul3A_314 = arith.constant 16 : i32
      %mul3A_315 = arith.muli %scan3A_312, %mul3A_314 : i32
      %get3A_316 = arith.index_cast %mul3A_315 : i32 to index
      %get3A_317 = tpu.vector_load %arg6[%get3A_316] {strides = array<i32>} : memref<4096xi32, #tpu.memory_space<vmem>>, vector<16xi32>,
      %masked_sort3A = arith.constant dense<true> : vector<16xi1>
      %masked_sort3A_318 = arith.constant -2147483648 : i32
      %masked_sort3A_319 = vector.broadcast %masked_sort3A_318 : i32 to vector<16xi32>
      %masked_sort3A_320 = arith.xori %get3A_317, %masked_sort3A_319 : vector<16xi32>
      %masked_sort3A_321, %masked_sort3A_322, %masked_sort3A_323 = tpu.sort %masked_sort3A_320, %iota3A masked %masked_sort3A : (vector<16xi32>, vector<16xi32>, vector<16xi1>) -> (vector<16xi1>, vector<16xi32>, vector<16xi32>)
      %masked_sort3A_324 = arith.xori %masked_sort3A_322, %masked_sort3A_319 : vector<16xi32>
      %swap3A_325 = arith.constant 0 : index
      %swap3A_326 = tpu.vector_load %arg10[%swap3A_325] {strides = array<i32>} : memref<16xi32, #tpu.memory_space<vmem>>, vector<16xi32>,
      tpu.vector_store %arg10[%swap3A_325], %masked_sort3A_324 {strides = array<i32>} : memref<16xi32, #tpu.memory_space<vmem>>, vector<16xi32>,
      %sub3A_327 = arith.constant 1 : i32
      %sub3A_328 = vector.broadcast %sub3A_327 : i32 to vector<16xi32>
      %sub3A_329 = arith.subi %iota3A, %sub3A_328 : vector<16xi32>
      %max3A = arith.constant 0 : i32
      %max3A_330 = vector.broadcast %max3A : i32 to vector<16xi32>
      %max3A_331 = arith.maxsi %sub3A_329, %max3A_330 : vector<16xi32>
      %gather3A = tpu.vector_load_idx %arg10[%max3A_331] : memref<16xi32, #tpu.memory_space<vmem>>[vector<16xi32>], vector<16xi32>,
      %eq3A_332 = arith.constant 0 : i32
      %eq3A_333 = vector.broadcast %eq3A_332 : i32 to vector<16xi32>
      %eq3A_334 = arith.cmpi eq, %iota3A, %eq3A_333 : vector<16xi32>
      %ne3A = arith.cmpi ne, %masked_sort3A_324, %gather3A : vector<16xi32>
      %or3A = arith.ori %eq3A_334, %ne3A : vector<16xi1>
      %jit3A = arith.constant 0 : i32
      %broadcast_in_dim3A_335 = vector.broadcast %jit3A : i32 to vector<16xi32>
      %select_n3A_336 = arith.select %or3A, %iota3A, %broadcast_in_dim3A_335 : vector<16xi1>, vector<16xi32>
      %broadcast_in_dim3A_337 = arith.constant true
      %broadcast_in_dim3A_338 = vector.broadcast %broadcast_in_dim3A_337 : i1 to vector<16xi1>
      %masked_cummax3A = arith.constant -2147483648 : i32
      %masked_cummax3A_339 = vector.broadcast %masked_cummax3A : i32 to vector<16xi32>
      %masked_cummax3A_340 = arith.xori %select_n3A_336, %masked_cummax3A_339 : vector<16xi32>
      %masked_cummax3A_341 = tpu.scan <max>, %masked_cummax3A_340 masked %broadcast_in_dim3A_338 : vector<16xi32>, vector<16xi1> -> vector<16xi32>
      %masked_cummax3A_342 = arith.xori %masked_cummax3A_341, %masked_cummax3A_339 : vector<16xi32>
      %sub3A_343 = arith.subi %iota3A, %masked_cummax3A_342 : vector<16xi32>
      tpu.vector_store_idx %arg11[%masked_sort3A_323], %sub3A_343 : memref<16xi32, #tpu.memory_space<vmem>>[vector<16xi32>], vector<16xi32>,
      %get3A_344 = arith.constant 0 : index
      %get3A_345 = tpu.vector_load %arg11[%get3A_344] {strides = array<i32>} : memref<16xi32, #tpu.memory_space<vmem>>, vector<16xi32>,
      %gather3A_346 = tpu.vector_load_idx %arg8[%get3A_317] : memref<16xi32, #tpu.memory_space<vmem>>[vector<16xi32>], vector<16xi32>,
      %add3A_347 = arith.addi %gather3A_346, %get3A_345 : vector<16xi32>
      tpu.vector_store_idx %arg8[%get3A_317], %broadcast_in_dim3A_1 {add = true} : memref<16xi32, #tpu.memory_space<vmem>>[vector<16xi32>], vector<16xi32>,
      %mul3A_348 = arith.constant 16 : i32
      %mul3A_349 = arith.muli %scan3A_312, %mul3A_348 : i32
      %swap3A_350 = arith.index_cast %mul3A_349 : i32 to index
      %swap3A_351 = tpu.vector_load %arg12[%swap3A_350] {strides = array<i32>} : memref<4096xi32, #tpu.memory_space<vmem>>, vector<16xi32>,
      tpu.vector_store %arg12[%swap3A_350], %add3A_347 {strides = array<i32>} : memref<4096xi32, #tpu.memory_space<vmem>>, vector<16xi32>,
      %scan3A_352 = arith.constant 0 : i32
      scf.yield %scan3A_352 : i32
    }
    %scan3A_307 = arith.constant 256 : i32
    %mul3A_308 = arith.constant 4096 : i32
    %mul3A_309 = arith.muli %add3A, %mul3A_308 : i32
    "tpu.region"() ({
      %run_scoped3A = tpu.sem_alloc : memref<!tpu.dma_semaphore, #tpu.memory_space<semaphore_mem>>
      %dma_start3A = tpu.memref_slice %arg4[%mul3A_309] : memref<131072xi32, #tpu.memory_space<hbm>> -> memref<4096xi32, #tpu.memory_space<hbm>>
      %dma_start3A_312 = tpu.memref_slice %arg4[%mul3A_309] : memref<131072xi32, #tpu.memory_space<hbm>> -> memref<4096xi32, #tpu.memory_space<hbm>>
      tpu.enqueue_dma source(%arg12 : memref<4096xi32, #tpu.memory_space<vmem>>) target(%dma_start3A_312 : memref<4096xi32, #tpu.memory_space<hbm>>) target_semaphore(%run_scoped3A : memref<!tpu.dma_semaphore, #tpu.memory_space<semaphore_mem>>)
      %dma_wait3A = tpu.memref_slice %arg4[%mul3A_309] : memref<131072xi32, #tpu.memory_space<hbm>> -> memref<4096xi32, #tpu.memory_space<hbm>>
      %dma_wait3A_313 = tpu.memref_slice %arg4[%mul3A_309] : memref<131072xi32, #tpu.memory_space<hbm>> -> memref<4096xi32, #tpu.memory_space<hbm>>
      tpu.wait_dma2 semaphore(%run_scoped3A : memref<!tpu.dma_semaphore, #tpu.memory_space<semaphore_mem>>) src(%arg12 : memref<4096xi32, #tpu.memory_space<vmem>>) dst(%dma_wait3A_313 : memref<4096xi32, #tpu.memory_space<hbm>>)
      tpu.yield
    }) : () -> ()
    %eq3A = arith.constant 0 : i32
    %eq3A_310 = arith.cmpi eq, %add3A, %eq3A : i32
    %convert_element_type3A = arith.extui %eq3A_310 : i1 to i32
    %cond3A = arith.constant 0 : i32
    %cond3A_311 = arith.cmpi ne, %convert_element_type3A, %cond3A : i32
    scf.if %cond3A_311 {
      %scan3A_312 = arith.constant 0 : i32
      %scan3A_313 = arith.constant 0 : i32
      %scan3A_314 = arith.constant 17 : i32
      %scan3A_315 = arith.addi %scan3A_313, %scan3A_314 : i32
      %scan3A_316 = arith.constant 1 : i32
      %scan3A_317 = scf.for %scan3A_319 = %scan3A_313 to %scan3A_315 step %scan3A_316 iter_args(%scan3A_320 = %scan3A_312) -> (i32)  : i32 {
        %mul3A_321 = arith.constant 16 : i32
        %mul3A_322 = arith.muli %scan3A_319, %mul3A_321 : i32
        %add3A_323 = vector.broadcast %mul3A_322 : i32 to vector<16xi32>
        %add3A_324 = arith.addi %iota3A, %add3A_323 : vector<16xi32>
        %broadcast_in_dim3A_325 = arith.constant -1 : i32
        %broadcast_in_dim3A_326 = vector.broadcast %broadcast_in_dim3A_325 : i32 to vector<16xi32>
        %broadcast_in_dim3A_327 = arith.constant 0 : i32
        %broadcast_in_dim3A_328 = vector.broadcast %broadcast_in_dim3A_327 : i32 to vector<16xi32>
        %gather3A = tpu.vector_load_idx %arg9[%broadcast_in_dim3A_328] : memref<16xi32, #tpu.memory_space<vmem>>[vector<16xi32>], vector<16xi32>,
        %mul3A_329 = arith.constant 512 : i32
        %mul3A_330 = vector.broadcast %mul3A_329 : i32 to vector<16xi32>
        %mul3A_331 = arith.muli %add3A_324, %mul3A_330 : vector<16xi32>
        %ge3A = arith.cmpi sge, %mul3A_331, %gather3A : vector<16xi32>
        %jit3A = arith.constant 1 : i32
        %jit3A_332 = arith.constant 0 : i32
        %broadcast_in_dim3A_333 = vector.broadcast %jit3A : i32 to vector<16xi32>
        %broadcast_in_dim3A_334 = vector.broadcast %jit3A_332 : i32 to vector<16xi32>
        %select_n3A_335 = arith.select %ge3A, %broadcast_in_dim3A_333, %broadcast_in_dim3A_334 : vector<16xi1>, vector<16xi32>
        %add3A_336 = arith.addi %broadcast_in_dim3A_326, %select_n3A_335 : vector<16xi32>
        %broadcast_in_dim3A_337 = arith.constant 1 : i32
        %broadcast_in_dim3A_338 = vector.broadcast %broadcast_in_dim3A_337 : i32 to vector<16xi32>
        %gather3A_339 = tpu.vector_load_idx %arg9[%broadcast_in_dim3A_338] : memref<16xi32, #tpu.memory_space<vmem>>[vector<16xi32>], vector<16xi32>,
        %mul3A_340 = arith.constant 512 : i32
        %mul3A_341 = vector.broadcast %mul3A_340 : i32 to vector<16xi32>
        %mul3A_342 = arith.muli %add3A_324, %mul3A_341 : vector<16xi32>
        %ge3A_343 = arith.cmpi sge, %mul3A_342, %gather3A_339 : vector<16xi32>
        %jit3A_344 = arith.constant 1 : i32
        %jit3A_345 = arith.constant 0 : i32
        %broadcast_in_dim3A_346 = vector.broadcast %jit3A_344 : i32 to vector<16xi32>
        %broadcast_in_dim3A_347 = vector.broadcast %jit3A_345 : i32 to vector<16xi32>
        %select_n3A_348 = arith.select %ge3A_343, %broadcast_in_dim3A_346, %broadcast_in_dim3A_347 : vector<16xi1>, vector<16xi32>
        %add3A_349 = arith.addi %add3A_336, %select_n3A_348 : vector<16xi32>
        %broadcast_in_dim3A_350 = arith.constant 2 : i32
        %broadcast_in_dim3A_351 = vector.broadcast %broadcast_in_dim3A_350 : i32 to vector<16xi32>
        %gather3A_352 = tpu.vector_load_idx %arg9[%broadcast_in_dim3A_351] : memref<16xi32, #tpu.memory_space<vmem>>[vector<16xi32>], vector<16xi32>,
        %mul3A_353 = arith.constant 512 : i32
        %mul3A_354 = vector.broadcast %mul3A_353 : i32 to vector<16xi32>
        %mul3A_355 = arith.muli %add3A_324, %mul3A_354 : vector<16xi32>
        %ge3A_356 = arith.cmpi sge, %mul3A_355, %gather3A_352 : vector<16xi32>
        %jit3A_357 = arith.constant 1 : i32
        %jit3A_358 = arith.constant 0 : i32
        %broadcast_in_dim3A_359 = vector.broadcast %jit3A_357 : i32 to vector<16xi32>
        %broadcast_in_dim3A_360 = vector.broadcast %jit3A_358 : i32 to vector<16xi32>
        %select_n3A_361 = arith.select %ge3A_356, %broadcast_in_dim3A_359, %broadcast_in_dim3A_360 : vector<16xi1>, vector<16xi32>
        %add3A_362 = arith.addi %add3A_349, %select_n3A_361 : vector<16xi32>
        %broadcast_in_dim3A_363 = arith.constant 3 : i32
        %broadcast_in_dim3A_364 = vector.broadcast %broadcast_in_dim3A_363 : i32 to vector<16xi32>
        %gather3A_365 = tpu.vector_load_idx %arg9[%broadcast_in_dim3A_364] : memref<16xi32, #tpu.memory_space<vmem>>[vector<16xi32>], vector<16xi32>,
        %mul3A_366 = arith.constant 512 : i32
        %mul3A_367 = vector.broadcast %mul3A_366 : i32 to vector<16xi32>
        %mul3A_368 = arith.muli %add3A_324, %mul3A_367 : vector<16xi32>
        %ge3A_369 = arith.cmpi sge, %mul3A_368, %gather3A_365 : vector<16xi32>
        %jit3A_370 = arith.constant 1 : i32
        %jit3A_371 = arith.constant 0 : i32
        %broadcast_in_dim3A_372 = vector.broadcast %jit3A_370 : i32 to vector<16xi32>
        %broadcast_in_dim3A_373 = vector.broadcast %jit3A_371 : i32 to vector<16xi32>
        %select_n3A_374 = arith.select %ge3A_369, %broadcast_in_dim3A_372, %broadcast_in_dim3A_373 : vector<16xi1>, vector<16xi32>
        %add3A_375 = arith.addi %add3A_362, %select_n3A_374 : vector<16xi32>
        %broadcast_in_dim3A_376 = arith.constant 4 : i32
        %broadcast_in_dim3A_377 = vector.broadcast %broadcast_in_dim3A_376 : i32 to vector<16xi32>
        %gather3A_378 = tpu.vector_load_idx %arg9[%broadcast_in_dim3A_377] : memref<16xi32, #tpu.memory_space<vmem>>[vector<16xi32>], vector<16xi32>,
        %mul3A_379 = arith.constant 512 : i32
        %mul3A_380 = vector.broadcast %mul3A_379 : i32 to vector<16xi32>
        %mul3A_381 = arith.muli %add3A_324, %mul3A_380 : vector<16xi32>
        %ge3A_382 = arith.cmpi sge, %mul3A_381, %gather3A_378 : vector<16xi32>
        %jit3A_383 = arith.constant 1 : i32
        %jit3A_384 = arith.constant 0 : i32
        %broadcast_in_dim3A_385 = vector.broadcast %jit3A_383 : i32 to vector<16xi32>
        %broadcast_in_dim3A_386 = vector.broadcast %jit3A_384 : i32 to vector<16xi32>
        %select_n3A_387 = arith.select %ge3A_382, %broadcast_in_dim3A_385, %broadcast_in_dim3A_386 : vector<16xi1>, vector<16xi32>
        %add3A_388 = arith.addi %add3A_375, %select_n3A_387 : vector<16xi32>
        %broadcast_in_dim3A_389 = arith.constant 5 : i32
        %broadcast_in_dim3A_390 = vector.broadcast %broadcast_in_dim3A_389 : i32 to vector<16xi32>
        %gather3A_391 = tpu.vector_load_idx %arg9[%broadcast_in_dim3A_390] : memref<16xi32, #tpu.memory_space<vmem>>[vector<16xi32>], vector<16xi32>,
        %mul3A_392 = arith.constant 512 : i32
        %mul3A_393 = vector.broadcast %mul3A_392 : i32 to vector<16xi32>
        %mul3A_394 = arith.muli %add3A_324, %mul3A_393 : vector<16xi32>
        %ge3A_395 = arith.cmpi sge, %mul3A_394, %gather3A_391 : vector<16xi32>
        %jit3A_396 = arith.constant 1 : i32
        %jit3A_397 = arith.constant 0 : i32
        %broadcast_in_dim3A_398 = vector.broadcast %jit3A_396 : i32 to vector<16xi32>
        %broadcast_in_dim3A_399 = vector.broadcast %jit3A_397 : i32 to vector<16xi32>
        %select_n3A_400 = arith.select %ge3A_395, %broadcast_in_dim3A_398, %broadcast_in_dim3A_399 : vector<16xi1>, vector<16xi32>
        %add3A_401 = arith.addi %add3A_388, %select_n3A_400 : vector<16xi32>
        %broadcast_in_dim3A_402 = arith.constant 6 : i32
        %broadcast_in_dim3A_403 = vector.broadcast %broadcast_in_dim3A_402 : i32 to vector<16xi32>
        %gather3A_404 = tpu.vector_load_idx %arg9[%broadcast_in_dim3A_403] : memref<16xi32, #tpu.memory_space<vmem>>[vector<16xi32>], vector<16xi32>,
        %mul3A_405 = arith.constant 512 : i32
        %mul3A_406 = vector.broadcast %mul3A_405 : i32 to vector<16xi32>
        %mul3A_407 = arith.muli %add3A_324, %mul3A_406 : vector<16xi32>
        %ge3A_408 = arith.cmpi sge, %mul3A_407, %gather3A_404 : vector<16xi32>
        %jit3A_409 = arith.constant 1 : i32
        %jit3A_410 = arith.constant 0 : i32
        %broadcast_in_dim3A_411 = vector.broadcast %jit3A_409 : i32 to vector<16xi32>
        %broadcast_in_dim3A_412 = vector.broadcast %jit3A_410 : i32 to vector<16xi32>
        %select_n3A_413 = arith.select %ge3A_408, %broadcast_in_dim3A_411, %broadcast_in_dim3A_412 : vector<16xi1>, vector<16xi32>
        %add3A_414 = arith.addi %add3A_401, %select_n3A_413 : vector<16xi32>
        %broadcast_in_dim3A_415 = arith.constant 7 : i32
        %broadcast_in_dim3A_416 = vector.broadcast %broadcast_in_dim3A_415 : i32 to vector<16xi32>
        %gather3A_417 = tpu.vector_load_idx %arg9[%broadcast_in_dim3A_416] : memref<16xi32, #tpu.memory_space<vmem>>[vector<16xi32>], vector<16xi32>,
        %mul3A_418 = arith.constant 512 : i32
        %mul3A_419 = vector.broadcast %mul3A_418 : i32 to vector<16xi32>
        %mul3A_420 = arith.muli %add3A_324, %mul3A_419 : vector<16xi32>
        %ge3A_421 = arith.cmpi sge, %mul3A_420, %gather3A_417 : vector<16xi32>
        %jit3A_422 = arith.constant 1 : i32
        %jit3A_423 = arith.constant 0 : i32
        %broadcast_in_dim3A_424 = vector.broadcast %jit3A_422 : i32 to vector<16xi32>
        %broadcast_in_dim3A_425 = vector.broadcast %jit3A_423 : i32 to vector<16xi32>
        %select_n3A_426 = arith.select %ge3A_421, %broadcast_in_dim3A_424, %broadcast_in_dim3A_425 : vector<16xi1>, vector<16xi32>
        %add3A_427 = arith.addi %add3A_414, %select_n3A_426 : vector<16xi32>
        %broadcast_in_dim3A_428 = arith.constant 8 : i32
        %broadcast_in_dim3A_429 = vector.broadcast %broadcast_in_dim3A_428 : i32 to vector<16xi32>
        %gather3A_430 = tpu.vector_load_idx %arg9[%broadcast_in_dim3A_429] : memref<16xi32, #tpu.memory_space<vmem>>[vector<16xi32>], vector<16xi32>,
        %mul3A_431 = arith.constant 512 : i32
        %mul3A_432 = vector.broadcast %mul3A_431 : i32 to vector<16xi32>
        %mul3A_433 = arith.muli %add3A_324, %mul3A_432 : vector<16xi32>
        %ge3A_434 = arith.cmpi sge, %mul3A_433, %gather3A_430 : vector<16xi32>
        %jit3A_435 = arith.constant 1 : i32
        %jit3A_436 = arith.constant 0 : i32
        %broadcast_in_dim3A_437 = vector.broadcast %jit3A_435 : i32 to vector<16xi32>
        %broadcast_in_dim3A_438 = vector.broadcast %jit3A_436 : i32 to vector<16xi32>
        %select_n3A_439 = arith.select %ge3A_434, %broadcast_in_dim3A_437, %broadcast_in_dim3A_438 : vector<16xi1>, vector<16xi32>
        %add3A_440 = arith.addi %add3A_427, %select_n3A_439 : vector<16xi32>
        %broadcast_in_dim3A_441 = arith.constant 9 : i32
        %broadcast_in_dim3A_442 = vector.broadcast %broadcast_in_dim3A_441 : i32 to vector<16xi32>
        %gather3A_443 = tpu.vector_load_idx %arg9[%broadcast_in_dim3A_442] : memref<16xi32, #tpu.memory_space<vmem>>[vector<16xi32>], vector<16xi32>,
        %mul3A_444 = arith.constant 512 : i32
        %mul3A_445 = vector.broadcast %mul3A_444 : i32 to vector<16xi32>
        %mul3A_446 = arith.muli %add3A_324, %mul3A_445 : vector<16xi32>
        %ge3A_447 = arith.cmpi sge, %mul3A_446, %gather3A_443 : vector<16xi32>
        %jit3A_448 = arith.constant 1 : i32
        %jit3A_449 = arith.constant 0 : i32
        %broadcast_in_dim3A_450 = vector.broadcast %jit3A_448 : i32 to vector<16xi32>
        %broadcast_in_dim3A_451 = vector.broadcast %jit3A_449 : i32 to vector<16xi32>
        %select_n3A_452 = arith.select %ge3A_447, %broadcast_in_dim3A_450, %broadcast_in_dim3A_451 : vector<16xi1>, vector<16xi32>
        %add3A_453 = arith.addi %add3A_440, %select_n3A_452 : vector<16xi32>
        %broadcast_in_dim3A_454 = arith.constant 10 : i32
        %broadcast_in_dim3A_455 = vector.broadcast %broadcast_in_dim3A_454 : i32 to vector<16xi32>
        %gather3A_456 = tpu.vector_load_idx %arg9[%broadcast_in_dim3A_455] : memref<16xi32, #tpu.memory_space<vmem>>[vector<16xi32>], vector<16xi32>,
        %mul3A_457 = arith.constant 512 : i32
        %mul3A_458 = vector.broadcast %mul3A_457 : i32 to vector<16xi32>
        %mul3A_459 = arith.muli %add3A_324, %mul3A_458 : vector<16xi32>
        %ge3A_460 = arith.cmpi sge, %mul3A_459, %gather3A_456 : vector<16xi32>
        %jit3A_461 = arith.constant 1 : i32
        %jit3A_462 = arith.constant 0 : i32
        %broadcast_in_dim3A_463 = vector.broadcast %jit3A_461 : i32 to vector<16xi32>
        %broadcast_in_dim3A_464 = vector.broadcast %jit3A_462 : i32 to vector<16xi32>
        %select_n3A_465 = arith.select %ge3A_460, %broadcast_in_dim3A_463, %broadcast_in_dim3A_464 : vector<16xi1>, vector<16xi32>
        %add3A_466 = arith.addi %add3A_453, %select_n3A_465 : vector<16xi32>
        %broadcast_in_dim3A_467 = arith.constant 11 : i32
        %broadcast_in_dim3A_468 = vector.broadcast %broadcast_in_dim3A_467 : i32 to vector<16xi32>
        %gather3A_469 = tpu.vector_load_idx %arg9[%broadcast_in_dim3A_468] : memref<16xi32, #tpu.memory_space<vmem>>[vector<16xi32>], vector<16xi32>,
        %mul3A_470 = arith.constant 512 : i32
        %mul3A_471 = vector.broadcast %mul3A_470 : i32 to vector<16xi32>
        %mul3A_472 = arith.muli %add3A_324, %mul3A_471 : vector<16xi32>
        %ge3A_473 = arith.cmpi sge, %mul3A_472, %gather3A_469 : vector<16xi32>
        %jit3A_474 = arith.constant 1 : i32
        %jit3A_475 = arith.constant 0 : i32
        %broadcast_in_dim3A_476 = vector.broadcast %jit3A_474 : i32 to vector<16xi32>
        %broadcast_in_dim3A_477 = vector.broadcast %jit3A_475 : i32 to vector<16xi32>
        %select_n3A_478 = arith.select %ge3A_473, %broadcast_in_dim3A_476, %broadcast_in_dim3A_477 : vector<16xi1>, vector<16xi32>
        %add3A_479 = arith.addi %add3A_466, %select_n3A_478 : vector<16xi32>
        %broadcast_in_dim3A_480 = arith.constant 12 : i32
        %broadcast_in_dim3A_481 = vector.broadcast %broadcast_in_dim3A_480 : i32 to vector<16xi32>
        %gather3A_482 = tpu.vector_load_idx %arg9[%broadcast_in_dim3A_481] : memref<16xi32, #tpu.memory_space<vmem>>[vector<16xi32>], vector<16xi32>,
        %mul3A_483 = arith.constant 512 : i32
        %mul3A_484 = vector.broadcast %mul3A_483 : i32 to vector<16xi32>
        %mul3A_485 = arith.muli %add3A_324, %mul3A_484 : vector<16xi32>
        %ge3A_486 = arith.cmpi sge, %mul3A_485, %gather3A_482 : vector<16xi32>
        %jit3A_487 = arith.constant 1 : i32
        %jit3A_488 = arith.constant 0 : i32
        %broadcast_in_dim3A_489 = vector.broadcast %jit3A_487 : i32 to vector<16xi32>
        %broadcast_in_dim3A_490 = vector.broadcast %jit3A_488 : i32 to vector<16xi32>
        %select_n3A_491 = arith.select %ge3A_486, %broadcast_in_dim3A_489, %broadcast_in_dim3A_490 : vector<16xi1>, vector<16xi32>
        %add3A_492 = arith.addi %add3A_479, %select_n3A_491 : vector<16xi32>
        %broadcast_in_dim3A_493 = arith.constant 13 : i32
        %broadcast_in_dim3A_494 = vector.broadcast %broadcast_in_dim3A_493 : i32 to vector<16xi32>
        %gather3A_495 = tpu.vector_load_idx %arg9[%broadcast_in_dim3A_494] : memref<16xi32, #tpu.memory_space<vmem>>[vector<16xi32>], vector<16xi32>,
        %mul3A_496 = arith.constant 512 : i32
        %mul3A_497 = vector.broadcast %mul3A_496 : i32 to vector<16xi32>
        %mul3A_498 = arith.muli %add3A_324, %mul3A_497 : vector<16xi32>
        %ge3A_499 = arith.cmpi sge, %mul3A_498, %gather3A_495 : vector<16xi32>
        %jit3A_500 = arith.constant 1 : i32
        %jit3A_501 = arith.constant 0 : i32
        %broadcast_in_dim3A_502 = vector.broadcast %jit3A_500 : i32 to vector<16xi32>
        %broadcast_in_dim3A_503 = vector.broadcast %jit3A_501 : i32 to vector<16xi32>
        %select_n3A_504 = arith.select %ge3A_499, %broadcast_in_dim3A_502, %broadcast_in_dim3A_503 : vector<16xi1>, vector<16xi32>
        %add3A_505 = arith.addi %add3A_492, %select_n3A_504 : vector<16xi32>
        %broadcast_in_dim3A_506 = arith.constant 14 : i32
        %broadcast_in_dim3A_507 = vector.broadcast %broadcast_in_dim3A_506 : i32 to vector<16xi32>
        %gather3A_508 = tpu.vector_load_idx %arg9[%broadcast_in_dim3A_507] : memref<16xi32, #tpu.memory_space<vmem>>[vector<16xi32>], vector<16xi32>,
        %mul3A_509 = arith.constant 512 : i32
        %mul3A_510 = vector.broadcast %mul3A_509 : i32 to vector<16xi32>
        %mul3A_511 = arith.muli %add3A_324, %mul3A_510 : vector<16xi32>
        %ge3A_512 = arith.cmpi sge, %mul3A_511, %gather3A_508 : vector<16xi32>
        %jit3A_513 = arith.constant 1 : i32
        %jit3A_514 = arith.constant 0 : i32
        %broadcast_in_dim3A_515 = vector.broadcast %jit3A_513 : i32 to vector<16xi32>
        %broadcast_in_dim3A_516 = vector.broadcast %jit3A_514 : i32 to vector<16xi32>
        %select_n3A_517 = arith.select %ge3A_512, %broadcast_in_dim3A_515, %broadcast_in_dim3A_516 : vector<16xi1>, vector<16xi32>
        %add3A_518 = arith.addi %add3A_505, %select_n3A_517 : vector<16xi32>
        %broadcast_in_dim3A_519 = arith.constant 15 : i32
        %broadcast_in_dim3A_520 = vector.broadcast %broadcast_in_dim3A_519 : i32 to vector<16xi32>
        %gather3A_521 = tpu.vector_load_idx %arg9[%broadcast_in_dim3A_520] : memref<16xi32, #tpu.memory_space<vmem>>[vector<16xi32>], vector<16xi32>,
        %mul3A_522 = arith.constant 512 : i32
        %mul3A_523 = vector.broadcast %mul3A_522 : i32 to vector<16xi32>
        %mul3A_524 = arith.muli %add3A_324, %mul3A_523 : vector<16xi32>
        %ge3A_525 = arith.cmpi sge, %mul3A_524, %gather3A_521 : vector<16xi32>
        %jit3A_526 = arith.constant 1 : i32
        %jit3A_527 = arith.constant 0 : i32
        %broadcast_in_dim3A_528 = vector.broadcast %jit3A_526 : i32 to vector<16xi32>
        %broadcast_in_dim3A_529 = vector.broadcast %jit3A_527 : i32 to vector<16xi32>
        %select_n3A_530 = arith.select %ge3A_525, %broadcast_in_dim3A_528, %broadcast_in_dim3A_529 : vector<16xi1>, vector<16xi32>
        %add3A_531 = arith.addi %add3A_518, %select_n3A_530 : vector<16xi32>
        %mul3A_532 = arith.constant 16 : i32
        %mul3A_533 = arith.muli %scan3A_319, %mul3A_532 : i32
        %swap3A_534 = arith.index_cast %mul3A_533 : i32 to index
        %swap3A_535 = tpu.vector_load %arg13[%swap3A_534] {strides = array<i32>} : memref<272xi32, #tpu.memory_space<vmem>>, vector<16xi32>,
        tpu.vector_store %arg13[%swap3A_534], %add3A_531 {strides = array<i32>} : memref<272xi32, #tpu.memory_space<vmem>>, vector<16xi32>,
        %scan3A_536 = arith.constant 0 : i32
        scf.yield %scan3A_536 : i32
      }
      %scan3A_318 = arith.constant 17 : i32
      "tpu.region"() ({
        %run_scoped3A = tpu.sem_alloc : memref<!tpu.dma_semaphore, #tpu.memory_space<semaphore_mem>>
        tpu.enqueue_dma source(%arg13 : memref<272xi32, #tpu.memory_space<vmem>>) target(%arg5 : memref<272xi32, #tpu.memory_space<hbm>>) target_semaphore(%run_scoped3A : memref<!tpu.dma_semaphore, #tpu.memory_space<semaphore_mem>>)
        tpu.wait_dma2 semaphore(%run_scoped3A : memref<!tpu.dma_semaphore, #tpu.memory_space<semaphore_mem>>) src(%arg13 : memref<272xi32, #tpu.memory_space<vmem>>) dst(%arg5 : memref<272xi32, #tpu.memory_space<hbm>>)
        tpu.yield
      }) : () -> ()
    } else {
    }
    return
  }
}

#map = affine_map<(d0, d1) -> (0)>
#map1 = affine_map<(d0, d1) -> (0, 0)>
module attributes {stable_mosaic.version = 14 : i64} {
  func.func @_gather_body(%arg0: i32, %arg1: i32, %arg2: memref<131072xi32, #tpu.memory_space<hbm>>, %arg3: memref<139264x128xf32, #tpu.memory_space<hbm>>, %arg4: memref<131072x128xf32, #tpu.memory_space<hbm>>, %arg5: memref<4096xi32, #tpu.memory_space<vmem>>, %arg6: memref<256x128xf32, #tpu.memory_space<vmem>>, %arg7: memref<256x128xf32, #tpu.memory_space<vmem>>, %arg8: memref<!tpu.dma_semaphore, #tpu.memory_space<semaphore_mem>>, %arg9: memref<!tpu.dma_semaphore, #tpu.memory_space<semaphore_mem>>) attributes {dimension_semantics = [#tpu.dimension_semantics<core_parallel>, #tpu.dimension_semantics<subcore_parallel>], iteration_bounds = array<i64: 2, 16>, scalar_prefetch = 0 : i64, scratch_operands = 5 : i64, tpu.core_type = #tpu.core_type<sc_vector_subcore>, window_params = [{transform_indices = #map}, {transform_indices = #map1}, {transform_indices = #map1}]} {
    %mul3A = arith.constant 2 : i32
    %mul3A_0 = arith.muli %arg1, %mul3A : i32
    %add3A = arith.addi %mul3A_0, %arg0 : i32
    %mul3A_1 = arith.constant 4096 : i32
    %mul3A_2 = arith.muli %add3A, %mul3A_1 : i32
    "tpu.region"() ({
      %run_scoped3A = tpu.sem_alloc : memref<!tpu.dma_semaphore, #tpu.memory_space<semaphore_mem>>
      %dma_start3A_21 = tpu.memref_slice %arg2[%mul3A_2] : memref<131072xi32, #tpu.memory_space<hbm>> -> memref<4096xi32, #tpu.memory_space<hbm>>
      %dma_start3A_22 = tpu.memref_slice %arg2[%mul3A_2] : memref<131072xi32, #tpu.memory_space<hbm>> -> memref<4096xi32, #tpu.memory_space<hbm>>
      tpu.enqueue_dma source(%dma_start3A_22 : memref<4096xi32, #tpu.memory_space<hbm>>) target(%arg5 : memref<4096xi32, #tpu.memory_space<vmem>>) target_semaphore(%run_scoped3A : memref<!tpu.dma_semaphore, #tpu.memory_space<semaphore_mem>>)
      %dma_wait3A_23 = tpu.memref_slice %arg2[%mul3A_2] : memref<131072xi32, #tpu.memory_space<hbm>> -> memref<4096xi32, #tpu.memory_space<hbm>>
      %dma_wait3A_24 = tpu.memref_slice %arg2[%mul3A_2] : memref<131072xi32, #tpu.memory_space<hbm>> -> memref<4096xi32, #tpu.memory_space<hbm>>
      tpu.wait_dma2 semaphore(%run_scoped3A : memref<!tpu.dma_semaphore, #tpu.memory_space<semaphore_mem>>) src(%dma_wait3A_24 : memref<4096xi32, #tpu.memory_space<hbm>>) dst(%arg5 : memref<4096xi32, #tpu.memory_space<vmem>>)
      tpu.yield
    }) : () -> ()
    %mul3A_3 = arith.constant 4096 : i32
    %mul3A_4 = arith.muli %add3A, %mul3A_3 : i32
    %dma_start3A = arith.constant 0 : i32
    %dma_start3A_5 = tpu.memref_slice %arg5[%dma_start3A] : memref<4096xi32, #tpu.memory_space<vmem>> -> memref<256xi32, #tpu.memory_space<vmem>>
    %dma_start3A_6 = arith.constant 0 : i32
    %dma_start3A_7 = arith.constant 0 : i32
    %dma_start3A_8 = tpu.memref_slice %arg3[%dma_start3A_6, %dma_start3A_7] : memref<139264x128xf32, #tpu.memory_space<hbm>> -> memref<139264x128xf32, #tpu.memory_space<hbm>>
    tpu.enqueue_indirect_dma source(%dma_start3A_8 : memref<139264x128xf32, #tpu.memory_space<hbm>>) target(%arg6 : memref<256x128xf32, #tpu.memory_space<vmem>>) offsets(%dma_start3A_5 : memref<256xi32, #tpu.memory_space<vmem>>) semaphore(%arg8 : memref<!tpu.dma_semaphore, #tpu.memory_space<semaphore_mem>>)
    %dma_wait3A = arith.constant 0 : i32
    %dma_wait3A_9 = tpu.memref_slice %arg5[%dma_wait3A] : memref<4096xi32, #tpu.memory_space<vmem>> -> memref<256xi32, #tpu.memory_space<vmem>>
    %dma_wait3A_10 = arith.constant 0 : i32
    %dma_wait3A_11 = arith.constant 0 : i32
    %dma_wait3A_12 = tpu.memref_slice %arg3[%dma_wait3A_10, %dma_wait3A_11] : memref<139264x128xf32, #tpu.memory_space<hbm>> -> memref<139264x128xf32, #tpu.memory_space<hbm>>
    tpu.wait_indirect_dma semaphore(%arg8 : memref<!tpu.dma_semaphore, #tpu.memory_space<semaphore_mem>>) src(%dma_wait3A_12 : memref<139264x128xf32, #tpu.memory_space<hbm>>) dst(%arg6 : memref<256x128xf32, #tpu.memory_space<vmem>>)
    %scan3A = arith.constant 0 : i32
    %scan3A_13 = arith.constant 0 : i32
    %scan3A_14 = arith.constant 15 : i32
    %scan3A_15 = arith.addi %scan3A_13, %scan3A_14 : i32
    %scan3A_16 = arith.constant 1 : i32
    %scan3A_17 = scf.for %scan3A_21 = %scan3A_13 to %scan3A_15 step %scan3A_16 iter_args(%scan3A_22 = %scan3A) -> (i32)  : i32 {
      %jit3A = arith.constant 2 : i32
      %eq3A = arith.constant 0 : i32
      %eq3A_23 = arith.cmpi eq, %jit3A, %eq3A : i32
      %jit3A_24 = arith.constant 1 : i32
      %select_n3A = arith.select %eq3A_23, %jit3A_24, %jit3A : i32
      %rem3A = arith.remsi %scan3A_21, %select_n3A : i32
      %ne3A = arith.constant 0 : i32
      %ne3A_25 = arith.cmpi ne, %rem3A, %ne3A : i32
      %lt3A = arith.constant 0 : i32
      %lt3A_26 = arith.cmpi slt, %rem3A, %lt3A : i32
      %lt3A_27 = arith.constant 0 : i32
      %lt3A_28 = arith.cmpi slt, %select_n3A, %lt3A_27 : i32
      %ne3A_29 = arith.xori %lt3A_26, %lt3A_28 : i1
      %and3A = arith.andi %ne3A_29, %ne3A_25 : i1
      %add3A_30 = arith.addi %rem3A, %select_n3A : i32
      %select_n3A_31 = arith.select %and3A, %add3A_30, %rem3A : i32
      %eq3A_32 = arith.constant 0 : i32
      %eq3A_33 = arith.cmpi eq, %select_n3A_31, %eq3A_32 : i32
      %convert_element_type3A = arith.extui %eq3A_33 : i1 to i32
      %cond3A = arith.constant 0 : i32
      %cond3A_34 = arith.cmpi ne, %convert_element_type3A, %cond3A : i32
      scf.if %cond3A_34 {
        %add3A_57 = arith.constant 1 : i32
        %add3A_58 = arith.addi %scan3A_21, %add3A_57 : i32
        %mul3A_59 = arith.constant 256 : i32
        %mul3A_60 = arith.muli %add3A_58, %mul3A_59 : i32
        %dma_start3A_61 = tpu.memref_slice %arg5[%mul3A_60] : memref<4096xi32, #tpu.memory_space<vmem>> -> memref<256xi32, #tpu.memory_space<vmem>>
        %dma_start3A_62 = arith.constant 0 : i32
        %dma_start3A_63 = arith.constant 0 : i32
        %dma_start3A_64 = tpu.memref_slice %arg3[%dma_start3A_62, %dma_start3A_63] : memref<139264x128xf32, #tpu.memory_space<hbm>> -> memref<139264x128xf32, #tpu.memory_space<hbm>>
        tpu.enqueue_indirect_dma source(%dma_start3A_64 : memref<139264x128xf32, #tpu.memory_space<hbm>>) target(%arg7 : memref<256x128xf32, #tpu.memory_space<vmem>>) offsets(%dma_start3A_61 : memref<256xi32, #tpu.memory_space<vmem>>) semaphore(%arg9 : memref<!tpu.dma_semaphore, #tpu.memory_space<semaphore_mem>>)
        %mul3A_65 = arith.constant 256 : i32
        %mul3A_66 = arith.muli %scan3A_21, %mul3A_65 : i32
        %add3A_67 = arith.addi %mul3A_4, %mul3A_66 : i32
        "tpu.region"() ({
          %run_scoped3A = tpu.sem_alloc : memref<!tpu.dma_semaphore, #tpu.memory_space<semaphore_mem>>
          %dma_start3A_72 = arith.constant 0 : i32
          %dma_start3A_73 = tpu.memref_slice %arg4[%add3A_67, %dma_start3A_72] : memref<131072x128xf32, #tpu.memory_space<hbm>> -> memref<256x128xf32, #tpu.memory_space<hbm>>
          %dma_start3A_74 = arith.constant 0 : i32
          %dma_start3A_75 = tpu.memref_slice %arg4[%add3A_67, %dma_start3A_74] : memref<131072x128xf32, #tpu.memory_space<hbm>> -> memref<256x128xf32, #tpu.memory_space<hbm>>
          tpu.enqueue_dma source(%arg6 : memref<256x128xf32, #tpu.memory_space<vmem>>) target(%dma_start3A_75 : memref<256x128xf32, #tpu.memory_space<hbm>>) target_semaphore(%run_scoped3A : memref<!tpu.dma_semaphore, #tpu.memory_space<semaphore_mem>>)
          %dma_wait3A_76 = arith.constant 0 : i32
          %dma_wait3A_77 = tpu.memref_slice %arg4[%add3A_67, %dma_wait3A_76] : memref<131072x128xf32, #tpu.memory_space<hbm>> -> memref<256x128xf32, #tpu.memory_space<hbm>>
          %dma_wait3A_78 = arith.constant 0 : i32
          %dma_wait3A_79 = tpu.memref_slice %arg4[%add3A_67, %dma_wait3A_78] : memref<131072x128xf32, #tpu.memory_space<hbm>> -> memref<256x128xf32, #tpu.memory_space<hbm>>
          tpu.wait_dma2 semaphore(%run_scoped3A : memref<!tpu.dma_semaphore, #tpu.memory_space<semaphore_mem>>) src(%arg6 : memref<256x128xf32, #tpu.memory_space<vmem>>) dst(%dma_wait3A_79 : memref<256x128xf32, #tpu.memory_space<hbm>>)
          tpu.yield
        }) : () -> ()
        %dma_wait3A_68 = tpu.memref_slice %arg5[%mul3A_60] : memref<4096xi32, #tpu.memory_space<vmem>> -> memref<256xi32, #tpu.memory_space<vmem>>
        %dma_wait3A_69 = arith.constant 0 : i32
        %dma_wait3A_70 = arith.constant 0 : i32
        %dma_wait3A_71 = tpu.memref_slice %arg3[%dma_wait3A_69, %dma_wait3A_70] : memref<139264x128xf32, #tpu.memory_space<hbm>> -> memref<139264x128xf32, #tpu.memory_space<hbm>>
        tpu.wait_indirect_dma semaphore(%arg9 : memref<!tpu.dma_semaphore, #tpu.memory_space<semaphore_mem>>) src(%dma_wait3A_71 : memref<139264x128xf32, #tpu.memory_space<hbm>>) dst(%arg7 : memref<256x128xf32, #tpu.memory_space<vmem>>)
      } else {
      }
      %jit3A_35 = arith.constant 2 : i32
      %eq3A_36 = arith.constant 0 : i32
      %eq3A_37 = arith.cmpi eq, %jit3A_35, %eq3A_36 : i32
      %jit3A_38 = arith.constant 1 : i32
      %select_n3A_39 = arith.select %eq3A_37, %jit3A_38, %jit3A_35 : i32
      %rem3A_40 = arith.remsi %scan3A_21, %select_n3A_39 : i32
      %ne3A_41 = arith.constant 0 : i32
      %ne3A_42 = arith.cmpi ne, %rem3A_40, %ne3A_41 : i32
      %lt3A_43 = arith.constant 0 : i32
      %lt3A_44 = arith.cmpi slt, %rem3A_40, %lt3A_43 : i32
      %lt3A_45 = arith.constant 0 : i32
      %lt3A_46 = arith.cmpi slt, %select_n3A_39, %lt3A_45 : i32
      %ne3A_47 = arith.xori %lt3A_44, %lt3A_46 : i1
      %and3A_48 = arith.andi %ne3A_47, %ne3A_42 : i1
      %add3A_49 = arith.addi %rem3A_40, %select_n3A_39 : i32
      %select_n3A_50 = arith.select %and3A_48, %add3A_49, %rem3A_40 : i32
      %eq3A_51 = arith.constant 1 : i32
      %eq3A_52 = arith.cmpi eq, %select_n3A_50, %eq3A_51 : i32
      %convert_element_type3A_53 = arith.extui %eq3A_52 : i1 to i32
      %cond3A_54 = arith.constant 0 : i32
      %cond3A_55 = arith.cmpi ne, %convert_element_type3A_53, %cond3A_54 : i32
      scf.if %cond3A_55 {
        %add3A_57 = arith.constant 1 : i32
        %add3A_58 = arith.addi %scan3A_21, %add3A_57 : i32
        %mul3A_59 = arith.constant 256 : i32
        %mul3A_60 = arith.muli %add3A_58, %mul3A_59 : i32
        %dma_start3A_61 = tpu.memref_slice %arg5[%mul3A_60] : memref<4096xi32, #tpu.memory_space<vmem>> -> memref<256xi32, #tpu.memory_space<vmem>>
        %dma_start3A_62 = arith.constant 0 : i32
        %dma_start3A_63 = arith.constant 0 : i32
        %dma_start3A_64 = tpu.memref_slice %arg3[%dma_start3A_62, %dma_start3A_63] : memref<139264x128xf32, #tpu.memory_space<hbm>> -> memref<139264x128xf32, #tpu.memory_space<hbm>>
        tpu.enqueue_indirect_dma source(%dma_start3A_64 : memref<139264x128xf32, #tpu.memory_space<hbm>>) target(%arg6 : memref<256x128xf32, #tpu.memory_space<vmem>>) offsets(%dma_start3A_61 : memref<256xi32, #tpu.memory_space<vmem>>) semaphore(%arg8 : memref<!tpu.dma_semaphore, #tpu.memory_space<semaphore_mem>>)
        %mul3A_65 = arith.constant 256 : i32
        %mul3A_66 = arith.muli %scan3A_21, %mul3A_65 : i32
        %add3A_67 = arith.addi %mul3A_4, %mul3A_66 : i32
        "tpu.region"() ({
          %run_scoped3A = tpu.sem_alloc : memref<!tpu.dma_semaphore, #tpu.memory_space<semaphore_mem>>
          %dma_start3A_72 = arith.constant 0 : i32
          %dma_start3A_73 = tpu.memref_slice %arg4[%add3A_67, %dma_start3A_72] : memref<131072x128xf32, #tpu.memory_space<hbm>> -> memref<256x128xf32, #tpu.memory_space<hbm>>
          %dma_start3A_74 = arith.constant 0 : i32
          %dma_start3A_75 = tpu.memref_slice %arg4[%add3A_67, %dma_start3A_74] : memref<131072x128xf32, #tpu.memory_space<hbm>> -> memref<256x128xf32, #tpu.memory_space<hbm>>
          tpu.enqueue_dma source(%arg7 : memref<256x128xf32, #tpu.memory_space<vmem>>) target(%dma_start3A_75 : memref<256x128xf32, #tpu.memory_space<hbm>>) target_semaphore(%run_scoped3A : memref<!tpu.dma_semaphore, #tpu.memory_space<semaphore_mem>>)
          %dma_wait3A_76 = arith.constant 0 : i32
          %dma_wait3A_77 = tpu.memref_slice %arg4[%add3A_67, %dma_wait3A_76] : memref<131072x128xf32, #tpu.memory_space<hbm>> -> memref<256x128xf32, #tpu.memory_space<hbm>>
          %dma_wait3A_78 = arith.constant 0 : i32
          %dma_wait3A_79 = tpu.memref_slice %arg4[%add3A_67, %dma_wait3A_78] : memref<131072x128xf32, #tpu.memory_space<hbm>> -> memref<256x128xf32, #tpu.memory_space<hbm>>
          tpu.wait_dma2 semaphore(%run_scoped3A : memref<!tpu.dma_semaphore, #tpu.memory_space<semaphore_mem>>) src(%arg7 : memref<256x128xf32, #tpu.memory_space<vmem>>) dst(%dma_wait3A_79 : memref<256x128xf32, #tpu.memory_space<hbm>>)
          tpu.yield
        }) : () -> ()
        %dma_wait3A_68 = tpu.memref_slice %arg5[%mul3A_60] : memref<4096xi32, #tpu.memory_space<vmem>> -> memref<256xi32, #tpu.memory_space<vmem>>
        %dma_wait3A_69 = arith.constant 0 : i32
        %dma_wait3A_70 = arith.constant 0 : i32
        %dma_wait3A_71 = tpu.memref_slice %arg3[%dma_wait3A_69, %dma_wait3A_70] : memref<139264x128xf32, #tpu.memory_space<hbm>> -> memref<139264x128xf32, #tpu.memory_space<hbm>>
        tpu.wait_indirect_dma semaphore(%arg8 : memref<!tpu.dma_semaphore, #tpu.memory_space<semaphore_mem>>) src(%dma_wait3A_71 : memref<139264x128xf32, #tpu.memory_space<hbm>>) dst(%arg6 : memref<256x128xf32, #tpu.memory_space<vmem>>)
      } else {
      }
      %scan3A_56 = arith.constant 0 : i32
      scf.yield %scan3A_56 : i32
    }
    %scan3A_18 = arith.constant 15 : i32
    %add3A_19 = arith.constant 3840 : i32
    %add3A_20 = arith.addi %mul3A_4, %add3A_19 : i32
    "tpu.region"() ({
      %run_scoped3A = tpu.sem_alloc : memref<!tpu.dma_semaphore, #tpu.memory_space<semaphore_mem>>
      %dma_start3A_21 = arith.constant 0 : i32
      %dma_start3A_22 = tpu.memref_slice %arg4[%add3A_20, %dma_start3A_21] : memref<131072x128xf32, #tpu.memory_space<hbm>> -> memref<256x128xf32, #tpu.memory_space<hbm>>
      %dma_start3A_23 = arith.constant 0 : i32
      %dma_start3A_24 = tpu.memref_slice %arg4[%add3A_20, %dma_start3A_23] : memref<131072x128xf32, #tpu.memory_space<hbm>> -> memref<256x128xf32, #tpu.memory_space<hbm>>
      tpu.enqueue_dma source(%arg7 : memref<256x128xf32, #tpu.memory_space<vmem>>) target(%dma_start3A_24 : memref<256x128xf32, #tpu.memory_space<hbm>>) target_semaphore(%run_scoped3A : memref<!tpu.dma_semaphore, #tpu.memory_space<semaphore_mem>>)
      %dma_wait3A_25 = arith.constant 0 : i32
      %dma_wait3A_26 = tpu.memref_slice %arg4[%add3A_20, %dma_wait3A_25] : memref<131072x128xf32, #tpu.memory_space<hbm>> -> memref<256x128xf32, #tpu.memory_space<hbm>>
      %dma_wait3A_27 = arith.constant 0 : i32
      %dma_wait3A_28 = tpu.memref_slice %arg4[%add3A_20, %dma_wait3A_27] : memref<131072x128xf32, #tpu.memory_space<hbm>> -> memref<256x128xf32, #tpu.memory_space<hbm>>
      tpu.wait_dma2 semaphore(%run_scoped3A : memref<!tpu.dma_semaphore, #tpu.memory_space<semaphore_mem>>) src(%arg7 : memref<256x128xf32, #tpu.memory_space<vmem>>) dst(%dma_wait3A_28 : memref<256x128xf32, #tpu.memory_space<hbm>>)
      tpu.yield
    }) : () -> ()
    return
  }
}

module attributes {stable_mosaic.version = 14 : i64} {
  func.func @_pe_body(%arg0: i32, %arg1: memref<2048x3xf32, #tpu.memory_space<vmem>>, %arg2: memref<2048x128xf32, #tpu.memory_space<vmem>>) attributes {dimension_semantics = [#tpu.dimension_semantics<arbitrary>], iteration_bounds = array<i64: 64>, scalar_prefetch = 0 : i64, scratch_operands = 0 : i64, tpu.core_type = #tpu.core_type<tc>, window_params = [{transform_indices = @transform_0, window_bounds = array<i64: 2048, 3>}, {transform_indices = @transform_1, window_bounds = array<i64: 2048, 128>}]} {
    %get3A = arith.constant 0 : index
    %get3A_0 = arith.constant 0 : index
    %get3A_1 = vector.load %arg1[%get3A, %get3A_0] : memref<2048x3xf32, #tpu.memory_space<vmem>>, vector<2048x3xf32>
    %iota3A = tpu.iota {dimensions = array<i32: 1>} : vector<2048x128xi32>
    %iota3A_2 = tpu.iota {dimensions = array<i32: 1>} : vector<3x128xi32>
    %iota3A_3 = tpu.iota {dimensions = array<i32: 0>} : vector<3x128xi32>
    %sub3A = arith.constant 3 : i32
    %sub3A_4 = vector.broadcast %sub3A : i32 to vector<3x128xi32>
    %sub3A_5 = arith.subi %iota3A_2, %sub3A_4 : vector<3x128xi32>
    %jit3A = arith.constant 6 : i32
    %eq3A = arith.constant 0 : i32
    %eq3A_6 = arith.cmpi eq, %jit3A, %eq3A : i32
    %jit3A_7 = arith.constant 1 : i32
    %select_n3A = arith.select %eq3A_6, %jit3A_7, %jit3A : i32
    %rem3A = vector.broadcast %select_n3A : i32 to vector<3x128xi32>
    %rem3A_8 = arith.remsi %sub3A_5, %rem3A : vector<3x128xi32>
    %ne3A = arith.constant 0 : i32
    %ne3A_9 = vector.broadcast %ne3A : i32 to vector<3x128xi32>
    %ne3A_10 = arith.cmpi ne, %rem3A_8, %ne3A_9 : vector<3x128xi32>
    %lt3A = arith.constant 0 : i32
    %lt3A_11 = vector.broadcast %lt3A : i32 to vector<3x128xi32>
    %lt3A_12 = arith.cmpi slt, %rem3A_8, %lt3A_11 : vector<3x128xi32>
    %lt3A_13 = arith.constant 0 : i32
    %lt3A_14 = arith.cmpi slt, %select_n3A, %lt3A_13 : i32
    %ne3A_15 = vector.broadcast %lt3A_14 : i1 to vector<3x128xi1>
    %ne3A_16 = vector.broadcast %ne3A_15 : vector<3x128xi1> to vector<3x128xi1>
    %ne3A_17 = arith.xori %lt3A_12, %ne3A_16 : vector<3x128xi1>
    %and3A = arith.andi %ne3A_17, %ne3A_10 : vector<3x128xi1>
    %add3A = vector.broadcast %select_n3A : i32 to vector<3x128xi32>
    %add3A_18 = arith.addi %rem3A_8, %add3A : vector<3x128xi32>
    %select_n3A_19 = arith.select %and3A, %add3A_18, %rem3A_8 : vector<3x128xi1>, vector<3x128xi32>
    %lt3A_20 = arith.constant 3 : i32
    %lt3A_21 = vector.broadcast %lt3A_20 : i32 to vector<3x128xi32>
    %lt3A_22 = arith.cmpi slt, %iota3A_2, %lt3A_21 : vector<3x128xi32>
    %jit3A_23 = arith.constant 3 : i32
    %eq3A_24 = arith.constant 0 : i32
    %eq3A_25 = arith.cmpi eq, %jit3A_23, %eq3A_24 : i32
    %jit3A_26 = arith.constant 1 : i32
    %select_n3A_27 = arith.select %eq3A_25, %jit3A_26, %jit3A_23 : i32
    %rem3A_28 = vector.broadcast %select_n3A_27 : i32 to vector<3x128xi32>
    %rem3A_29 = arith.remsi %select_n3A_19, %rem3A_28 : vector<3x128xi32>
    %ne3A_30 = arith.constant 0 : i32
    %ne3A_31 = vector.broadcast %ne3A_30 : i32 to vector<3x128xi32>
    %ne3A_32 = arith.cmpi ne, %rem3A_29, %ne3A_31 : vector<3x128xi32>
    %lt3A_33 = arith.constant 0 : i32
    %lt3A_34 = vector.broadcast %lt3A_33 : i32 to vector<3x128xi32>
    %lt3A_35 = arith.cmpi slt, %rem3A_29, %lt3A_34 : vector<3x128xi32>
    %lt3A_36 = arith.constant 0 : i32
    %lt3A_37 = arith.cmpi slt, %select_n3A_27, %lt3A_36 : i32
    %ne3A_38 = vector.broadcast %lt3A_37 : i1 to vector<3x128xi1>
    %ne3A_39 = vector.broadcast %ne3A_38 : vector<3x128xi1> to vector<3x128xi1>
    %ne3A_40 = arith.xori %lt3A_35, %ne3A_39 : vector<3x128xi1>
    %and3A_41 = arith.andi %ne3A_40, %ne3A_32 : vector<3x128xi1>
    %add3A_42 = vector.broadcast %select_n3A_27 : i32 to vector<3x128xi32>
    %add3A_43 = arith.addi %rem3A_29, %add3A_42 : vector<3x128xi32>
    %select_n3A_44 = arith.select %and3A_41, %add3A_43, %rem3A_29 : vector<3x128xi1>, vector<3x128xi32>
    %select_n3A_45 = arith.select %lt3A_22, %iota3A_2, %select_n3A_44 : vector<3x128xi1>, vector<3x128xi32>
    %eq3A_46 = arith.cmpi eq, %select_n3A_45, %iota3A_3 : vector<3x128xi32>
    %jit3A_47 = arith.constant 1.000000e+00 : f32
    %jit3A_48 = arith.constant 0.000000e+00 : f32
    %broadcast_in_dim3A = vector.broadcast %jit3A_47 : f32 to vector<3x128xf32>
    %broadcast_in_dim3A_49 = vector.broadcast %jit3A_48 : f32 to vector<3x128xf32>
    %select_n3A_50 = arith.select %eq3A_46, %broadcast_in_dim3A, %broadcast_in_dim3A_49 : vector<3x128xi1>, vector<3x128xf32>
    %dot_general3A = arith.constant dense<0.000000e+00> : vector<2048x128xf32>
    %dot_general3A_51 = tpu.matmul %get3A_1, %select_n3A_50, %dot_general3A {dimension_numbers = #tpu.dot_dimension_numbers<[1], [0], [0], [1], [0, 0, 1, 1], [], []>, transpose_lhs_hint = false} : vector<2048x3xf32>, vector<3x128xf32>, vector<2048x128xf32> -> vector<2048x128xf32>
    %iota3A_52 = tpu.iota {dimensions = array<i32: 1>} : vector<2048x128xi32>
    %sub3A_53 = arith.constant 3 : i32
    %sub3A_54 = vector.broadcast %sub3A_53 : i32 to vector<2048x128xi32>
    %sub3A_55 = arith.subi %iota3A_52, %sub3A_54 : vector<2048x128xi32>
    %max3A = arith.constant 0 : i32
    %max3A_56 = vector.broadcast %max3A : i32 to vector<2048x128xi32>
    %max3A_57 = arith.maxsi %sub3A_55, %max3A_56 : vector<2048x128xi32>
    %jit3A_58 = arith.constant 6 : i32
    %div3A = vector.broadcast %jit3A_58 : i32 to vector<2048x128xi32>
    %div3A_59 = arith.divsi %max3A_57, %div3A : vector<2048x128xi32>
    %sign3A = arith.constant 0 : i32
    %sign3A_60 = vector.broadcast %sign3A : i32 to vector<2048x128xi32>
    %sign3A_61 = arith.cmpi sgt, %max3A_57, %sign3A_60 : vector<2048x128xi32>
    %sign3A_62 = arith.extui %sign3A_61 : vector<2048x128xi1> to vector<2048x128xi32>
    %sign3A_63 = arith.constant 0 : i32
    %sign3A_64 = vector.broadcast %sign3A_63 : i32 to vector<2048x128xi32>
    %sign3A_65 = arith.cmpi slt, %max3A_57, %sign3A_64 : vector<2048x128xi32>
    %sign3A_66 = arith.extui %sign3A_65 : vector<2048x128xi1> to vector<2048x128xi32>
    %sign3A_67 = arith.subi %sign3A_62, %sign3A_66 : vector<2048x128xi32>
    %sign3A_68 = arith.constant 0 : i32
    %sign3A_69 = arith.cmpi sgt, %jit3A_58, %sign3A_68 : i32
    %sign3A_70 = arith.extui %sign3A_69 : i1 to i32
    %sign3A_71 = arith.constant 0 : i32
    %sign3A_72 = arith.cmpi slt, %jit3A_58, %sign3A_71 : i32
    %sign3A_73 = arith.extui %sign3A_72 : i1 to i32
    %sign3A_74 = arith.subi %sign3A_70, %sign3A_73 : i32
    %ne3A_75 = vector.broadcast %sign3A_74 : i32 to vector<2048x128xi32>
    %ne3A_76 = arith.cmpi ne, %sign3A_67, %ne3A_75 : vector<2048x128xi32>
    %rem3A_77 = vector.broadcast %jit3A_58 : i32 to vector<2048x128xi32>
    %rem3A_78 = arith.remsi %max3A_57, %rem3A_77 : vector<2048x128xi32>
    %ne3A_79 = arith.constant 0 : i32
    %ne3A_80 = vector.broadcast %ne3A_79 : i32 to vector<2048x128xi32>
    %ne3A_81 = arith.cmpi ne, %rem3A_78, %ne3A_80 : vector<2048x128xi32>
    %and3A_82 = arith.andi %ne3A_76, %ne3A_81 : vector<2048x128xi1>
    %sub3A_83 = arith.constant 1 : i32
    %sub3A_84 = vector.broadcast %sub3A_83 : i32 to vector<2048x128xi32>
    %sub3A_85 = arith.subi %div3A_59, %sub3A_84 : vector<2048x128xi32>
    %select_n3A_86 = arith.select %and3A_82, %sub3A_85, %div3A_59 : vector<2048x128xi1>, vector<2048x128xi32>
    %convert_element_type3A = arith.sitofp %select_n3A_86 : vector<2048x128xi32> to vector<2048x128xf32>
    %exp23A = math.exp2 %convert_element_type3A : vector<2048x128xf32>
    %sub3A_87 = arith.constant 3 : i32
    %sub3A_88 = vector.broadcast %sub3A_87 : i32 to vector<2048x128xi32>
    %sub3A_89 = arith.subi %iota3A, %sub3A_88 : vector<2048x128xi32>
    %jit3A_90 = arith.constant 6 : i32
    %eq3A_91 = arith.constant 0 : i32
    %eq3A_92 = arith.cmpi eq, %jit3A_90, %eq3A_91 : i32
    %jit3A_93 = arith.constant 1 : i32
    %select_n3A_94 = arith.select %eq3A_92, %jit3A_93, %jit3A_90 : i32
    %rem3A_95 = vector.broadcast %select_n3A_94 : i32 to vector<2048x128xi32>
    %rem3A_96 = arith.remsi %sub3A_89, %rem3A_95 : vector<2048x128xi32>
    %ne3A_97 = arith.constant 0 : i32
    %ne3A_98 = vector.broadcast %ne3A_97 : i32 to vector<2048x128xi32>
    %ne3A_99 = arith.cmpi ne, %rem3A_96, %ne3A_98 : vector<2048x128xi32>
    %lt3A_100 = arith.constant 0 : i32
    %lt3A_101 = vector.broadcast %lt3A_100 : i32 to vector<2048x128xi32>
    %lt3A_102 = arith.cmpi slt, %rem3A_96, %lt3A_101 : vector<2048x128xi32>
    %lt3A_103 = arith.constant 0 : i32
    %lt3A_104 = arith.cmpi slt, %select_n3A_94, %lt3A_103 : i32
    %ne3A_105 = vector.broadcast %lt3A_104 : i1 to vector<2048x128xi1>
    %ne3A_106 = vector.broadcast %ne3A_105 : vector<2048x128xi1> to vector<2048x128xi1>
    %ne3A_107 = arith.xori %lt3A_102, %ne3A_106 : vector<2048x128xi1>
    %and3A_108 = arith.andi %ne3A_107, %ne3A_99 : vector<2048x128xi1>
    %add3A_109 = vector.broadcast %select_n3A_94 : i32 to vector<2048x128xi32>
    %add3A_110 = arith.addi %rem3A_96, %add3A_109 : vector<2048x128xi32>
    %select_n3A_111 = arith.select %and3A_108, %add3A_110, %rem3A_96 : vector<2048x128xi1>, vector<2048x128xi32>
    %ge3A = arith.constant 3 : i32
    %ge3A_112 = vector.broadcast %ge3A : i32 to vector<2048x128xi32>
    %ge3A_113 = arith.cmpi sge, %select_n3A_111, %ge3A_112 : vector<2048x128xi32>
    %jit3A_114 = arith.constant 5.000000e-01 : f32
    %jit3A_115 = arith.constant 0.000000e+00 : f32
    %broadcast_in_dim3A_116 = vector.broadcast %jit3A_114 : f32 to vector<2048x128xf32>
    %broadcast_in_dim3A_117 = vector.broadcast %jit3A_115 : f32 to vector<2048x128xf32>
    %select_n3A_118 = arith.select %ge3A_113, %broadcast_in_dim3A_116, %broadcast_in_dim3A_117 : vector<2048x128xi1>, vector<2048x128xf32>
    %mul3A = arith.constant 5.000000e-01 : f32
    %mul3A_119 = vector.broadcast %mul3A : f32 to vector<2048x128xf32>
    %mul3A_120 = arith.mulf %dot_general3A_51, %mul3A_119 : vector<2048x128xf32>
    %round3A = math.roundeven %mul3A_120 : vector<2048x128xf32>
    %mul3A_121 = arith.constant 2.000000e+00 : f32
    %mul3A_122 = vector.broadcast %mul3A_121 : f32 to vector<2048x128xf32>
    %mul3A_123 = arith.mulf %mul3A_122, %round3A : vector<2048x128xf32>
    %sub3A_124 = arith.subf %dot_general3A_51, %mul3A_123 : vector<2048x128xf32>
    %mul3A_125 = arith.mulf %sub3A_124, %exp23A : vector<2048x128xf32>
    %add3A_126 = arith.addf %mul3A_125, %select_n3A_118 : vector<2048x128xf32>
    %mul3A_127 = arith.constant 5.000000e-01 : f32
    %mul3A_128 = vector.broadcast %mul3A_127 : f32 to vector<2048x128xf32>
    %mul3A_129 = arith.mulf %add3A_126, %mul3A_128 : vector<2048x128xf32>
    %round3A_130 = math.roundeven %mul3A_129 : vector<2048x128xf32>
    %mul3A_131 = arith.constant 2.000000e+00 : f32
    %mul3A_132 = vector.broadcast %mul3A_131 : f32 to vector<2048x128xf32>
    %mul3A_133 = arith.mulf %mul3A_132, %round3A_130 : vector<2048x128xf32>
    %sub3A_134 = arith.subf %add3A_126, %mul3A_133 : vector<2048x128xf32>
    %abs3A = math.absf %sub3A_134 : vector<2048x128xf32>
    %sub3A_135 = arith.constant 1.000000e+00 : f32
    %sub3A_136 = vector.broadcast %sub3A_135 : f32 to vector<2048x128xf32>
    %sub3A_137 = arith.subf %sub3A_136, %abs3A : vector<2048x128xf32>
    %min3A = arith.minimumf %abs3A, %sub3A_137 : vector<2048x128xf32>
    %lt3A_138 = arith.constant 0.000000e+00 : f32
    %lt3A_139 = vector.broadcast %lt3A_138 : f32 to vector<2048x128xf32>
    %lt3A_140 = arith.cmpf olt, %sub3A_134, %lt3A_139 : vector<2048x128xf32>
    %neg3A = arith.constant 0.000000e+00 : f32
    %neg3A_141 = vector.broadcast %neg3A : f32 to vector<2048x128xf32>
    %neg3A_142 = arith.subf %neg3A_141, %min3A : vector<2048x128xf32>
    %select_n3A_143 = arith.select %lt3A_140, %neg3A_142, %min3A : vector<2048x128xi1>, vector<2048x128xf32>
    %mul3A_144 = arith.mulf %select_n3A_143, %select_n3A_143 : vector<2048x128xf32>
    %mul3A_145 = arith.constant -0.00737043098 : f32
    %mul3A_146 = vector.broadcast %mul3A_145 : f32 to vector<2048x128xf32>
    %mul3A_147 = arith.mulf %mul3A_146, %mul3A_144 : vector<2048x128xf32>
    %add3A_148 = arith.constant 0.0821458846 : f32
    %add3A_149 = vector.broadcast %add3A_148 : f32 to vector<2048x128xf32>
    %add3A_150 = arith.addf %mul3A_147, %add3A_149 : vector<2048x128xf32>
    %mul3A_151 = arith.mulf %add3A_150, %mul3A_144 : vector<2048x128xf32>
    %sub3A_152 = arith.constant 0.599264503 : f32
    %sub3A_153 = vector.broadcast %sub3A_152 : f32 to vector<2048x128xf32>
    %sub3A_154 = arith.subf %mul3A_151, %sub3A_153 : vector<2048x128xf32>
    %mul3A_155 = arith.mulf %sub3A_154, %mul3A_144 : vector<2048x128xf32>
    %add3A_156 = arith.constant 2.55016398 : f32
    %add3A_157 = vector.broadcast %add3A_156 : f32 to vector<2048x128xf32>
    %add3A_158 = arith.addf %mul3A_155, %add3A_157 : vector<2048x128xf32>
    %mul3A_159 = arith.mulf %add3A_158, %mul3A_144 : vector<2048x128xf32>
    %sub3A_160 = arith.constant 5.16771269 : f32
    %sub3A_161 = vector.broadcast %sub3A_160 : f32 to vector<2048x128xf32>
    %sub3A_162 = arith.subf %mul3A_159, %sub3A_161 : vector<2048x128xf32>
    %mul3A_163 = arith.mulf %sub3A_162, %mul3A_144 : vector<2048x128xf32>
    %add3A_164 = arith.constant 3.14159274 : f32
    %add3A_165 = vector.broadcast %add3A_164 : f32 to vector<2048x128xf32>
    %add3A_166 = arith.addf %mul3A_163, %add3A_165 : vector<2048x128xf32>
    %mul3A_167 = arith.mulf %select_n3A_143, %add3A_166 : vector<2048x128xf32>
    %lt3A_168 = arith.constant 3 : i32
    %lt3A_169 = vector.broadcast %lt3A_168 : i32 to vector<2048x128xi32>
    %lt3A_170 = arith.cmpi slt, %iota3A, %lt3A_169 : vector<2048x128xi32>
    %lt3A_171 = arith.constant 63 : i32
    %lt3A_172 = vector.broadcast %lt3A_171 : i32 to vector<2048x128xi32>
    %lt3A_173 = arith.cmpi slt, %iota3A, %lt3A_172 : vector<2048x128xi32>
    %jit3A_174 = arith.constant 0.000000e+00 : f32
    %broadcast_in_dim3A_175 = vector.broadcast %jit3A_174 : f32 to vector<2048x128xf32>
    %select_n3A_176 = arith.select %lt3A_173, %mul3A_167, %broadcast_in_dim3A_175 : vector<2048x128xi1>, vector<2048x128xf32>
    %select_n3A_177 = arith.select %lt3A_170, %dot_general3A_51, %select_n3A_176 : vector<2048x128xi1>, vector<2048x128xf32>
    %swap3A = arith.constant 0 : index
    %swap3A_178 = arith.constant 0 : index
    %swap3A_179 = vector.load %arg2[%swap3A, %swap3A_178] : memref<2048x128xf32, #tpu.memory_space<vmem>>, vector<2048x128xf32>
    tpu.vector_store %arg2[%swap3A, %swap3A_178], %select_n3A_177 {strides = array<i32>} : memref<2048x128xf32, #tpu.memory_space<vmem>>, vector<2048x128xf32>,
    return
  }
  func.func @transform_0(%arg0: i32) -> (i32, i32) {
    %c0_i32 = arith.constant 0 : i32
    %c0_i32_0 = arith.constant 0 : i32
    return %arg0, %c0_i32 : i32, i32
  }
  func.func @transform_1(%arg0: i32) -> (i32, i32) {
    %c0_i32 = arith.constant 0 : i32
    %c0_i32_0 = arith.constant 0 : i32
    return %arg0, %c0_i32 : i32, i32
  }
}

module attributes {stable_mosaic.version = 14 : i64} {
  func.func @_mlp_body(%arg0: i32, %arg1: memref<272xi32, #tpu.memory_space<smem>>, %arg2: memref<512x128xf32, #tpu.memory_space<vmem>>, %arg3: memref<1x5x256x256xbf16, #tpu.memory_space<vmem>>, %arg4: memref<1x5x256xf32, #tpu.memory_space<vmem>>, %arg5: memref<512x128xf32, #tpu.memory_space<vmem>>) attributes {dimension_semantics = [#tpu.dimension_semantics<arbitrary>], iteration_bounds = array<i64: 272>, scalar_prefetch = 1 : i64, scratch_operands = 0 : i64, tpu.core_type = #tpu.core_type<tc>, window_params = [{transform_indices = @transform_0, window_bounds = array<i64: 512, 128>}, {transform_indices = @transform_1, window_bounds = array<i64: 1, 5, 256, 256>}, {transform_indices = @transform_2, window_bounds = array<i64: 1, 5, 256>}, {transform_indices = @transform_3, window_bounds = array<i64: 512, 128>}]} {
    %get3A = arith.constant 0 : index
    %get3A_0 = arith.constant 0 : index
    %get3A_1 = arith.constant 0 : index
    %get3A_2 = arith.constant 0 : index
    %get3A_3 = vector.load %arg3[%get3A, %get3A_0, %get3A_1, %get3A_2] : memref<1x5x256x256xbf16, #tpu.memory_space<vmem>>, vector<1x5x256x256xbf16>
    %get3A_4 = vector.shape_cast %get3A_3 : vector<1x5x256x256xbf16> to vector<5x256x256xbf16>
    %get3A_5 = arith.constant 0 : index
    %get3A_6 = arith.constant 0 : index
    %get3A_7 = arith.constant 0 : index
    %get3A_8 = vector.load %arg4[%get3A_5, %get3A_6, %get3A_7] : memref<1x5x256xf32, #tpu.memory_space<vmem>>, vector<1x5x256xf32>
    %get3A_9 = vector.shape_cast %get3A_8 : vector<1x5x256xf32> to vector<5x256xf32>
    %get3A_10 = arith.constant 0 : index
    %get3A_11 = arith.constant 0 : index
    %get3A_12 = vector.load %arg2[%get3A_10, %get3A_11] : memref<512x128xf32, #tpu.memory_space<vmem>>, vector<512x128xf32>
    %convert_element_type3A = arith.truncf %get3A_12 : vector<512x128xf32> to vector<512x128xbf16>
    %slice3A = vector.extract_strided_slice %get3A_4 {offsets = [0, 0, 0], sizes = [1, 128, 256], strides = [1, 1, 1]} : vector<5x256x256xbf16> to vector<1x128x256xbf16>
    %squeeze3A = vector.shape_cast %slice3A : vector<1x128x256xbf16> to vector<128x256xbf16>
    %dot_general3A = arith.constant dense<0.000000e+00> : vector<512x256xf32>
    %dot_general3A_13 = tpu.matmul %convert_element_type3A, %squeeze3A, %dot_general3A {dimension_numbers = #tpu.dot_dimension_numbers<[1], [0], [0], [1], [0, 0, 1, 1], [], []>, transpose_lhs_hint = false} : vector<512x128xbf16>, vector<128x256xbf16>, vector<512x256xf32> -> vector<512x256xf32>
    %slice3A_14 = vector.extract_strided_slice %get3A_9 {offsets = [0, 0], sizes = [1, 256], strides = [1, 1]} : vector<5x256xf32> to vector<1x256xf32>
    %add3A = vector.broadcast %slice3A_14 : vector<1x256xf32> to vector<512x256xf32>
    %add3A_15 = arith.addf %dot_general3A_13, %add3A : vector<512x256xf32>
    %tanh3A = math.tanh %add3A_15 : vector<512x256xf32>
    %convert_element_type3A_16 = arith.truncf %tanh3A : vector<512x256xf32> to vector<512x256xbf16>
    %slice3A_17 = vector.extract_strided_slice %get3A_4 {offsets = [1, 0, 0], sizes = [1, 256, 256], strides = [1, 1, 1]} : vector<5x256x256xbf16> to vector<1x256x256xbf16>
    %squeeze3A_18 = vector.shape_cast %slice3A_17 : vector<1x256x256xbf16> to vector<256x256xbf16>
    %dot_general3A_19 = arith.constant dense<0.000000e+00> : vector<512x256xf32>
    %dot_general3A_20 = tpu.matmul %convert_element_type3A_16, %squeeze3A_18, %dot_general3A_19 {dimension_numbers = #tpu.dot_dimension_numbers<[1], [0], [0], [1], [0, 0, 1, 1], [], []>, transpose_lhs_hint = false} : vector<512x256xbf16>, vector<256x256xbf16>, vector<512x256xf32> -> vector<512x256xf32>
    %slice3A_21 = vector.extract_strided_slice %get3A_9 {offsets = [1, 0], sizes = [1, 256], strides = [1, 1]} : vector<5x256xf32> to vector<1x256xf32>
    %add3A_22 = vector.broadcast %slice3A_21 : vector<1x256xf32> to vector<512x256xf32>
    %add3A_23 = arith.addf %dot_general3A_20, %add3A_22 : vector<512x256xf32>
    %tanh3A_24 = math.tanh %add3A_23 : vector<512x256xf32>
    %convert_element_type3A_25 = arith.truncf %tanh3A_24 : vector<512x256xf32> to vector<512x256xbf16>
    %slice3A_26 = vector.extract_strided_slice %get3A_4 {offsets = [2, 0, 0], sizes = [1, 256, 256], strides = [1, 1, 1]} : vector<5x256x256xbf16> to vector<1x256x256xbf16>
    %squeeze3A_27 = vector.shape_cast %slice3A_26 : vector<1x256x256xbf16> to vector<256x256xbf16>
    %dot_general3A_28 = arith.constant dense<0.000000e+00> : vector<512x256xf32>
    %dot_general3A_29 = tpu.matmul %convert_element_type3A_25, %squeeze3A_27, %dot_general3A_28 {dimension_numbers = #tpu.dot_dimension_numbers<[1], [0], [0], [1], [0, 0, 1, 1], [], []>, transpose_lhs_hint = false} : vector<512x256xbf16>, vector<256x256xbf16>, vector<512x256xf32> -> vector<512x256xf32>
    %slice3A_30 = vector.extract_strided_slice %get3A_9 {offsets = [2, 0], sizes = [1, 256], strides = [1, 1]} : vector<5x256xf32> to vector<1x256xf32>
    %add3A_31 = vector.broadcast %slice3A_30 : vector<1x256xf32> to vector<512x256xf32>
    %add3A_32 = arith.addf %dot_general3A_29, %add3A_31 : vector<512x256xf32>
    %tanh3A_33 = math.tanh %add3A_32 : vector<512x256xf32>
    %convert_element_type3A_34 = arith.truncf %tanh3A_33 : vector<512x256xf32> to vector<512x256xbf16>
    %slice3A_35 = vector.extract_strided_slice %get3A_4 {offsets = [3, 0, 0], sizes = [1, 256, 256], strides = [1, 1, 1]} : vector<5x256x256xbf16> to vector<1x256x256xbf16>
    %squeeze3A_36 = vector.shape_cast %slice3A_35 : vector<1x256x256xbf16> to vector<256x256xbf16>
    %dot_general3A_37 = arith.constant dense<0.000000e+00> : vector<512x256xf32>
    %dot_general3A_38 = tpu.matmul %convert_element_type3A_34, %squeeze3A_36, %dot_general3A_37 {dimension_numbers = #tpu.dot_dimension_numbers<[1], [0], [0], [1], [0, 0, 1, 1], [], []>, transpose_lhs_hint = false} : vector<512x256xbf16>, vector<256x256xbf16>, vector<512x256xf32> -> vector<512x256xf32>
    %slice3A_39 = vector.extract_strided_slice %get3A_9 {offsets = [3, 0], sizes = [1, 256], strides = [1, 1]} : vector<5x256xf32> to vector<1x256xf32>
    %add3A_40 = vector.broadcast %slice3A_39 : vector<1x256xf32> to vector<512x256xf32>
    %add3A_41 = arith.addf %dot_general3A_38, %add3A_40 : vector<512x256xf32>
    %tanh3A_42 = math.tanh %add3A_41 : vector<512x256xf32>
    %convert_element_type3A_43 = arith.truncf %tanh3A_42 : vector<512x256xf32> to vector<512x256xbf16>
    %slice3A_44 = vector.extract_strided_slice %get3A_4 {offsets = [4, 0, 0], sizes = [1, 256, 128], strides = [1, 1, 1]} : vector<5x256x256xbf16> to vector<1x256x128xbf16>
    %squeeze3A_45 = vector.shape_cast %slice3A_44 : vector<1x256x128xbf16> to vector<256x128xbf16>
    %dot_general3A_46 = arith.constant dense<0.000000e+00> : vector<512x128xf32>
    %dot_general3A_47 = tpu.matmul %convert_element_type3A_43, %squeeze3A_45, %dot_general3A_46 {dimension_numbers = #tpu.dot_dimension_numbers<[1], [0], [0], [1], [0, 0, 1, 1], [], []>, transpose_lhs_hint = false} : vector<512x256xbf16>, vector<256x128xbf16>, vector<512x128xf32> -> vector<512x128xf32>
    %slice3A_48 = vector.extract_strided_slice %get3A_9 {offsets = [4, 0], sizes = [1, 128], strides = [1, 1]} : vector<5x256xf32> to vector<1x128xf32>
    %add3A_49 = vector.broadcast %slice3A_48 : vector<1x128xf32> to vector<512x128xf32>
    %add3A_50 = arith.addf %dot_general3A_47, %add3A_49 : vector<512x128xf32>
    %swap3A = arith.constant 0 : index
    %swap3A_51 = arith.constant 0 : index
    %swap3A_52 = vector.load %arg5[%swap3A, %swap3A_51] : memref<512x128xf32, #tpu.memory_space<vmem>>, vector<512x128xf32>
    tpu.vector_store %arg5[%swap3A, %swap3A_51], %add3A_50 {strides = array<i32>} : memref<512x128xf32, #tpu.memory_space<vmem>>, vector<512x128xf32>,
    return
  }
  func.func @transform_0(%arg0: i32, %arg1: memref<272xi32, #tpu.memory_space<smem>>) -> (i32, i32) {
    %c0_i32 = arith.constant 0 : i32
    %c0_i32_0 = arith.constant 0 : i32
    return %arg0, %c0_i32 : i32, i32
  }
  func.func @transform_1(%arg0: i32, %arg1: memref<272xi32, #tpu.memory_space<smem>>) -> (i32, i32, i32, i32) {
    %get3A = arith.index_cast %arg0 : i32 to index
    %get3A_0 = memref.load %arg1[%get3A] : memref<272xi32, #tpu.memory_space<smem>>
    %c0_i32 = arith.constant 0 : i32
    %c0_i32_1 = arith.constant 0 : i32
    %c0_i32_2 = arith.constant 0 : i32
    %c0_i32_3 = arith.constant 0 : i32
    return %get3A_0, %c0_i32, %c0_i32_1, %c0_i32_2 : i32, i32, i32, i32
  }
  func.func @transform_2(%arg0: i32, %arg1: memref<272xi32, #tpu.memory_space<smem>>) -> (i32, i32, i32) {
    %get3A = arith.index_cast %arg0 : i32 to index
    %get3A_0 = memref.load %arg1[%get3A] : memref<272xi32, #tpu.memory_space<smem>>
    %c0_i32 = arith.constant 0 : i32
    %c0_i32_1 = arith.constant 0 : i32
    %c0_i32_2 = arith.constant 0 : i32
    return %get3A_0, %c0_i32, %c0_i32_1 : i32, i32, i32
  }
  func.func @transform_3(%arg0: i32, %arg1: memref<272xi32, #tpu.memory_space<smem>>) -> (i32, i32) {
    %c0_i32 = arith.constant 0 : i32
    %c0_i32_0 = arith.constant 0 : i32
    return %arg0, %c0_i32 : i32, i32
  }
}

module attributes {stable_mosaic.version = 14 : i64} {
  func.func @_narrow_body(%arg0: i32, %arg1: memref<1024x128xf32, #tpu.memory_space<vmem>>, %arg2: memref<1024x56xf32, #tpu.memory_space<vmem>>) attributes {dimension_semantics = [#tpu.dimension_semantics<arbitrary>], iteration_bounds = array<i64: 128>, scalar_prefetch = 0 : i64, scratch_operands = 0 : i64, tpu.core_type = #tpu.core_type<tc>, window_params = [{transform_indices = @transform_0, window_bounds = array<i64: 1024, 128>}, {transform_indices = @transform_1, window_bounds = array<i64: 1024, 56>}]} {
    %get3A = arith.constant 0 : index
    %get3A_0 = arith.constant 0 : index
    %get3A_1 = vector.load %arg1[%get3A, %get3A_0] : memref<1024x128xf32, #tpu.memory_space<vmem>>, vector<1024x56xf32>
    %swap3A = arith.constant 0 : index
    %swap3A_2 = arith.constant 0 : index
    %swap3A_3 = vector.load %arg2[%swap3A, %swap3A_2] : memref<1024x56xf32, #tpu.memory_space<vmem>>, vector<1024x56xf32>
    tpu.vector_store %arg2[%swap3A, %swap3A_2], %get3A_1 {strides = array<i32>} : memref<1024x56xf32, #tpu.memory_space<vmem>>, vector<1024x56xf32>,
    return
  }
  func.func @transform_0(%arg0: i32) -> (i32, i32) {
    %c0_i32 = arith.constant 0 : i32
    %c0_i32_0 = arith.constant 0 : i32
    return %arg0, %c0_i32 : i32, i32
  }
  func.func @transform_1(%arg0: i32) -> (i32, i32) {
    %c0_i32 = arith.constant 0 : i32
    %c0_i32_0 = arith.constant 0 : i32
    return %arg0, %c0_i32 : i32, i32
  }
}

</mosaic_0001>

<sc_bundles>
// kernel: kernel.12.cloned.1.call-start
scs
__scs_entry_jumppad:
0x0: {  	(pc) =	sbr.rel $0x88, $3  }
0x1: {  	(tag) =	ssettag $0x0;
	lr =	simm.s32 $0x1  }
0x2: {  	[smem:$0x3F95] =	sst lr;
	_ =	strace $0xD0000000  }
0x3: {  	_ = 	snop  }
0x4: {  	_ = 	snop  }
0x5: {  	_ = 	snop  }
0x6: {  	_ = 	snop  }
0x7: {  	_ = 	snop  }
__scs_overlays_trampoline_lowered:
0x8: {  	[smem:$0x3FA4] =	sst s0  }
0x9: {  	[smem:$0x3FA5] =	sst s1  }
0xa: {  	[smem:$0x3FA6] =	sst s2  }
0xb: {  	[smem:$0x3FA7] =	sst s3  }
0xc: {  	[smem:$0x3FA8] =	sst s4  }
0xd: {  	[smem:$0x3FA9] =	sst s5  }
0xe: {  	[smem:$0x3FAA] =	sst s6  }
0xf: {  	[smem:$0x3FAB] =	sst s7  }
0x10: {  	[smem:$0x3FAC] =	sst s8  }
0x11: {  	[smem:$0x3FAD] =	sst s9;
	s0 =	simm.s32 @!p0 $0x0  }
0x12: {  	s1 =	sld [smem:$0x3F93];
	s0 =	simm.s32 @p0 $0x1  }
0x13: {  	[smem:$0x3FAE] =	sst s0;
	s0 =	simm.s32 @!p1 $0x0  }
0x14: {  	s2 =	sld [smem:$0x3F92];
	s0 =	simm.s32 @p1 $0x1  }
0x15: {  	[smem:$0x3FAF] =	sst s0;
	s0 =	simm.s32 @!p2 $0x0  }
0x16: {  	s3 =	sld [smem:$0x3FDB];
	s0 =	simm.s32 @p2 $0x1  }
0x17: {  	s4 =	simm.s32 $0x1BF5;
	[smem:$0x3FB1] =	sst s0  }
0x18: {  	s0 =	sld [smem:$0x3F94];
	_ =	swait.ge [sflag:s4], $0x0  }
0x19: {  	s7 =	sld [smem:$0x3F95]  }
0x1a: {  	s8 =	sadd.s32 $0xFFFFE003, lr  }
0x1b: {  	s9 =	sadd.s32 $0xFFFFFEF7, lr;
	s5 =	simm.s32 $0xFFFFFFFF;
	p2 =	slt.u32 s8, $0xFFFFF086  }
0x1c: {  	p1 =	slt.u32 s9, $0xF7A;
	s5 =	simm.s32 @!p2 $0x0  }
0x1d: {  	s5 =	simm.s32 @p1 $0x1;
	p0 =	seq.s32 s7, s2  }
0x1e: {  	s7 =	smul.u32 @!p0 $0xF7A, s2;
	p2 =	seq.s32 @!p0 s5, $0x0  }
0x1f: {  	s9 =	smul.u32 $0xF7A, s1;
	s8 =	simm.s32 @!p0 $0x1BF5;
	p2 =	por !p2, p0  }
0x20: {  	[sflag:s8] =	ssyncset.s32 @!p0 $0xFFFFF086;
	s6 =	sadd.s32 @!p0 s3, s7;
	s7 =	simm.s32 @!p0 $0x108  }
0x21: {  	s3 =	sadd.s32 s3, s9;
	s6 =	sadd.s32 @!p0 $0x88, s6;
	s7 =	simm.s32 @p2 $0x1082  }
0x22: {  	[simem:s7], [sflag:s8] =	dma.local @!p0 [hbm:s6], $0xF7A  }
0x23: {  	s9 =	sor.u32 $0xD0000000, s2;
	s6 =	simm.s32 $0x108;
	_ =	swait.ge @!p0 [sflag:s8], $0x0  }
0x24: {  	s3 =	sadd.s32 $0x88, s3;
	s6 =	simm.s32 @!p1 $0x1082;
	[sflag:s4] =	ssyncset.s32 $0xFFFFF086  }
0x25: {  	[simem:s6], [sflag:s4] =	dma.local [hbm:s3], $0xF7A  }
0x26: {  	[smem:$0x3F95] =	sst s1;
	(tag) =	ssettag s2;
	_ =	strace s9  }
0x27: {  	s1 =	sld [smem:$0x3FA5]  }
0x28: {  	s2 =	sld [smem:$0x3FA6]  }
0x29: {  	s4 =	sld [smem:$0x3FA8]  }
0x2a: {  	p0 =	seq.s32 s5, $0x0;
	s5 =	sld [smem:$0x3FA9]  }
0x2b: {  	s6 =	sld [smem:$0x3FAA]  }
0x2c: {  	s7 =	sld [smem:$0x3FAB]  }
0x2d: {  	s3 =	simm.s32 $0x108;
	s8 =	sld [smem:$0x3FAC]  }
0x2e: {  	s3 =	simm.s32 @!p0 $0x1082;
	s9 =	sld [smem:$0x3FAD]  }
0x2f: {  	lr =	sadd.s32 s0, s3;
	s0 =	sld [smem:$0x3FA4]  }
0x30: {  	s3 =	sld [smem:$0x3FA7]  }
0x31: {  	[smem:$0x3FB0] =	sst s10  }
0x32: {  	s10 =	sld [smem:$0x3FAE];
	_ =	sdelay $0x3  }
0x33: {  	p0 =	seq.s32 s10, $0x1;
	s10 =	sld [smem:$0x3FB0];
	_ =	sdelay $0x3  }
0x34: {  	[smem:$0x3FB0] =	sst s10  }
0x35: {  	s10 =	sld [smem:$0x3FAF];
	_ =	sdelay $0x3  }
0x36: {  	p1 =	seq.s32 s10, $0x1;
	s10 =	sld [smem:$0x3FB0];
	_ =	sdelay $0x3  }
0x37: {  	[smem:$0x3FB0] =	sst s10  }
0x38: {  	s10 =	sld [smem:$0x3FB1]  }
0x39: {  	_ = 	snop;
	(pc) =	sbr.ind lr, $3  }
0x3a: {  	_ = 	snop  }
0x3b: {  	_ = 	snop  }
0x3c: {  	p2 =	seq.s32 s10, $0x1;
	s10 =	sld [smem:$0x3FB0]  }
0x3d: {  	_ =	shalt  }
0x3e: {  	_ =	shalt  }
0x3f: {  	_ =	shalt  }
0x40: {  	_ =	shalt  }
0x41: {  	_ =	shalt  }
0x42: {  	_ =	shalt  }
0x43: {  	_ =	shalt  }
0x44: {  	_ =	shalt  }
0x45: {  	_ =	shalt  }
0x46: {  	_ =	shalt  }
0x47: {  	_ =	shalt  }
0x48: {  	_ =	shalt  }
0x49: {  	_ =	shalt  }
0x4a: {  	_ =	shalt  }
0x4b: {  	_ =	shalt  }
0x4c: {  	_ =	shalt  }
0x4d: {  	_ =	shalt  }
0x4e: {  	_ =	shalt  }
0x4f: {  	_ =	shalt  }
0x50: {  	_ =	shalt  }
0x51: {  	_ =	shalt  }
0x52: {  	_ =	shalt  }
0x53: {  	_ =	shalt  }
0x54: {  	_ =	shalt  }
0x55: {  	_ =	shalt  }
0x56: {  	_ =	shalt  }
0x57: {  	_ =	shalt  }
0x58: {  	_ =	shalt  }
0x59: {  	_ =	shalt  }
0x5a: {  	_ =	shalt  }
0x5b: {  	_ =	shalt  }
0x5c: {  	_ =	shalt  }
0x5d: {  	_ =	shalt  }
0x5e: {  	_ =	shalt  }
0x5f: {  	_ =	shalt  }
0x60: {  	_ =	shalt  }
0x61: {  	_ =	shalt  }
0x62: {  	_ =	shalt  }
0x63: {  	_ =	shalt  }
0x64: {  	_ =	shalt  }
0x65: {  	_ =	shalt  }
0x66: {  	_ =	shalt  }
0x67: {  	_ =	shalt  }
0x68: {  	_ =	shalt  }
0x69: {  	_ =	shalt  }
0x6a: {  	_ =	shalt  }
0x6b: {  	_ =	shalt  }
0x6c: {  	_ =	shalt  }
0x6d: {  	_ =	shalt  }
0x6e: {  	_ =	shalt  }
0x6f: {  	_ =	shalt  }
0x70: {  	_ =	shalt  }
0x71: {  	_ =	shalt  }
0x72: {  	_ =	shalt  }
0x73: {  	_ =	shalt  }
0x74: {  	_ =	shalt  }
0x75: {  	_ =	shalt  }
0x76: {  	_ =	shalt  }
0x77: {  	_ =	shalt  }
0x78: {  	_ =	shalt  }
0x79: {  	_ =	shalt  }
0x7a: {  	_ =	shalt  }
0x7b: {  	_ =	shalt  }
0x7c: {  	_ =	shalt  }
0x7d: {  	_ =	shalt  }
0x7e: {  	_ =	shalt  }
0x7f: {  	_ =	shalt  }
0x80: {  	_ =	shalt  }
0x81: {  	_ =	shalt  }
0x82: {  	_ =	shalt  }
0x83: {  	_ =	shalt  }
0x84: {  	_ =	shalt  }
0x85: {  	_ =	shalt  }
0x86: {  	_ =	shalt  }
0x87: {  	_ =	shalt  }
.Lfunc_end0:
.L_simem_size_0:
called_computation.1_lowered:
.L_overlay_start_0:
0x88: {  	s2 =	sld [smem:$0x3FD9]  }
0x89: {  	s3 =	sld [smem:$0x3FFE];
	_ =	sdelay $0x1  }
0x8a: {  	s1 =	srdreg.scid  }
0x8b: {  	s0 =	sand.u32 $0x1, s1  }
0x8c: {  	s17 =	sshll.u32 s0, $0xA;
	s2 =	sadd.s32 s3, s2  }
0x8d: {  	s2 =	sadd.s32 s2, s17  }
0x8e: {  	[smem:$0x3FBC] =	sst s2  }
0x8f: {  	_ = 	snop  }
0x90: {  	s2 =	sld [smem:$0x3FC8]  }
0x91: {  	s18 =	sld [smem:$0x3FD0];
	(tm) =	ssettm $0x1  }
0x92: {  	s4 =	sld [smem:$0x3FFB];
	_ =	sdelay $0x3  }
0x93: {  	_ =	strace s4  }
0x94: {  	s4 =	sld [smem:$0x3FFC];
	_ =	sdelay $0x3  }
0x95: {  	_ =	strace s4  }
0x96: {  	s4 =	sld [smem:$0x3FFD];
	_ =	sdelay $0x3  }
0x97: {  	_ =	strace s4  }
0x98: {  	_ =	strace $0x8FFFFFFF  }
0x99: {  	s19 =	sld [smem:$0x3FDB];
	_ =	sdelay $0x1  }
0x9a: {  	s5 =	simm.s32 $_scs_section_size  }
0x9b: {  	s6 =	simm.s32 $_size__tile_overlayer_lowered;
	s7 =	simm.s32 $_tile_overlayer_lowered  }
0x9c: {  	s22 =	simm.s32 $0x1BFF;
	s21 =	sshll.u32 s7, $0x1;
	s4 =	sadd.s32 s5, s19  }
0x9d: {  	s8 =	simm.s32 $0x0;
	s20 =	sshll.u32 s6, $0x1;
	s6 =	sadd.s32 s21, s4  }
0x9e: {  	[timem:s8], [sflag:s22] =	dma.local [hbm:s6], s20  }
0x9f: {  	_ =	swait.ge [sflag:s22], s20  }
0xa0: {  	s5 =	ssub.s32 $0x0, s20;
	[sflag:s22] =	ssyncset.done $0x0  }
0xa1: {  	[sflag:s22] =	ssyncadd.s32 s5;
	_ =	sdelay $0x1  }
0xa2: {  	s23 =	simm.s32 $0x1B8B  }
0xa3: {  	_ =	swait.ge [sflag:s23], $0x1  }
0xa4: {  	[sflag:s23] =	ssyncset.done $0x0  }
0xa5: {  	s25 =	simm.s32 $0x1B8E;
	s24 =	sld [smem:$0x3FFE];
	[sflag:s23] =	ssyncadd.s32 $0xFFFFFFFF  }
0xa6: {  	s26 =	simm.s32 $execute0_lowered;
	[smem:$0x3FD2] =	sst s25  }
0xa7: {  	s6 =	sshll.u32 s26, $0x1;
	_ =	strace $0x80000049;
	[dreg:$0x1] =	wrdreg $0xFFFFFFFF  }
0xa8: {  	s28 =	simm.s32 $_size_execute0_lowered;
	s4 =	sadd.s32 s4, s6;
	[dreg:$0x0] =	wrdreg $0x0  }
0xa9: {  	s6 =	sshll.u32 s28, $0x1;
	[dreg:$0x2] =	wrdreg s4  }
0xaa: {  	[dreg:$0x3] =	wrdreg s6  }
0xab: {  	[dreg:$0x4] =	wrdreg $0xC0  }
0xac: {  	_ =	task [dreg:s8], $0x5FFFF  }
0xad: {  	[dreg:$0x1] =	wrdreg $0xFFFFFFFF  }
0xae: {  	[dreg:$0x0] =	wrdreg $0x60  }
0xaf: {  	[dreg:$0x2] =	wrdreg s2  }
0xb0: {  	[dreg:$0x3] =	wrdreg s24  }
0xb1: {  	[dreg:$0x4] =	wrdreg s18  }
0xb2: {  	[dreg:$0x5] =	wrdreg $0x9  }
0xb3: {  	_ =	task.clear_ibuf [dreg:s8], $0x6FFFF;
	_ =	strace $0x90000049  }
0xb4: {  	s29 =	simm.s32 $0x9;
	_ =	strace $0x8000004B  }
0xb5: {  	_ =	swait.ge [sflag:s29], $0x1  }
0xb6: {  	[sflag:s29] =	ssyncadd.s32 $0xFFFFFFFF  }
0xb7: {  	_ =	strace $0x9000004B  }
0xb8: {  	_ =	sfence  }
0xb9: {  	s30 =	sld [smem:$0x0];
	_ =	sdelay $0x2  }
0xba: {  	s31 =	sshll.u32 s1, $0xD;
	s1 =	sshrl.u32 s1, $0x2  }
0xbb: {  	s3 =	sand.u32 $0x4000, s31;
	s1 =	sadd.s32 s1, s30  }
0xbc: {  	s0 =	sor.u32 s3, s0;
	s1 =	sshll.u32 s1, $0x11  }
0xbd: {  	s0 =	sor.u32 s1, s0  }
0xbe: {  	s0 =	sadd.s32 $0x8F2B, s0  }
0xbf: {  	[sflag:s0] =	ssyncadd.remote.s32 $0x1  }
0xc0: {  	_ =	sfence.sel $0xFFFF  }
0xc1: {  	[dreg:$0x0] =	wrdreg $0xFFFFFFFF;
	(pc) =	sbr.abs _section_cstart, $3  }
0xc2: {  	[dreg:$0x1] =	wrdreg $0xFFFFFFFF  }
0xc3: {  	_ =	task.clear_ibuf [dreg:s8], $0x2FFFF;
	_ =	strace $0x9FFFFFFF  }
0xc4: {  	(tm) =	ssettm $0x7FFFFFFF  }
0xc5: {  	_ =	shalt  }
tec
execute0_lowered:
.L_overlay_start_1:
0x0: {  	(tag) =	ssettag $0x1  }
0x1: {  	s5 =	rddreg [dreg:$0x0]  }
0x2: {  	s4 =	rddreg [dreg:$0x1]  }
0x3: {  	s3 =	srdreg.scid;
	s1 =	stileid.u32  }
0x4: {  	s6 =	rddreg [dreg:$0x2];
	s7 =	sand.u32 $0x1, s3;
	s8 =	sshll.u32 s1, $0x1  }
0x5: {  	s0 =	rddreg [dreg:$0x3];
	s17 =	sor.u32 s7, s8  }
0x6: {  	s2 =	simm.s32 $0x0;
	s8 =	sshll.u32 s17, $0x9;
	p0 =	seq.s32 s17, $0x1F  }
0x7: {  	s5 =	sadd.s32 s5, s8;
	s6 =	sadd.s32 s6, s8;
	s8 =	simm.s32 @!p0 $0x0  }
0x8: {  	[smem:$0x7FF] =	sst s2;
	s8 =	simm.s32 @p0 $0x1;
	p0 =	sgt.u32 s17, $0x1C  }
0x9: {  	_ =	strace $0x8000004A;
	[smem:$0x7E4] =	sst s8;
	s8 =	simm.s32 @!p0 $0x0  }
0xa: {  	s8 =	simm.s32 @p0 $0x1;
	p0 =	sgt.u32 s17, $0x1A  }
0xb: {  	[smem:$0x7E5] =	sst s8;
	s8 =	simm.s32 @!p0 $0x0  }
0xc: {  	s8 =	simm.s32 @p0 $0x1;
	p0 =	sgt.u32 s17, $0x18  }
0xd: {  	[smem:$0x7E6] =	sst s8;
	s8 =	simm.s32 @!p0 $0x0  }
0xe: {  	s8 =	simm.s32 @p0 $0x1;
	p0 =	sgt.u32 s17, $0x16  }
0xf: {  	[smem:$0x7E7] =	sst s8;
	s8 =	simm.s32 @!p0 $0x0  }
0x10: {  	s8 =	simm.s32 @p0 $0x1;
	p0 =	sgt.u32 s17, $0x14  }
0x11: {  	[smem:$0x7E8] =	sst s8;
	s8 =	simm.s32 @!p0 $0x0  }
0x12: {  	s8 =	simm.s32 @p0 $0x1;
	p0 =	sgt.u32 s17, $0x12  }
0x13: {  	[smem:$0x7E9] =	sst s8;
	s8 =	simm.s32 @!p0 $0x0  }
0x14: {  	s8 =	simm.s32 @p0 $0x1;
	p0 =	sgt.u32 s17, $0x10  }
0x15: {  	s18 =	simm.s32 @!p0 $0x0  }
0x16: {  	s18 =	simm.s32 @p0 $0x1;
	p0 =	sgt.u32 s17, $0xE  }
0x17: {  	[smem:$0x7EB] =	sst s18;
	s18 =	simm.s32 @!p0 $0x0  }
0x18: {  	s18 =	simm.s32 @p0 $0x1;
	p0 =	sgt.u32 s17, $0xC  }
0x19: {  	[smem:$0x7EC] =	sst s18;
	s18 =	simm.s32 @!p0 $0x0  }
0x1a: {  	s18 =	simm.s32 @p0 $0x1;
	p0 =	sgt.u32 s17, $0xA  }
0x1b: {  	[smem:$0x7ED] =	sst s18;
	s18 =	simm.s32 @!p0 $0x0  }
0x1c: {  	s18 =	simm.s32 @p0 $0x1;
	p0 =	sgt.u32 s17, $0x8  }
0x1d: {  	[smem:$0x7EE] =	sst s18;
	s18 =	simm.s32 @!p0 $0x0  }
0x1e: {  	s18 =	simm.s32 @p0 $0x1;
	p0 =	sgt.u32 s17, $0x6  }
0x1f: {  	[smem:$0x7EF] =	sst s18;
	s18 =	simm.s32 @!p0 $0x0  }
0x20: {  	s18 =	simm.s32 @p0 $0x1;
	p0 =	sgt.u32 s17, $0x4  }
0x21: {  	[smem:$0x7F0] =	sst s18;
	s18 =	simm.s32 @!p0 $0x0  }
0x22: {  	s18 =	simm.s32 @p0 $0x1;
	p0 =	sgt.u32 s17, $0x2  }
0x23: {  	[smem:$0x7F1] =	sst s18;
	s18 =	simm.s32 @!p0 $0x0  }
0x24: {  	s18 =	simm.s32 @p0 $0x1;
	p0 =	seq.s32 s17, $0x0  }
0x25: {  	[smem:$0x7F2] =	sst s18;
	s18 =	simm.s32 @!p0 $0x0  }
0x26: {  	s18 =	simm.s32 @p0 $0x1;
	p0 =	sne.s32 s17, $0x0  }
0x27: {  	s10 =	simm.s32 $0x2100;
	s11 =	simm.s32 $0x2180;
	s17 =	simm.s32 @!p0 $0x0  }
0x28: {  	s12 =	simm.s32 $0x2000;
	s17 =	simm.s32 @p0 $0x1;
	p0 =	seq.s32 s1, $0xF  }
0x29: {  	s13 =	simm.s32 $0x2200;
	[smem:$0x7F4] =	sst s17;
	s17 =	simm.s32 @!p0 $0x0  }
0x2a: {  	s14 =	simm.s32 $0x2080;
	s17 =	simm.s32 @p0 $0x1;
	p0 =	sgt.u32 s1, $0xD  }
0x2b: {  	s15 =	simm.s32 $0x3200;
	[smem:$0x7F5] =	sst s17;
	s17 =	simm.s32 @!p0 $0x0  }
0x2c: {  	s16 =	simm.s32 $0x0;
	s17 =	simm.s32 @p0 $0x1;
	p0 =	sgt.u32 s1, $0xC  }
0x2d: {  	s3 =	sadd.s32 $0x2A00, s4;
	[smem:$0x7F6] =	sst s17;
	s17 =	simm.s32 @!p0 $0x0  }
0x2e: {  	s4 =	sadd.s32 $0x2C00, s4;
	s17 =	simm.s32 @p0 $0x1;
	p0 =	sgt.u32 s1, $0xB  }
0x2f: {  	p5 =	sgt.u32 s1, $0x5;
	[smem:$0x7F7] =	sst s17;
	s17 =	simm.s32 @!p0 $0x0  }
0x30: {  	p6 =	sgt.u32 s1, $0x4;
	s17 =	simm.s32 @p0 $0x1;
	p0 =	sgt.u32 s1, $0xA  }
0x31: {  	p1 =	sgt.u32 s1, $0x2;
	[smem:$0x7F8] =	sst s17;
	s17 =	simm.s32 @!p0 $0x0  }
0x32: {  	p2 =	sgt.u32 s1, $0x1;
	s17 =	simm.s32 @p0 $0x1;
	p0 =	sgt.u32 s1, $0x9  }
0x33: {  	v0 =	vimm.s32 $0xEDCBA987;
	v1 =	vimm.s32 $0x65432100;
	v3 =	vimm.s32 $0x1;
	p3 =	seq.s32 s1, $0x0;
	[smem:$0x7F9] =	sst s17;
	s17 =	simm.s32 @!p0 $0x0  }
0x34: {  	v5 =	vimm.s32 $0x9;
	v6 =	vimm.s32 $0x0;
	v7 =	vimm.s32 $0x2;
	s9 =	ssub.s32 $0x2, s7;
	s17 =	simm.s32 @p0 $0x1;
	p0 =	sgt.u32 s1, $0x8  }
0x35: {  	v8 =	vimm.s32 $0x3;
	v9 =	vimm.s32 $0x4;
	v10 =	vimm.s32 $0x5;
	s31 =	sshrl.u32 s9, $0x1;
	[smem:$0x7FA] =	sst s17;
	s17 =	simm.s32 @!p0 $0x0  }
0x36: {  	v11 =	vimm.s32 $0x6;
	v12 =	vimm.s32 $0x7;
	v0 =	vunpack.c.l.s4.s8 v0;
	s7 =	ssub.s32 s9, s31;
	s17 =	simm.s32 @p0 $0x1;
	p0 =	sgt.u32 s1, $0x7  }
.Ltmp0:
0x37: {  	v13 =	vimm.s32 $0x8;
	v14 =	vimm.s32 $0xA;
	v1 =	vunpack.c.l.s4.s8 v1;
	[smem:$0x7FB] =	sst s17;
	s17 =	simm.s32 @!p0 $0x0;
	(pc) =	sbr.rel .LBB2_1-.Ltmp0, $4  }
0x38: {  	v15 =	vimm.s32 $0xB;
	v16 =	vimm.s32 $0xC;
	v0 =	vunpack.c.0.s8.s32 v0;
	[smem:$0x7EA] =	sst s8;
	s17 =	simm.s32 @p0 $0x1;
	p0 =	sgt.u32 s1, $0x6  }
0x39: {  	v17 =	vimm.s32 $0xD;
	v18 =	vimm.s32 $0xE;
	v1 =	vunpack.c.0.s8.s32 v1;
	s9 =	simm.s32 $0x1000;
	[smem:$0x7FC] =	sst s17;
	s17 =	simm.s32 @!p0 $0x0  }
0x3a: {  	v19 =	vimm.s32 $0xF;
	s7 =	smax.u32 s7, $0x1;
	v2 =	vand.u32 $0xF, v0;
	v0 =	vlaneseq.u32;
	[smem:$0x7F3] =	sst s18;
	s17 =	simm.s32 @p0 $0x1  }
0x3b: {  	v1 =	vcombine.low v1, v2;
	v2 =	vor.u32 $0x80000000, v0;
	v4 =	vmul.u32 $0x200, v0;
	s8 =	simm.s32 $0x1;
	p0 =	sgt.u32 s1, $0x3;
	[smem:$0x7FD] =	sst s17  }
.LBB2_6:
0x3c: {  	_ =	sdelay $0x1  }
0x3d: {  	v22 =	vld.msk [tilespmem:s14+$0x0], $0xffff;
	_ =	sdelay $0x1  }
0x3e: {  	v23 =	vld.idx.msk [tilespmem:v8+s14+$0x0], $0xffff;
	v24 =	vmov s18  }
0x3f: {  	v25 =	vld.idx.msk [tilespmem:v9+s14+$0x0], $0xffff;
	v24 =	vshll.u32 v24, $0x9  }
0x40: {  	v26 =	vld.idx.msk [tilespmem:v10+s14+$0x0], $0xffff;
	v24 =	vor.u32 v4, v24  }
0x41: {  	v27 =	vld.idx.msk [tilespmem:v11+s14+$0x0], $0xffff;
	vm1 =	vge.s32 v24, v21;
	vm0 =	vlt.s32 v24, v22  }
0x42: {  	v43 =	vld.idx.msk [tilespmem:v12+s14+$0x0], $0xffff;
	vm14 =	vge.s32 v24, v20;
	v28 =	vsel vm1, $0x1, v6;
	v22 =	vsel vm0, $0xFFFFFFFF, v6  }
0x43: {  	v20 =	vld.idx.msk [tilespmem:v13+s14+$0x0], $0xffff;
	v44 =	vsel vm14, $0x1, v6;
	vm15 =	vge.s32 v24, v23;
	v22 =	vadd.s32 v22, v28  }
0x44: {  	v45 =	vld.idx.msk [tilespmem:v5+s14+$0x0], $0xffff;
	vm4 =	vge.s32 v24, v25;
	v46 =	vsel vm15, $0x1, v6;
	v22 =	vadd.s32 v44, v22  }
0x45: {  	v47 =	vld.idx.msk [tilespmem:v14+s14+$0x0], $0xffff;
	vm5 =	vge.s32 v24, v26;
	v48 =	vsel vm4, $0x1, v6;
	v22 =	vadd.s32 v46, v22  }
0x46: {  	v49 =	vld.idx.msk [tilespmem:v15+s14+$0x0], $0xffff;
	vm6 =	vge.s32 v24, v27;
	v50 =	vsel vm5, $0x1, v6;
	v22 =	vadd.s32 v48, v22  }
0x47: {  	v51 =	vld.idx.msk [tilespmem:v16+s14+$0x0], $0xffff;
	vm7 =	vge.s32 v24, v43;
	v52 =	vsel vm6, $0x1, v6;
	v22 =	vadd.s32 v50, v22  }
0x48: {  	v53 =	vld.idx.msk [tilespmem:v17+s14+$0x0], $0xffff;
	v54 =	vsel vm7, $0x1, v6;
	vm8 =	vge.s32 v24, v20;
	v22 =	vadd.s32 v52, v22  }
0x49: {  	vm9 =	vge.s32 v24, v45;
	v20 =	vld.idx.msk [tilespmem:v18+s14+$0x0], $0xffff;
	v55 =	vsel vm8, $0x1, v6;
	v22 =	vadd.s32 v54, v22  }
0x4a: {  	v56 =	vld.idx.msk [tilespmem:v19+s14+$0x0], $0xffff;
	vm10 =	vge.s32 v24, v47;
	v57 =	vsel vm9, $0x1, v6;
	v22 =	vadd.s32 v55, v22  }
0x4b: {  	vm11 =	vge.s32 v24, v49;
	v25 =	vsel vm10, $0x1, v6;
	v22 =	vadd.s32 v57, v22  }
0x4c: {  	vm12 =	vge.s32 v24, v51;
	v58 =	vsel vm11, $0x1, v6;
	v22 =	vadd.s32 v25, v22  }
0x4d: {  	vm13 =	vge.s32 v24, v53;
	v59 =	vsel vm12, $0x1, v6;
	v22 =	vadd.s32 v58, v22  }
0x4e: {  	v61 =	vsel vm13, $0x1, v6;
	vm14 =	vge.s32 v24, v20;
	v60 =	vadd.s32 v59, v22  }
0x4f: {  	vm15 =	vge.s32 v24, v56;
	v62 =	vsel vm14, $0x1, v6;
	v20 =	vadd.s32 v61, v60  }
0x50: {  	v63 =	vsel vm15, $0x1, v6;
	v20 =	vadd.s32 v62, v20  }
0x51: {  	s17 =	sadd.s32 $0x10, s17;
	v20 =	vadd.s32 v63, v20  }
0x52: {  	[tilespmem:s17+$0x0] =	vst v20  }
0x53: {  	[hbm4b:s4+s2] =	stream.linear.scatter [tilespmem:s15], [sflag:$0x1], $0x180, $0x38;
	[tilespmem:$0x3380] =	vst v63  }
0x54: {  	_ =	swait.ge [sflag:s8], $0x180  }
0x55: {  	[sflag:s8] =	ssyncset.done $0x0  }
0x56: {  	[sflag:s8] =	ssyncadd.s32 $0xFFFFFE80  }
.LBB2_7:
0x57: {  	s16 =	sadd.s32 $0x1, s16  }
0x58: {  	p4 =	sne.s32 s16, s7  }
.Ltmp1:
0x59: {  	_ = 	snop;
	(pc) =	sbr.rel @!p4 .LBB2_8-.Ltmp1, $1  }
0x5a: {  	_ =	sdelay $0x3  }
.LBB2_1:
0x5b: {  	[tilespmem:s2], [sflag:$0x1] =	stream.linear.gather [hbm4b:s5+s2], $0x1000, $0x38;
	[tilespmem:$0x3380] =	vst v63  }
0x5c: {  	_ =	swait.ge [sflag:s8], $0x1000  }
0x5d: {  	[sflag:s8] =	ssyncset.done $0x0  }
0x5e: {  	[sflag:s8] =	ssyncadd.s32 $0xFFFFF000  }
0x5f: {  	[tilespmem:s9], [sflag:$0x1] =	stream.linear.gather [hbm4b:s3+s2], $0x1000, $0x38;
	[tilespmem:$0x3380] =	vst v63  }
0x60: {  	_ =	swait.ge [sflag:s8], $0x1000  }
0x61: {  	[sflag:s8] =	ssyncset.done $0x0  }
0x62: {  	[sflag:s8] =	ssyncadd.s32 $0xFFFFF000  }
0x63: {  	v20 =	vld [tilespmem:$0x1000]  }
0x64: {  	v21 =	vld [tilespmem:$0x1080]  }
0x65: {  	v22 =	vld [tilespmem:$0x1100]  }
0x66: {  	v23 =	vld [tilespmem:$0x1180]  }
0x67: {  	v24 =	vld [tilespmem:$0x1200]  }
0x68: {  	v25 =	vld [tilespmem:$0x1280]  }
0x69: {  	v26 =	vld [tilespmem:$0x1300];
	v27 =	vadd.s32 v21, v20  }
0x6a: {  	v28 =	vld [tilespmem:$0x1380];
	v27 =	vadd.s32 v22, v27  }
0x6b: {  	v29 =	vld [tilespmem:$0x1400];
	v27 =	vadd.s32 v23, v27  }
0x6c: {  	v30 =	vld [tilespmem:$0x1480];
	v27 =	vadd.s32 v24, v27  }
0x6d: {  	v31 =	vld [tilespmem:$0x1500];
	v27 =	vadd.s32 v25, v27  }
0x6e: {  	v32 =	vld [tilespmem:$0x1580];
	v27 =	vadd.s32 v26, v27  }
0x6f: {  	s17 =	sld [smem:$0x7F3];
	v33 =	vld [tilespmem:$0x1600];
	v27 =	vadd.s32 v28, v27  }
0x70: {  	s20 =	sld [smem:$0x7F2];
	v34 =	vld [tilespmem:$0x1680];
	v27 =	vadd.s32 v29, v27  }
0x71: {  	v35 =	vld [tilespmem:$0x1700];
	v27 =	vadd.s32 v30, v27  }
0x72: {  	s21 =	sld [smem:$0x7F1];
	v36 =	vld [tilespmem:$0x1780];
	p4 =	seq.s32 s17, $0x1;
	v27 =	vadd.s32 v31, v27  }
0x73: {  	v37 =	vld [tilespmem:$0x1800];
	v20 =	vpsel p4, $0x0, v20;
	v21 =	vpsel p3, $0x0, v21;
	p4 =	seq.s32 s20, $0x1;
	v27 =	vadd.s32 v32, v27  }
0x74: {  	s22 =	sld [smem:$0x7F0];
	v20 =	vadd.s32 v20, v21;
	v21 =	vpsel !p4, $0x0, v22;
	v22 =	vld [tilespmem:$0x1880];
	v27 =	vadd.s32 v33, v27  }
0x75: {  	p4 =	seq.s32 s21, $0x1;
	v20 =	vadd.s32 v21, v20;
	v21 =	vpsel !p2, $0x0, v23;
	v23 =	vld [tilespmem:$0x1900];
	v27 =	vadd.s32 v34, v27  }
0x76: {  	s23 =	sld [smem:$0x7EF];
	v51 =	vld [tilespmem:$0x1980];
	v20 =	vadd.s32 v21, v20;
	v21 =	vpsel !p4, $0x0, v24;
	v27 =	vadd.s32 v35, v27  }
0x77: {  	v52 =	vld [tilespmem:$0x1A00];
	p4 =	seq.s32 s22, $0x1;
	v20 =	vadd.s32 v21, v20;
	v21 =	vpsel !p1, $0x0, v25;
	v27 =	vadd.s32 v36, v27  }
0x78: {  	s24 =	sld [smem:$0x7EE];
	v53 =	vld [tilespmem:$0x1A80];
	v20 =	vadd.s32 v21, v20;
	v21 =	vpsel !p4, $0x0, v26;
	v27 =	vadd.s32 v37, v27  }
0x79: {  	v54 =	vld [tilespmem:$0x1B00];
	p4 =	seq.s32 s23, $0x1;
	v20 =	vadd.s32 v21, v20;
	v21 =	vpsel !p0, $0x0, v28;
	v27 =	vadd.s32 v22, v27  }
0x7a: {  	s25 =	sld [smem:$0x7ED];
	v55 =	vld [tilespmem:$0x1B80];
	v20 =	vadd.s32 v21, v20;
	v21 =	vpsel !p4, $0x0, v29;
	v27 =	vadd.s32 v23, v27  }
0x7b: {  	s26 =	sld [smem:$0x7FD];
	v56 =	vld [tilespmem:$0x1C00];
	p4 =	seq.s32 s24, $0x1;
	v20 =	vadd.s32 v21, v20;
	v21 =	vpsel !p6, $0x0, v30;
	v27 =	vadd.s32 v51, v27  }
0x7c: {  	s28 =	sld [smem:$0x7EC];
	v57 =	vld [tilespmem:$0x1C80];
	v20 =	vadd.s32 v21, v20;
	v21 =	vpsel !p4, $0x0, v31;
	v27 =	vadd.s32 v52, v27  }
0x7d: {  	s29 =	sld [smem:$0x7FC];
	v58 =	vld [tilespmem:$0x1D00];
	p4 =	seq.s32 s25, $0x1;
	v20 =	vadd.s32 v21, v20;
	v21 =	vpsel !p5, $0x0, v32;
	v27 =	vadd.s32 v53, v27  }
0x7e: {  	s30 =	sld [smem:$0x7EB];
	v59 =	vld [tilespmem:$0x1D80];
	v20 =	vadd.s32 v21, v20;
	v21 =	vpsel !p4, $0x0, v33;
	p4 =	seq.s32 s26, $0x1;
	v27 =	vadd.s32 v54, v27  }
0x7f: {  	s31 =	sld [smem:$0x7FB];
	v60 =	vld [tilespmem:$0x1E00];
	v20 =	vadd.s32 v21, v20;
	v21 =	vpsel !p4, $0x0, v34;
	p4 =	seq.s32 s28, $0x1;
	v27 =	vadd.s32 v55, v27  }
0x80: {  	s18 =	sld [smem:$0x7EA];
	v61 =	vld [tilespmem:$0x1E80];
	v20 =	vadd.s32 v21, v20;
	v21 =	vpsel !p4, $0x0, v35;
	p4 =	seq.s32 s29, $0x1;
	v27 =	vadd.s32 v56, v27  }
0x81: {  	s19 =	sld [smem:$0x7FA];
	v62 =	vld [tilespmem:$0x1F00];
	v20 =	vadd.s32 v21, v20;
	v21 =	vpsel !p4, $0x0, v36;
	p4 =	seq.s32 s30, $0x1;
	v27 =	vadd.s32 v57, v27  }
0x82: {  	v63 =	vld [tilespmem:$0x1F80];
	s20 =	sld [smem:$0x7E9];
	v20 =	vadd.s32 v21, v20;
	v21 =	vpsel !p4, $0x0, v37;
	p4 =	seq.s32 s31, $0x1;
	v27 =	vadd.s32 v58, v27  }
0x83: {  	s21 =	sld [smem:$0x7F9];
	v20 =	vadd.s32 v21, v20;
	v21 =	vpsel !p4, $0x0, v22;
	p4 =	seq.s32 s18, $0x1;
	v22 =	vadd.s32 v59, v27  }
0x84: {  	s22 =	sld [smem:$0x7E8];
	v20 =	vadd.s32 v21, v20;
	v21 =	vpsel !p4, $0x0, v23;
	p4 =	seq.s32 s19, $0x1;
	v22 =	vadd.s32 v60, v22  }
0x85: {  	s23 =	sld [smem:$0x7F8];
	v20 =	vadd.s32 v21, v20;
	v21 =	vpsel !p4, $0x0, v51;
	p4 =	seq.s32 s20, $0x1;
	v22 =	vadd.s32 v61, v22  }
0x86: {  	s24 =	sld [smem:$0x7E7];
	v20 =	vadd.s32 v21, v20;
	v21 =	vpsel !p4, $0x0, v52;
	p4 =	seq.s32 s21, $0x1;
	v22 =	vadd.s32 v62, v22  }
0x87: {  	s25 =	sld [smem:$0x7F7];
	v20 =	vadd.s32 v21, v20;
	v21 =	vpsel !p4, $0x0, v53;
	p4 =	seq.s32 s22, $0x1;
	v22 =	vadd.s32 v63, v22  }
0x88: {  	s26 =	sld [smem:$0x7E6];
	v20 =	vadd.s32 v21, v20;
	v21 =	vpsel !p4, $0x0, v54;
	p4 =	seq.s32 s23, $0x1;
	v22 =	vadd.s32 $0x1FF, v22  }
0x89: {  	s28 =	sld [smem:$0x7F6];
	v20 =	vadd.s32 v21, v20;
	v21 =	vpsel !p4, $0x0, v55;
	p4 =	seq.s32 s24, $0x1;
	v22 =	vand.u32 $0xFFFFFE00, v22  }
0x8a: {  	s29 =	sld [smem:$0x7E5];
	v20 =	vadd.s32 v21, v20;
	v21 =	vpsel !p4, $0x0, v56;
	p4 =	seq.s32 s25, $0x1;
	(xrf0) =	vadd.scan.msk.s32 $0xffff, v22  }
0x8b: {  	s30 =	sld [smem:$0x7F5];
	v20 =	vadd.s32 v21, v20;
	v21 =	vpsel !p4, $0x0, v57;
	p4 =	seq.s32 s26, $0x1  }
0x8c: {  	s31 =	sld [smem:$0x7E4];
	v20 =	vadd.s32 v21, v20;
	v21 =	vpsel !p4, $0x0, v58;
	p4 =	seq.s32 s28, $0x1  }
0x8d: {  	v20 =	vadd.s32 v21, v20;
	v21 =	vpsel !p4, $0x0, v59;
	p4 =	seq.s32 s29, $0x1  }
0x8e: {  	v20 =	vadd.s32 v21, v20;
	v21 =	vpsel !p4, $0x0, v60;
	p4 =	seq.s32 s30, $0x1  }
0x8f: {  	v20 =	vadd.s32 v21, v20;
	v21 =	vpsel !p4, $0x0, v61;
	p4 =	seq.s32 s31, $0x1  }
0x90: {  	v20 =	vadd.s32 v21, v20;
	v21 =	vpsel !p4, $0x0, v62;
	v23, _, _ =	vpop (xrf0)  }
0x91: {  	v20 =	vadd.s32 v21, v20;
	v21 =	vsub.s32 v23, v22  }
0x92: {  	v20 =	vadd.s32 v21, v20;
	[tilespmem:$0x2080] =	vst v21  }
0x93: {  	s17 =	simm.s32 $0x0;
	[tilespmem:$0x2000] =	vst v20  }
0x94: {  	v20 =	vld [tilespmem:s17+$0x0];
	_ =	sdelay $0x4  }
0x95: {  	v21 =	vxor.u32 $0x80000000, v20  }
0x96: {  	(xrf1) =	vsort.ascd.msk.u32 $0xffff, v21, v0;
	_ =	sdelay $0xd  }
0x97: {  	v21, v22, _ =	vpop (xrf1)  }
0x98: {  	v21 =	vxor.u32 $0x80000000, v21  }
0x99: {  	[tilespmem:$0x2100] =	vst v21  }
0x9a: {  	v23 =	vld.idx.msk [tilespmem:v1+s10+$0x0], $0xffff;
	_ =	sdelay $0x4  }
0x9b: {  	vm0 =	veq.s32 v21, v23  }
0x9c: {  	v21 =	vsel vm0, $0x80000000, v2  }
0x9d: {  	(xrf0) =	vmax.scan.msk.u32 $0xffff, v21;
	_ =	sdelay $0x5  }
0x9e: {  	v21, _, _ =	vpop (xrf0)  }
0x9f: {  	v21 =	vxor.u32 $0x80000000, v21  }
0xa0: {  	v21 =	vsub.s32 v0, v21  }
0xa1: {  	[tilespmem:v22+s11+$0x0] =	vst.idx.msk $0xffff, v21  }
0xa2: {  	v21 =	vld.idx.msk [tilespmem:v20+s12+$0x0], $0xffff  }
0xa3: {  	v22 =	vld [tilespmem:$0x2180]  }
0xa4: {  	s19 =	simm.s32 $0x10;
	[tilespmem:v20+s12+$0x0] =	vst.idx.add.s32.msk $0xffff, v3  }
0xa5: {  	v20 =	vld [tilespmem:s19+$0x0];
	_ =	sdelay $0x2  }
0xa6: {  	s18 =	simm.s32 $0x80;
	v21 =	vadd.s32 v22, v21  }
.LBB2_2:
0xa7: {  	p4 =	sne.s32 s18, $0x3FC0;
	[tilespmem:s17+$0x2200] =	vst v21;
	s20 =	smov.u32 s18;
	s18 =	sadd.s32 $0x40, s18  }
0xa8: {  	s17 =	smov.u32 s19;
	v21 =	vxor.u32 $0x80000000, v20  }
0xa9: {  	(xrf1) =	vsort.ascd.msk.u32 $0xffff, v21, v0;
	_ =	sdelay $0xd  }
0xaa: {  	v21, v22, _ =	vpop (xrf1)  }
0xab: {  	v21 =	vxor.u32 $0x80000000, v21  }
0xac: {  	[tilespmem:$0x2100] =	vst v21  }
0xad: {  	v23 =	vld.idx.msk [tilespmem:v1+s10+$0x0], $0xffff;
	_ =	sdelay $0x5  }
0xae: {  	vm0 =	veq.s32 v21, v23  }
0xaf: {  	v21 =	vsel vm0, $0x80000000, v2  }
0xb0: {  	(xrf0) =	vmax.scan.msk.u32 $0xffff, v21;
	_ =	sdelay $0x5  }
0xb1: {  	v21, _, _ =	vpop (xrf0)  }
0xb2: {  	v21 =	vxor.u32 $0x80000000, v21  }
0xb3: {  	v21 =	vsub.s32 v0, v21  }
0xb4: {  	[tilespmem:v22+s11+$0x0] =	vst.idx.msk $0xffff, v21  }
0xb5: {  	v21 =	vld.idx.msk [tilespmem:v20+s12+$0x0], $0xffff  }
0xb6: {  	v22 =	vld [tilespmem:$0x2180]  }
.Ltmp2:
0xb7: {  	s19 =	sshra.s32 s20, $0x2;
	[tilespmem:v20+s12+$0x0] =	vst.idx.add.s32.msk $0xffff, v3;
	(pc) =	sbr.rel @p4 .LBB2_2-.Ltmp2, $2  }
0xb8: {  	v20 =	vld [tilespmem:s19+$0x0];
	_ =	sdelay $0x2  }
0xb9: {  	v21 =	vadd.s32 v22, v21  }
0xba: {  	_ = 	snop  }
0xbb: {  	v22 =	vxor.u32 $0x80000000, v20  }
0xbc: {  	(xrf1) =	vsort.ascd.msk.u32 $0xffff, v22, v0;
	_ =	sdelay $0xd  }
0xbd: {  	v22, v23, _ =	vpop (xrf1)  }
0xbe: {  	[tilespmem:s17+$0x2200] =	vst v21;
	v61 =	vxor.u32 $0x80000000, v22  }
0xbf: {  	[tilespmem:$0x2100] =	vst v61  }
0xc0: {  	v62 =	vld.idx.msk [tilespmem:v1+s10+$0x0], $0xffff;
	_ =	sdelay $0x4  }
0xc1: {  	vm0 =	veq.s32 v61, v62  }
0xc2: {  	v21 =	vsel vm0, $0x80000000, v2  }
0xc3: {  	(xrf0) =	vmax.scan.msk.u32 $0xffff, v21;
	_ =	sdelay $0x5  }
0xc4: {  	v21, _, _ =	vpop (xrf0)  }
0xc5: {  	v21 =	vxor.u32 $0x80000000, v21  }
0xc6: {  	v21 =	vsub.s32 v0, v21  }
0xc7: {  	[tilespmem:v23+s11+$0x0] =	vst.idx.msk $0xffff, v21  }
0xc8: {  	v21 =	vld.idx.msk [tilespmem:v20+s12+$0x0], $0xffff  }
0xc9: {  	v63 =	vld [tilespmem:$0x2180];
	_ =	sdelay $0x4  }
0xca: {  	[tilespmem:v20+s12+$0x0] =	vst.idx.add.s32.msk $0xffff, v3;
	v20 =	vadd.s32 v63, v21  }
0xcb: {  	s17 =	simm.s32 $0x0;
	[tilespmem:s19+$0x2200] =	vst v20  }
0xcc: {  	[hbm4b:s6+s17] =	stream.linear.scatter [tilespmem:s13], [sflag:$0x1], $0x1000, $0x38;
	[tilespmem:$0x3380] =	vst v63  }
0xcd: {  	_ =	swait.ge [sflag:s8], $0x1000  }
0xce: {  	s18 =	sld [smem:$0x7F4];
	_ =	sdelay $0x2  }
0xcf: {  	p4 =	seq.s32 s18, $0x1  }
.Ltmp3:
0xd0: {  	_ = 	snop;
	(pc) =	sbr.rel @p4 .LBB2_7-.Ltmp3, $3  }
0xd1: {  	_ =	sdelay $0x1  }
0xd2: {  	[sflag:s8] =	ssyncset.done $0x0  }
0xd3: {  	[sflag:s8] =	ssyncadd.s32 $0xFFFFF000  }
0xd4: {  	_ =	sdelay $0x3  }
0xd5: {  	v20 =	vld.idx.msk [tilespmem:v3+s14+$0x0], $0xffff  }
0xd6: {  	v21 =	vld.msk [tilespmem:s14+$0x0], $0xffff  }
0xd7: {  	v22 =	vld.idx.msk [tilespmem:v7+s14+$0x0], $0xffff  }
0xd8: {  	v23 =	vld.idx.msk [tilespmem:v8+s14+$0x0], $0xffff;
	v24 =	vmov s17  }
0xd9: {  	v25 =	vld.idx.msk [tilespmem:v9+s14+$0x0], $0xffff;
	v24 =	vshll.u32 v24, $0x9  }
0xda: {  	v26 =	vld.idx.msk [tilespmem:v10+s14+$0x0], $0xffff;
	v24 =	vor.u32 v4, v24  }
0xdb: {  	v27 =	vld.idx.msk [tilespmem:v11+s14+$0x0], $0xffff;
	vm0 =	vlt.s32 v24, v21;
	vm1 =	vge.s32 v24, v20  }
0xdc: {  	v20 =	vld.idx.msk [tilespmem:v12+s14+$0x0], $0xffff;
	vm14 =	vge.s32 v24, v22;
	v21 =	vsel vm0, $0xFFFFFFFF, v6;
	v28 =	vsel vm1, $0x1, v6  }
0xdd: {  	v22 =	vld.idx.msk [tilespmem:v13+s14+$0x0], $0xffff;
	vm15 =	vge.s32 v24, v23;
	v51 =	vsel vm14, $0x1, v6;
	v21 =	vadd.s32 v21, v28  }
0xde: {  	v23 =	vld.idx.msk [tilespmem:v5+s14+$0x0], $0xffff;
	vm4 =	vge.s32 v24, v25;
	v52 =	vsel vm15, $0x1, v6;
	v21 =	vadd.s32 v51, v21  }
0xdf: {  	v53 =	vld.idx.msk [tilespmem:v14+s14+$0x0], $0xffff;
	vm5 =	vge.s32 v24, v26;
	v54 =	vsel vm4, $0x1, v6;
	v21 =	vadd.s32 v52, v21  }
0xe0: {  	v55 =	vld.idx.msk [tilespmem:v15+s14+$0x0], $0xffff;
	vm6 =	vge.s32 v24, v27;
	v56 =	vsel vm5, $0x1, v6;
	v21 =	vadd.s32 v54, v21  }
0xe1: {  	v57 =	vld.idx.msk [tilespmem:v16+s14+$0x0], $0xffff;
	v58 =	vsel vm6, $0x1, v6;
	vm7 =	vge.s32 v24, v20;
	v21 =	vadd.s32 v56, v21  }
0xe2: {  	v20 =	vld.idx.msk [tilespmem:v17+s14+$0x0], $0xffff;
	vm8 =	vge.s32 v24, v22;
	v59 =	vsel vm7, $0x1, v6;
	v21 =	vadd.s32 v58, v21  }
0xe3: {  	v22 =	vld.idx.msk [tilespmem:v18+s14+$0x0], $0xffff;
	vm9 =	vge.s32 v24, v23;
	v60 =	vsel vm8, $0x1, v6;
	v21 =	vadd.s32 v59, v21  }
0xe4: {  	vm10 =	vge.s32 v24, v53;
	v23 =	vld.idx.msk [tilespmem:v19+s14+$0x0], $0xffff;
	v61 =	vsel vm9, $0x1, v6;
	v21 =	vadd.s32 v60, v21  }
0xe5: {  	vm11 =	vge.s32 v24, v55;
	v25 =	vsel vm10, $0x1, v6;
	v21 =	vadd.s32 v61, v21  }
0xe6: {  	vm12 =	vge.s32 v24, v57;
	v62 =	vsel vm11, $0x1, v6;
	v21 =	vadd.s32 v25, v21  }
0xe7: {  	v63 =	vsel vm12, $0x1, v6;
	vm13 =	vge.s32 v24, v20;
	v21 =	vadd.s32 v62, v21  }
0xe8: {  	vm14 =	vge.s32 v24, v22;
	v20 =	vadd.s32 v63, v21;
	v21 =	vsel vm13, $0x1, v6  }
0xe9: {  	vm15 =	vge.s32 v24, v23;
	v20 =	vadd.s32 v21, v20;
	v21 =	vsel vm14, $0x1, v6  }
0xea: {  	v20 =	vadd.s32 v21, v20;
	v21 =	vsel vm15, $0x1, v6  }
0xeb: {  	s17 =	simm.s32 $0x3200;
	v20 =	vadd.s32 v21, v20  }
0xec: {  	[tilespmem:s17+$0x0] =	vst v20  }
0xed: {  	v20 =	vld.idx.msk [tilespmem:v7+s14+$0x0], $0xffff  }
0xee: {  	s18 =	simm.s32 $0x10;
	s19 =	simm.s32 $0x20;
	v21 =	vld.idx.msk [tilespmem:v3+s14+$0x0], $0xffff  }
.LBB2_5:
0xef: {  	p4 =	sne.s32 s19, $0x100;
	v22 =	vld.msk [tilespmem:s14+$0x0], $0xffff  }
0xf0: {  	v23 =	vld.idx.msk [tilespmem:v8+s14+$0x0], $0xffff  }
0xf1: {  	v24 =	vmov s18;
	s18 =	smov.u32 s19;
	v25 =	vld.idx.msk [tilespmem:v9+s14+$0x0], $0xffff  }
0xf2: {  	v24 =	vshll.u32 v24, $0x9;
	v26 =	vld.idx.msk [tilespmem:v10+s14+$0x0], $0xffff  }
0xf3: {  	v24 =	vor.u32 v4, v24;
	v27 =	vld.idx.msk [tilespmem:v11+s14+$0x0], $0xffff  }
0xf4: {  	vm1 =	vge.s32 v24, v21;
	vm0 =	vlt.s32 v24, v22;
	v21 =	vld.idx.msk [tilespmem:v12+s14+$0x0], $0xffff  }
0xf5: {  	v28 =	vsel vm1, $0x1, v6;
	v22 =	vsel vm0, $0xFFFFFFFF, v6;
	vm0 =	vge.s32 v24, v20;
	v20 =	vld.idx.msk [tilespmem:v13+s14+$0x0], $0xffff  }
0xf6: {  	v22 =	vadd.s32 v22, v28;
	v28 =	vsel vm0, $0x1, v6;
	vm0 =	vge.s32 v24, v23;
	v23 =	vld.idx.msk [tilespmem:v5+s14+$0x0], $0xffff  }
0xf7: {  	v22 =	vadd.s32 v28, v22;
	v28 =	vsel vm0, $0x1, v6;
	vm0 =	vge.s32 v24, v25;
	v25 =	vld.idx.msk [tilespmem:v14+s14+$0x0], $0xffff  }
0xf8: {  	v22 =	vadd.s32 v28, v22;
	v28 =	vsel vm0, $0x1, v6;
	vm0 =	vge.s32 v24, v26;
	v26 =	vld.idx.msk [tilespmem:v15+s14+$0x0], $0xffff  }
0xf9: {  	v22 =	vadd.s32 v28, v22;
	v28 =	vsel vm0, $0x1, v6;
	vm0 =	vge.s32 v24, v27;
	v27 =	vld.idx.msk [tilespmem:v16+s14+$0x0], $0xffff  }
0xfa: {  	v22 =	vadd.s32 v28, v22;
	v28 =	vsel vm0, $0x1, v6;
	vm0 =	vge.s32 v24, v21;
	v21 =	vld.idx.msk [tilespmem:v17+s14+$0x0], $0xffff  }
0xfb: {  	v22 =	vadd.s32 v28, v22;
	v28 =	vsel vm0, $0x1, v6;
	vm0 =	vge.s32 v24, v20;
	v20 =	vld.idx.msk [tilespmem:v18+s14+$0x0], $0xffff  }
0xfc: {  	v22 =	vadd.s32 v28, v22;
	v28 =	vsel vm0, $0x1, v6;
	vm0 =	vge.s32 v24, v23;
	v23 =	vld.idx.msk [tilespmem:v19+s14+$0x0], $0xffff  }
0xfd: {  	v22 =	vadd.s32 v28, v22;
	v28 =	vsel vm0, $0x1, v6;
	vm0 =	vge.s32 v24, v25  }
0xfe: {  	v22 =	vadd.s32 v28, v22;
	v25 =	vsel vm0, $0x1, v6;
	vm0 =	vge.s32 v24, v26  }
0xff: {  	v22 =	vadd.s32 v25, v22;
	v25 =	vsel vm0, $0x1, v6;
	vm0 =	vge.s32 v24, v27  }
0x100: {  	v22 =	vadd.s32 v25, v22;
	v25 =	vsel vm0, $0x1, v6;
	vm0 =	vge.s32 v24, v21  }
0x101: {  	v21 =	vadd.s32 v25, v22;
	v22 =	vsel vm0, $0x1, v6;
	vm0 =	vge.s32 v24, v20  }
0x102: {  	v20 =	vadd.s32 v22, v21;
	v21 =	vsel vm0, $0x1, v6;
	vm0 =	vge.s32 v24, v23  }
.Ltmp4:
0x103: {  	v20 =	vadd.s32 v21, v20;
	v21 =	vsel vm0, $0x1, v6;
	(pc) =	sbr.rel @p4 .LBB2_5-.Ltmp4, $4  }
0x104: {  	s17 =	sadd.s32 $0x10, s17;
	v20 =	vadd.s32 v21, v20  }
0x105: {  	[tilespmem:s17+$0x0] =	vst v20  }
0x106: {  	v20 =	vld.idx.msk [tilespmem:v7+s14+$0x0], $0xffff  }
0x107: {  	s19 =	sadd.s32 $0x10, s19;
	v21 =	vld.idx.msk [tilespmem:v3+s14+$0x0], $0xffff  }
.Ltmp5:
0x108: {  	_ = 	snop;
	(pc) =	sbr.rel .LBB2_6-.Ltmp5, $1  }
0x109: {  	_ =	sdelay $0x3  }
.LBB2_8:
0x10a: {  	_ =	sfence.sel $0x180000  }
0x10b: {  	[bflag:$0x0] =	sbarrier.arrive $0xFFFF  }
0x10c: {  	p0 =	sne.s32 s1, $0x0;
	_ =	strace $0x9000004A  }
0x10d: {  	s0 =	sadd.s32 @!p0 $0x100000, s0;
	[bflag:$0x2] =	sbarrier.arrive $0xFFFF  }
0x10e: {  	[sflag:s0] =	ssyncadd.tile.s32 @!p0 $0x1;
	_ =	shalt  }
.Lfunc_end2:
_tile_overlayer_lowered:
.L_overlay_start_2:
0x10f: {  	(tag) =	ssettag $0x2  }
0x110: {  	s0 =	rddreg [dreg:$0x0];
	s2 =	stileid.u32  }
0x111: {  	s1 =	rddreg [dreg:$0x1];
	p0 =	sne.s32 s2, $0x0  }
0x112: {  	s3 =	rddreg [dreg:$0x2];
	[bflag:$0x3] =	sbarrier.arrive $0xFFFF;
	s2 =	simm.s32 @!p0 $0x1C01  }
0x113: {  	[timem:s3], [sflag:s2] =	dma.local @!p0 [hbm:s0], s1  }
0x114: {  	s0 =	simm.s32 @!p0 $0x1  }
0x115: {  	_ =	swait.ge @!p0 [sflag:s0], s1  }
0x116: {  	s1 =	ssub.s32 @!p0 $0x0, s1;
	[sflag:s0] =	ssyncset.done @!p0 $0x0  }
0x117: {  	[sflag:s0] =	ssyncadd.s32 @!p0 s1  }
0x118: {  	[bflag:$0x3] =	sbarrier.arrive $0xFFFF  }
0x119: {  	_ =	shalt  }

// kernel: kernel.15.cloned.1.call-start
scs
__scs_entry_jumppad:
0x0: {  	(pc) =	sbr.rel $0x88, $3  }
0x1: {  	(tag) =	ssettag $0x0;
	lr =	simm.s32 $0x1  }
0x2: {  	[smem:$0x3F95] =	sst lr;
	_ =	strace $0xD0000000  }
0x3: {  	_ = 	snop  }
0x4: {  	_ = 	snop  }
0x5: {  	_ = 	snop  }
0x6: {  	_ = 	snop  }
0x7: {  	_ = 	snop  }
__scs_overlays_trampoline_lowered:
0x8: {  	[smem:$0x3FA4] =	sst s0  }
0x9: {  	[smem:$0x3FA5] =	sst s1  }
0xa: {  	[smem:$0x3FA6] =	sst s2  }
0xb: {  	[smem:$0x3FA7] =	sst s3  }
0xc: {  	[smem:$0x3FA8] =	sst s4  }
0xd: {  	[smem:$0x3FA9] =	sst s5  }
0xe: {  	[smem:$0x3FAA] =	sst s6  }
0xf: {  	[smem:$0x3FAB] =	sst s7  }
0x10: {  	[smem:$0x3FAC] =	sst s8  }
0x11: {  	[smem:$0x3FAD] =	sst s9;
	s0 =	simm.s32 @!p0 $0x0  }
0x12: {  	s1 =	sld [smem:$0x3F93];
	s0 =	simm.s32 @p0 $0x1  }
0x13: {  	[smem:$0x3FAE] =	sst s0;
	s0 =	simm.s32 @!p1 $0x0  }
0x14: {  	s2 =	sld [smem:$0x3F92];
	s0 =	simm.s32 @p1 $0x1  }
0x15: {  	[smem:$0x3FAF] =	sst s0;
	s0 =	simm.s32 @!p2 $0x0  }
0x16: {  	s3 =	sld [smem:$0x3FDB];
	s0 =	simm.s32 @p2 $0x1  }
0x17: {  	s4 =	simm.s32 $0x1BF5;
	[smem:$0x3FB1] =	sst s0  }
0x18: {  	s0 =	sld [smem:$0x3F94];
	_ =	swait.ge [sflag:s4], $0x0  }
0x19: {  	s7 =	sld [smem:$0x3F95]  }
0x1a: {  	s8 =	sadd.s32 $0xFFFFE003, lr  }
0x1b: {  	s9 =	sadd.s32 $0xFFFFFEF7, lr;
	s5 =	simm.s32 $0xFFFFFFFF;
	p2 =	slt.u32 s8, $0xFFFFF086  }
0x1c: {  	p1 =	slt.u32 s9, $0xF7A;
	s5 =	simm.s32 @!p2 $0x0  }
0x1d: {  	s5 =	simm.s32 @p1 $0x1;
	p0 =	seq.s32 s7, s2  }
0x1e: {  	s7 =	smul.u32 @!p0 $0xF7A, s2;
	p2 =	seq.s32 @!p0 s5, $0x0  }
0x1f: {  	s9 =	smul.u32 $0xF7A, s1;
	s8 =	simm.s32 @!p0 $0x1BF5;
	p2 =	por !p2, p0  }
0x20: {  	[sflag:s8] =	ssyncset.s32 @!p0 $0xFFFFF086;
	s6 =	sadd.s32 @!p0 s3, s7;
	s7 =	simm.s32 @!p0 $0x108  }
0x21: {  	s3 =	sadd.s32 s3, s9;
	s6 =	sadd.s32 @!p0 $0x88, s6;
	s7 =	simm.s32 @p2 $0x1082  }
0x22: {  	[simem:s7], [sflag:s8] =	dma.local @!p0 [hbm:s6], $0xF7A  }
0x23: {  	s9 =	sor.u32 $0xD0000000, s2;
	s6 =	simm.s32 $0x108;
	_ =	swait.ge @!p0 [sflag:s8], $0x0  }
0x24: {  	s3 =	sadd.s32 $0x88, s3;
	s6 =	simm.s32 @!p1 $0x1082;
	[sflag:s4] =	ssyncset.s32 $0xFFFFF086  }
0x25: {  	[simem:s6], [sflag:s4] =	dma.local [hbm:s3], $0xF7A  }
0x26: {  	[smem:$0x3F95] =	sst s1;
	(tag) =	ssettag s2;
	_ =	strace s9  }
0x27: {  	s1 =	sld [smem:$0x3FA5]  }
0x28: {  	s2 =	sld [smem:$0x3FA6]  }
0x29: {  	s4 =	sld [smem:$0x3FA8]  }
0x2a: {  	p0 =	seq.s32 s5, $0x0;
	s5 =	sld [smem:$0x3FA9]  }
0x2b: {  	s6 =	sld [smem:$0x3FAA]  }
0x2c: {  	s7 =	sld [smem:$0x3FAB]  }
0x2d: {  	s3 =	simm.s32 $0x108;
	s8 =	sld [smem:$0x3FAC]  }
0x2e: {  	s3 =	simm.s32 @!p0 $0x1082;
	s9 =	sld [smem:$0x3FAD]  }
0x2f: {  	lr =	sadd.s32 s0, s3;
	s0 =	sld [smem:$0x3FA4]  }
0x30: {  	s3 =	sld [smem:$0x3FA7]  }
0x31: {  	[smem:$0x3FB0] =	sst s10  }
0x32: {  	s10 =	sld [smem:$0x3FAE];
	_ =	sdelay $0x3  }
0x33: {  	p0 =	seq.s32 s10, $0x1;
	s10 =	sld [smem:$0x3FB0];
	_ =	sdelay $0x3  }
0x34: {  	[smem:$0x3FB0] =	sst s10  }
0x35: {  	s10 =	sld [smem:$0x3FAF];
	_ =	sdelay $0x3  }
0x36: {  	p1 =	seq.s32 s10, $0x1;
	s10 =	sld [smem:$0x3FB0];
	_ =	sdelay $0x3  }
0x37: {  	[smem:$0x3FB0] =	sst s10  }
0x38: {  	s10 =	sld [smem:$0x3FB1]  }
0x39: {  	_ = 	snop;
	(pc) =	sbr.ind lr, $3  }
0x3a: {  	_ = 	snop  }
0x3b: {  	_ = 	snop  }
0x3c: {  	p2 =	seq.s32 s10, $0x1;
	s10 =	sld [smem:$0x3FB0]  }
0x3d: {  	_ =	shalt  }
0x3e: {  	_ =	shalt  }
0x3f: {  	_ =	shalt  }
0x40: {  	_ =	shalt  }
0x41: {  	_ =	shalt  }
0x42: {  	_ =	shalt  }
0x43: {  	_ =	shalt  }
0x44: {  	_ =	shalt  }
0x45: {  	_ =	shalt  }
0x46: {  	_ =	shalt  }
0x47: {  	_ =	shalt  }
0x48: {  	_ =	shalt  }
0x49: {  	_ =	shalt  }
0x4a: {  	_ =	shalt  }
0x4b: {  	_ =	shalt  }
0x4c: {  	_ =	shalt  }
0x4d: {  	_ =	shalt  }
0x4e: {  	_ =	shalt  }
0x4f: {  	_ =	shalt  }
0x50: {  	_ =	shalt  }
0x51: {  	_ =	shalt  }
0x52: {  	_ =	shalt  }
0x53: {  	_ =	shalt  }
0x54: {  	_ =	shalt  }
0x55: {  	_ =	shalt  }
0x56: {  	_ =	shalt  }
0x57: {  	_ =	shalt  }
0x58: {  	_ =	shalt  }
0x59: {  	_ =	shalt  }
0x5a: {  	_ =	shalt  }
0x5b: {  	_ =	shalt  }
0x5c: {  	_ =	shalt  }
0x5d: {  	_ =	shalt  }
0x5e: {  	_ =	shalt  }
0x5f: {  	_ =	shalt  }
0x60: {  	_ =	shalt  }
0x61: {  	_ =	shalt  }
0x62: {  	_ =	shalt  }
0x63: {  	_ =	shalt  }
0x64: {  	_ =	shalt  }
0x65: {  	_ =	shalt  }
0x66: {  	_ =	shalt  }
0x67: {  	_ =	shalt  }
0x68: {  	_ =	shalt  }
0x69: {  	_ =	shalt  }
0x6a: {  	_ =	shalt  }
0x6b: {  	_ =	shalt  }
0x6c: {  	_ =	shalt  }
0x6d: {  	_ =	shalt  }
0x6e: {  	_ =	shalt  }
0x6f: {  	_ =	shalt  }
0x70: {  	_ =	shalt  }
0x71: {  	_ =	shalt  }
0x72: {  	_ =	shalt  }
0x73: {  	_ =	shalt  }
0x74: {  	_ =	shalt  }
0x75: {  	_ =	shalt  }
0x76: {  	_ =	shalt  }
0x77: {  	_ =	shalt  }
0x78: {  	_ =	shalt  }
0x79: {  	_ =	shalt  }
0x7a: {  	_ =	shalt  }
0x7b: {  	_ =	shalt  }
0x7c: {  	_ =	shalt  }
0x7d: {  	_ =	shalt  }
0x7e: {  	_ =	shalt  }
0x7f: {  	_ =	shalt  }
0x80: {  	_ =	shalt  }
0x81: {  	_ =	shalt  }
0x82: {  	_ =	shalt  }
0x83: {  	_ =	shalt  }
0x84: {  	_ =	shalt  }
0x85: {  	_ =	shalt  }
0x86: {  	_ =	shalt  }
0x87: {  	_ =	shalt  }
.Lfunc_end0:
.L_simem_size_0:
called_computation.2_lowered:
.L_overlay_start_0:
0x88: {  	s2 =	sld [smem:$0x3FD9]  }
0x89: {  	s3 =	sld [smem:$0x3FFE];
	_ =	sdelay $0x1  }
0x8a: {  	s1 =	srdreg.scid  }
0x8b: {  	s0 =	sand.u32 $0x1, s1  }
0x8c: {  	s17 =	sshll.u32 s0, $0xA;
	s2 =	sadd.s32 s3, s2  }
0x8d: {  	s2 =	sadd.s32 s2, s17  }
0x8e: {  	[smem:$0x3FBC] =	sst s2  }
0x8f: {  	_ = 	snop  }
0x90: {  	s2 =	sld [smem:$0x3FD0];
	(tm) =	ssettm $0x1  }
0x91: {  	s18 =	sld [smem:$0x3FFB];
	_ =	sdelay $0x3  }
0x92: {  	_ =	strace s18  }
0x93: {  	s3 =	sld [smem:$0x3FFC];
	_ =	sdelay $0x3  }
0x94: {  	_ =	strace s3  }
0x95: {  	s3 =	sld [smem:$0x3FFD];
	_ =	sdelay $0x3  }
0x96: {  	_ =	strace s3  }
0x97: {  	_ =	strace $0x8FFFFFFF  }
0x98: {  	s19 =	sld [smem:$0x3FDB];
	_ =	sdelay $0x1  }
0x99: {  	s4 =	simm.s32 $_scs_section_size  }
0x9a: {  	s5 =	simm.s32 $_size__tile_overlayer_lowered;
	s6 =	simm.s32 $_tile_overlayer_lowered  }
0x9b: {  	s22 =	simm.s32 $0x1BFF;
	s21 =	sshll.u32 s6, $0x1;
	s3 =	sadd.s32 s4, s19  }
0x9c: {  	s7 =	simm.s32 $0x0;
	s20 =	sshll.u32 s5, $0x1;
	s5 =	sadd.s32 s21, s3  }
0x9d: {  	[timem:s7], [sflag:s22] =	dma.local [hbm:s5], s20  }
0x9e: {  	_ =	swait.ge [sflag:s22], s20  }
0x9f: {  	s4 =	ssub.s32 $0x0, s20;
	[sflag:s22] =	ssyncset.done $0x0  }
0xa0: {  	[sflag:s22] =	ssyncadd.s32 s4;
	_ =	sdelay $0x1  }
0xa1: {  	s23 =	simm.s32 $0x1B8B  }
0xa2: {  	_ =	swait.ge [sflag:s23], $0x1  }
0xa3: {  	[sflag:s23] =	ssyncset.done $0x0  }
0xa4: {  	s25 =	simm.s32 $0x1B8E;
	s24 =	sld [smem:$0x3FFE];
	[sflag:s23] =	ssyncadd.s32 $0xFFFFFFFF  }
0xa5: {  	s26 =	simm.s32 $execute0_lowered;
	[smem:$0x3FD2] =	sst s25  }
0xa6: {  	s5 =	sshll.u32 s26, $0x1;
	_ =	strace $0x8000004C;
	[dreg:$0x1] =	wrdreg $0xFFFFFFFF  }
0xa7: {  	s28 =	simm.s32 $_size_execute0_lowered;
	s3 =	sadd.s32 s3, s5;
	[dreg:$0x0] =	wrdreg $0x0  }
0xa8: {  	s5 =	sshll.u32 s28, $0x1;
	[dreg:$0x2] =	wrdreg s3  }
0xa9: {  	[dreg:$0x3] =	wrdreg s5  }
0xaa: {  	[dreg:$0x4] =	wrdreg $0xC0  }
0xab: {  	_ =	task [dreg:s7], $0x5FFFF  }
0xac: {  	[dreg:$0x1] =	wrdreg $0xFFFFFFFF  }
0xad: {  	[dreg:$0x0] =	wrdreg $0x60  }
0xae: {  	[dreg:$0x2] =	wrdreg s2  }
0xaf: {  	[dreg:$0x3] =	wrdreg s24  }
0xb0: {  	[dreg:$0x4] =	wrdreg $0x9  }
0xb1: {  	_ =	task.clear_ibuf [dreg:s7], $0x5FFFF;
	_ =	strace $0x9000004C  }
0xb2: {  	s29 =	simm.s32 $0x9;
	_ =	strace $0x8000004E  }
0xb3: {  	_ =	swait.ge [sflag:s29], $0x1  }
0xb4: {  	[sflag:s29] =	ssyncadd.s32 $0xFFFFFFFF  }
0xb5: {  	_ =	strace $0x9000004E  }
0xb6: {  	_ =	sfence  }
0xb7: {  	s30 =	sld [smem:$0x0];
	_ =	sdelay $0x2  }
0xb8: {  	s31 =	sshll.u32 s1, $0xD;
	s1 =	sshrl.u32 s1, $0x2  }
0xb9: {  	s3 =	sand.u32 $0x4000, s31;
	s1 =	sadd.s32 s1, s30  }
0xba: {  	s0 =	sor.u32 s3, s0;
	s1 =	sshll.u32 s1, $0x11  }
0xbb: {  	s0 =	sor.u32 s1, s0  }
0xbc: {  	s0 =	sadd.s32 $0x8F2B, s0  }
0xbd: {  	[sflag:s0] =	ssyncadd.remote.s32 $0x1  }
0xbe: {  	_ =	sfence.sel $0xFFFF  }
0xbf: {  	[dreg:$0x0] =	wrdreg $0xFFFFFFFF;
	(pc) =	sbr.abs _section_cstart, $3  }
0xc0: {  	[dreg:$0x1] =	wrdreg $0xFFFFFFFF  }
0xc1: {  	_ =	task.clear_ibuf [dreg:s7], $0x2FFFF;
	_ =	strace $0x9FFFFFFF  }
0xc2: {  	(tm) =	ssettm $0x7FFFFFFF  }
0xc3: {  	_ =	shalt  }
tec
execute0_lowered:
.L_overlay_start_1:
0x0: {  	(tag) =	ssettag $0x1  }
0x1: {  	s4 =	rddreg [dreg:$0x0]  }
0x2: {  	s3 =	rddreg [dreg:$0x1]  }
0x3: {  	s0 =	rddreg [dreg:$0x2];
	s1 =	simm.s32 $0x0;
	s5 =	srdreg.scid  }
0x4: {  	s2 =	stileid.u32;
	[smem:$0x7FF] =	sst s1  }
0x5: {  	s6 =	sadd.s32 $0x202E00, s3;
	s5 =	sand.u32 $0x1, s5;
	s8 =	sshll.u32 s2, $0xD  }
0x6: {  	s3 =	sadd.s32 $0x402E00, s3;
	s30 =	sshll.u32 s2, $0x11;
	s7 =	ssub.s32 $0x2, s5  }
0x7: {  	_ =	strace $0x8000004D;
	s9 =	sshll.u32 s5, $0xC;
	s10 =	sshrl.u32 s7, $0x1  }
0x8: {  	s11 =	sshll.u32 s5, $0x10;
	s8 =	sor.u32 s9, s8;
	s7 =	ssub.s32 s7, s10  }
0x9: {  	s9 =	sshrl.u32 s8, $0x3;
	s8 =	sshll.u32 s8, $0x4;
	s10 =	sadd.s32 s30, s6  }
0xa: {  	s4 =	sadd.s32 s4, s9;
	s5 =	sadd.s32 s6, s8;
	s31 =	sadd.s32 s11, s10  }
0xb: {  	s6 =	smax.u32 s7, $0x1;
	s8 =	simm.s32 $0x3;
	s9 =	simm.s32 $0x1000  }
0xc: {  	s10 =	simm.s32 $0x2;
	s11 =	simm.s32 $0x0;
	s7 =	sadd.s32 $0x1000, s31  }
.LBB2_1:
0xd: {  	[tilespmem:s1], [sflag:$0x3] =	stream.linear.gather [hbm4b:s4+s1], $0x1000, $0x38;
	[tilespmem:$0x11000] =	vst v63  }
0xe: {  	_ =	swait.ge [sflag:s8], $0x1000  }
0xf: {  	[sflag:s8] =	ssyncset.done $0x0  }
0x10: {  	[sflag:s8] =	ssyncadd.s32 $0xFFFFF000  }
0x11: {  	[tilespmem:s9], [sflag:$0x3] =	stream.linear.gather [hbm4b:s5+s1], $0x8000, $0x38;
	[tilespmem:$0x11000] =	vst v63  }
0x12: {  	_ =	swait.ge [sflag:s8], $0x8000  }
0x13: {  	s13 =	sand.u32 $0x1, s1;
	[sflag:s8] =	ssyncset.done $0x0  }
0x14: {  	s12 =	simm.s32 $0x100;
	p0 =	seq.s32 s13, $0x1;
	[sflag:s8] =	ssyncadd.s32 $0xFFFF8000  }
0x15: {  	[hbm4b:s3+s12] =	stream.indirect.scatter [tilespmem:s9], [sflag:$0x1], $0x80, s1, s12, $0xb8;
	[tilespmem:$0x11000] =	vst v63  }
0x16: {  	s13 =	simm.s32 @p0 $0x0;
	s14 =	simm.s32 @p0 $0x1000;
	s15 =	simm.s32 @p0 $0x3  }
0x17: {  	[tilespmem:s14], [sflag:$0x3] =	stream.linear.gather @p0 [hbm4b:s7+s13], $0x8000, $0x38;
	[tilespmem:$0x11000] =	vst v63  }
0x18: {  	_ =	swait.ge @p0 [sflag:s15], $0x8000  }
0x19: {  	[sflag:s15] =	ssyncset.done @p0 $0x0  }
0x1a: {  	s13 =	simm.s32 @p0 $0x100;
	[sflag:s15] =	ssyncadd.s32 @p0 $0xFFFF8000  }
0x1b: {  	[hbm4b:s3+s13] =	stream.indirect.scatter @p0 [tilespmem:s14], [sflag:$0x1], $0x80, s12, s13, $0xb8;
	[tilespmem:$0x11000] =	vst v63  }
0x1c: {  	s16 =	simm.s32 @!p0 $0x3;
	s13 =	simm.s32 @!p0 $0x0;
	s14 =	simm.s32 @!p0 $0x9000  }
0x1d: {  	[tilespmem:s14], [sflag:$0x3] =	stream.linear.gather @!p0 [hbm4b:s7+s13], $0x8000, $0x38;
	[tilespmem:$0x11000] =	vst v63  }
0x1e: {  	_ =	swait.ge @!p0 [sflag:s16], $0x8000  }
0x1f: {  	s17 =	simm.s32 $0x1;
	s15 =	simm.s32 @!p0 $0x1;
	[sflag:s16] =	ssyncset.done @!p0 $0x0  }
0x20: {  	s15 =	simm.s32 @p0 $0x2;
	s13 =	simm.s32 @!p0 $0x100;
	[sflag:s16] =	ssyncadd.s32 @!p0 $0xFFFF8000  }
0x21: {  	[hbm4b:s3+s13] =	stream.indirect.scatter @!p0 [tilespmem:s14], [sflag:$0x2], $0x80, s12, s13, $0xb8;
	[tilespmem:$0x11000] =	vst v63  }
0x22: {  	s16 =	sand.u32 $0x1, s17;
	s14 =	simm.s32 $0x2;
	_ =	swait.ge [sflag:s15], $0x8000  }
0x23: {  	s13 =	sadd.s32 $0x1000, s7;
	s12 =	simm.s32 $0x200;
	[sflag:s15] =	ssyncset.done $0x0  }
.LBB2_2:
0x24: {  	p0 =	seq.s32 s16, $0x1  }
0x25: {  	[sflag:s15] =	ssyncadd.s32 $0xFFFF8000;
	s16 =	smov.u32 s14;
	s14 =	sadd.s32 $0x1, s14  }
0x26: {  	s15 =	simm.s32 @p0 $0x0;
	s17 =	simm.s32 @p0 $0x1000;
	s18 =	simm.s32 @p0 $0x3  }
0x27: {  	[tilespmem:s17], [sflag:$0x3] =	stream.linear.gather @p0 [hbm4b:s13+s15], $0x8000, $0x38;
	[tilespmem:$0x11000] =	vst v63  }
0x28: {  	p1 =	sne.s32 s14, $0xF;
	s15 =	simm.s32 @!p0 $0x1;
	_ =	swait.ge @p0 [sflag:s18], $0x8000  }
0x29: {  	[sflag:s18] =	ssyncset.done @p0 $0x0  }
0x2a: {  	[sflag:s18] =	ssyncadd.s32 @p0 $0xFFFF8000;
	s18 =	simm.s32 @p0 $0x100  }
0x2b: {  	[hbm4b:s3+s18] =	stream.indirect.scatter @p0 [tilespmem:s17], [sflag:$0x1], $0x80, s12, s18, $0xb8;
	[tilespmem:$0x11000] =	vst v63  }
0x2c: {  	s19 =	simm.s32 @!p0 $0x3;
	s17 =	simm.s32 @!p0 $0x0;
	s18 =	simm.s32 @!p0 $0x9000  }
0x2d: {  	[tilespmem:s18], [sflag:$0x3] =	stream.linear.gather @!p0 [hbm4b:s13+s17], $0x8000, $0x38;
	[tilespmem:$0x11000] =	vst v63  }
0x2e: {  	_ =	swait.ge @!p0 [sflag:s19], $0x8000  }
.Ltmp0:
0x2f: {  	[sflag:s19] =	ssyncset.done @!p0 $0x0;
	(pc) =	sbr.rel @p1 .LBB2_2-.Ltmp0, $4  }
0x30: {  	s15 =	simm.s32 @p0 $0x2;
	s17 =	simm.s32 @!p0 $0x100;
	[sflag:s19] =	ssyncadd.s32 @!p0 $0xFFFF8000  }
0x31: {  	[hbm4b:s3+s17] =	stream.indirect.scatter @!p0 [tilespmem:s18], [sflag:$0x2], $0x80, s12, s17, $0xb8;
	[tilespmem:$0x11000] =	vst v63  }
0x32: {  	s13 =	sadd.s32 $0x1000, s13;
	_ =	swait.ge [sflag:s15], $0x8000  }
0x33: {  	s16 =	sand.u32 $0x1, s16;
	s12 =	sadd.s32 $0x100, s12;
	[sflag:s15] =	ssyncset.done $0x0  }
0x34: {  	p0 =	seq.s32 s16, $0x1;
	[sflag:s15] =	ssyncadd.s32 $0xFFFF8000  }
0x35: {  	s14 =	simm.s32 @p0 $0x0;
	s15 =	simm.s32 @p0 $0x1000;
	s16 =	simm.s32 @p0 $0x3  }
0x36: {  	[tilespmem:s15], [sflag:$0x3] =	stream.linear.gather @p0 [hbm4b:s13+s14], $0x8000, $0x38;
	[tilespmem:$0x11000] =	vst v63  }
0x37: {  	_ =	swait.ge @p0 [sflag:s16], $0x8000  }
0x38: {  	[sflag:s16] =	ssyncset.done @p0 $0x0  }
0x39: {  	s14 =	simm.s32 @p0 $0x100;
	[sflag:s16] =	ssyncadd.s32 @p0 $0xFFFF8000  }
0x3a: {  	[hbm4b:s3+s14] =	stream.indirect.scatter @p0 [tilespmem:s15], [sflag:$0x1], $0x80, s12, s14, $0xb8;
	[tilespmem:$0x11000] =	vst v63  }
0x3b: {  	s16 =	simm.s32 @!p0 $0x3;
	s14 =	simm.s32 @!p0 $0x0;
	s15 =	simm.s32 @!p0 $0x9000  }
0x3c: {  	[tilespmem:s15], [sflag:$0x3] =	stream.linear.gather @!p0 [hbm4b:s13+s14], $0x8000, $0x38;
	[tilespmem:$0x11000] =	vst v63  }
0x3d: {  	_ =	swait.ge @!p0 [sflag:s16], $0x8000  }
0x3e: {  	s11 =	sadd.s32 $0x1, s11;
	s13 =	simm.s32 @!p0 $0x1;
	[sflag:s16] =	ssyncset.done @!p0 $0x0  }
0x3f: {  	s14 =	simm.s32 @!p0 $0x100;
	s13 =	simm.s32 @p0 $0x2;
	[sflag:s16] =	ssyncadd.s32 @!p0 $0xFFFF8000  }
0x40: {  	[hbm4b:s3+s14] =	stream.indirect.scatter @!p0 [tilespmem:s15], [sflag:$0x2], $0x80, s12, s14, $0xb8;
	[tilespmem:$0x11000] =	vst v63  }
0x41: {  	p0 =	sne.s32 s11, s6;
	_ =	swait.ge [sflag:s13], $0x8000  }
.Ltmp1:
0x42: {  	[sflag:s13] =	ssyncset.done $0x0;
	(pc) =	sbr.rel @p0 .LBB2_1-.Ltmp1, $4  }
0x43: {  	[sflag:s13] =	ssyncadd.s32 $0xFFFF8000  }
0x44: {  	_ =	swait.ge [sflag:s10], $0x8000  }
0x45: {  	[sflag:s10] =	ssyncset.done $0x0  }
0x46: {  	[sflag:s10] =	ssyncadd.s32 $0xFFFF8000  }
0x47: {  	_ =	sfence.sel $0x180000  }
0x48: {  	[bflag:$0x0] =	sbarrier.arrive $0xFFFF  }
0x49: {  	p0 =	sne.s32 s2, $0x0;
	_ =	strace $0x9000004D  }
0x4a: {  	s0 =	sadd.s32 @!p0 $0x100000, s0;
	[bflag:$0x2] =	sbarrier.arrive $0xFFFF  }
0x4b: {  	[sflag:s0] =	ssyncadd.tile.s32 @!p0 $0x1;
	_ =	shalt  }
.Lfunc_end2:
_tile_overlayer_lowered:
.L_overlay_start_2:
0x4c: {  	(tag) =	ssettag $0x2  }
0x4d: {  	s0 =	rddreg [dreg:$0x0];
	s2 =	stileid.u32  }
0x4e: {  	s1 =	rddreg [dreg:$0x1];
	p0 =	sne.s32 s2, $0x0  }
0x4f: {  	s3 =	rddreg [dreg:$0x2];
	[bflag:$0x3] =	sbarrier.arrive $0xFFFF;
	s2 =	simm.s32 @!p0 $0x1C03  }
0x50: {  	[timem:s3], [sflag:s2] =	dma.local @!p0 [hbm:s0], s1  }
0x51: {  	s0 =	simm.s32 @!p0 $0x3  }
0x52: {  	_ =	swait.ge @!p0 [sflag:s0], s1  }
0x53: {  	s1 =	ssub.s32 @!p0 $0x0, s1;
	[sflag:s0] =	ssyncset.done @!p0 $0x0  }
0x54: {  	[sflag:s0] =	ssyncadd.s32 @!p0 s1  }
0x55: {  	[bflag:$0x3] =	sbarrier.arrive $0xFFFF  }
0x56: {  	_ =	shalt  }

// kernel: kernel.18.cloned.1.call-start
scs
__scs_entry_jumppad:
0x0: {  	(pc) =	sbr.rel $0x88, $3  }
0x1: {  	(tag) =	ssettag $0x0;
	lr =	simm.s32 $0x1  }
0x2: {  	[smem:$0x3F95] =	sst lr;
	_ =	strace $0xD0000000  }
0x3: {  	_ = 	snop  }
0x4: {  	_ = 	snop  }
0x5: {  	_ = 	snop  }
0x6: {  	_ = 	snop  }
0x7: {  	_ = 	snop  }
__scs_overlays_trampoline_lowered:
0x8: {  	[smem:$0x3FA4] =	sst s0  }
0x9: {  	[smem:$0x3FA5] =	sst s1  }
0xa: {  	[smem:$0x3FA6] =	sst s2  }
0xb: {  	[smem:$0x3FA7] =	sst s3  }
0xc: {  	[smem:$0x3FA8] =	sst s4  }
0xd: {  	[smem:$0x3FA9] =	sst s5  }
0xe: {  	[smem:$0x3FAA] =	sst s6  }
0xf: {  	[smem:$0x3FAB] =	sst s7  }
0x10: {  	[smem:$0x3FAC] =	sst s8  }
0x11: {  	[smem:$0x3FAD] =	sst s9;
	s0 =	simm.s32 @!p0 $0x0  }
0x12: {  	s1 =	sld [smem:$0x3F93];
	s0 =	simm.s32 @p0 $0x1  }
0x13: {  	[smem:$0x3FAE] =	sst s0;
	s0 =	simm.s32 @!p1 $0x0  }
0x14: {  	s2 =	sld [smem:$0x3F92];
	s0 =	simm.s32 @p1 $0x1  }
0x15: {  	[smem:$0x3FAF] =	sst s0;
	s0 =	simm.s32 @!p2 $0x0  }
0x16: {  	s3 =	sld [smem:$0x3FDB];
	s0 =	simm.s32 @p2 $0x1  }
0x17: {  	s4 =	simm.s32 $0x1BF5;
	[smem:$0x3FB1] =	sst s0  }
0x18: {  	s0 =	sld [smem:$0x3F94];
	_ =	swait.ge [sflag:s4], $0x0  }
0x19: {  	s7 =	sld [smem:$0x3F95]  }
0x1a: {  	s8 =	sadd.s32 $0xFFFFE003, lr  }
0x1b: {  	s9 =	sadd.s32 $0xFFFFFEF7, lr;
	s5 =	simm.s32 $0xFFFFFFFF;
	p2 =	slt.u32 s8, $0xFFFFF086  }
0x1c: {  	p1 =	slt.u32 s9, $0xF7A;
	s5 =	simm.s32 @!p2 $0x0  }
0x1d: {  	s5 =	simm.s32 @p1 $0x1;
	p0 =	seq.s32 s7, s2  }
0x1e: {  	s7 =	smul.u32 @!p0 $0xF7A, s2;
	p2 =	seq.s32 @!p0 s5, $0x0  }
0x1f: {  	s9 =	smul.u32 $0xF7A, s1;
	s8 =	simm.s32 @!p0 $0x1BF5;
	p2 =	por !p2, p0  }
0x20: {  	[sflag:s8] =	ssyncset.s32 @!p0 $0xFFFFF086;
	s6 =	sadd.s32 @!p0 s3, s7;
	s7 =	simm.s32 @!p0 $0x108  }
0x21: {  	s3 =	sadd.s32 s3, s9;
	s6 =	sadd.s32 @!p0 $0x88, s6;
	s7 =	simm.s32 @p2 $0x1082  }
0x22: {  	[simem:s7], [sflag:s8] =	dma.local @!p0 [hbm:s6], $0xF7A  }
0x23: {  	s9 =	sor.u32 $0xD0000000, s2;
	s6 =	simm.s32 $0x108;
	_ =	swait.ge @!p0 [sflag:s8], $0x0  }
0x24: {  	s3 =	sadd.s32 $0x88, s3;
	s6 =	simm.s32 @!p1 $0x1082;
	[sflag:s4] =	ssyncset.s32 $0xFFFFF086  }
0x25: {  	[simem:s6], [sflag:s4] =	dma.local [hbm:s3], $0xF7A  }
0x26: {  	[smem:$0x3F95] =	sst s1;
	(tag) =	ssettag s2;
	_ =	strace s9  }
0x27: {  	s1 =	sld [smem:$0x3FA5]  }
0x28: {  	s2 =	sld [smem:$0x3FA6]  }
0x29: {  	s4 =	sld [smem:$0x3FA8]  }
0x2a: {  	p0 =	seq.s32 s5, $0x0;
	s5 =	sld [smem:$0x3FA9]  }
0x2b: {  	s6 =	sld [smem:$0x3FAA]  }
0x2c: {  	s7 =	sld [smem:$0x3FAB]  }
0x2d: {  	s3 =	simm.s32 $0x108;
	s8 =	sld [smem:$0x3FAC]  }
0x2e: {  	s3 =	simm.s32 @!p0 $0x1082;
	s9 =	sld [smem:$0x3FAD]  }
0x2f: {  	lr =	sadd.s32 s0, s3;
	s0 =	sld [smem:$0x3FA4]  }
0x30: {  	s3 =	sld [smem:$0x3FA7]  }
0x31: {  	[smem:$0x3FB0] =	sst s10  }
0x32: {  	s10 =	sld [smem:$0x3FAE];
	_ =	sdelay $0x3  }
0x33: {  	p0 =	seq.s32 s10, $0x1;
	s10 =	sld [smem:$0x3FB0];
	_ =	sdelay $0x3  }
0x34: {  	[smem:$0x3FB0] =	sst s10  }
0x35: {  	s10 =	sld [smem:$0x3FAF];
	_ =	sdelay $0x3  }
0x36: {  	p1 =	seq.s32 s10, $0x1;
	s10 =	sld [smem:$0x3FB0];
	_ =	sdelay $0x3  }
0x37: {  	[smem:$0x3FB0] =	sst s10  }
0x38: {  	s10 =	sld [smem:$0x3FB1]  }
0x39: {  	_ = 	snop;
	(pc) =	sbr.ind lr, $3  }
0x3a: {  	_ = 	snop  }
0x3b: {  	_ = 	snop  }
0x3c: {  	p2 =	seq.s32 s10, $0x1;
	s10 =	sld [smem:$0x3FB0]  }
0x3d: {  	_ =	shalt  }
0x3e: {  	_ =	shalt  }
0x3f: {  	_ =	shalt  }
0x40: {  	_ =	shalt  }
0x41: {  	_ =	shalt  }
0x42: {  	_ =	shalt  }
0x43: {  	_ =	shalt  }
0x44: {  	_ =	shalt  }
0x45: {  	_ =	shalt  }
0x46: {  	_ =	shalt  }
0x47: {  	_ =	shalt  }
0x48: {  	_ =	shalt  }
0x49: {  	_ =	shalt  }
0x4a: {  	_ =	shalt  }
0x4b: {  	_ =	shalt  }
0x4c: {  	_ =	shalt  }
0x4d: {  	_ =	shalt  }
0x4e: {  	_ =	shalt  }
0x4f: {  	_ =	shalt  }
0x50: {  	_ =	shalt  }
0x51: {  	_ =	shalt  }
0x52: {  	_ =	shalt  }
0x53: {  	_ =	shalt  }
0x54: {  	_ =	shalt  }
0x55: {  	_ =	shalt  }
0x56: {  	_ =	shalt  }
0x57: {  	_ =	shalt  }
0x58: {  	_ =	shalt  }
0x59: {  	_ =	shalt  }
0x5a: {  	_ =	shalt  }
0x5b: {  	_ =	shalt  }
0x5c: {  	_ =	shalt  }
0x5d: {  	_ =	shalt  }
0x5e: {  	_ =	shalt  }
0x5f: {  	_ =	shalt  }
0x60: {  	_ =	shalt  }
0x61: {  	_ =	shalt  }
0x62: {  	_ =	shalt  }
0x63: {  	_ =	shalt  }
0x64: {  	_ =	shalt  }
0x65: {  	_ =	shalt  }
0x66: {  	_ =	shalt  }
0x67: {  	_ =	shalt  }
0x68: {  	_ =	shalt  }
0x69: {  	_ =	shalt  }
0x6a: {  	_ =	shalt  }
0x6b: {  	_ =	shalt  }
0x6c: {  	_ =	shalt  }
0x6d: {  	_ =	shalt  }
0x6e: {  	_ =	shalt  }
0x6f: {  	_ =	shalt  }
0x70: {  	_ =	shalt  }
0x71: {  	_ =	shalt  }
0x72: {  	_ =	shalt  }
0x73: {  	_ =	shalt  }
0x74: {  	_ =	shalt  }
0x75: {  	_ =	shalt  }
0x76: {  	_ =	shalt  }
0x77: {  	_ =	shalt  }
0x78: {  	_ =	shalt  }
0x79: {  	_ =	shalt  }
0x7a: {  	_ =	shalt  }
0x7b: {  	_ =	shalt  }
0x7c: {  	_ =	shalt  }
0x7d: {  	_ =	shalt  }
0x7e: {  	_ =	shalt  }
0x7f: {  	_ =	shalt  }
0x80: {  	_ =	shalt  }
0x81: {  	_ =	shalt  }
0x82: {  	_ =	shalt  }
0x83: {  	_ =	shalt  }
0x84: {  	_ =	shalt  }
0x85: {  	_ =	shalt  }
0x86: {  	_ =	shalt  }
0x87: {  	_ =	shalt  }
.Lfunc_end0:
.L_simem_size_0:
called_computation.3_lowered:
.L_overlay_start_0:
0x88: {  	s2 =	sld [smem:$0x3FD9]  }
0x89: {  	s3 =	sld [smem:$0x3FFE];
	_ =	sdelay $0x1  }
0x8a: {  	s1 =	srdreg.scid  }
0x8b: {  	s0 =	sand.u32 $0x1, s1  }
0x8c: {  	s17 =	sshll.u32 s0, $0xA;
	s2 =	sadd.s32 s3, s2  }
0x8d: {  	s2 =	sadd.s32 s2, s17  }
0x8e: {  	[smem:$0x3FBC] =	sst s2  }
0x8f: {  	_ = 	snop  }
0x90: {  	s2 =	sld [smem:$0x3FD0];
	(tm) =	ssettm $0x1  }
0x91: {  	s18 =	sld [smem:$0x3FFB];
	_ =	sdelay $0x3  }
0x92: {  	_ =	strace s18  }
0x93: {  	s3 =	sld [smem:$0x3FFC];
	_ =	sdelay $0x3  }
0x94: {  	_ =	strace s3  }
0x95: {  	s3 =	sld [smem:$0x3FFD];
	_ =	sdelay $0x3  }
0x96: {  	_ =	strace s3  }
0x97: {  	_ =	strace $0x8FFFFFFF  }
0x98: {  	s19 =	sld [smem:$0x3FDB];
	_ =	sdelay $0x1  }
0x99: {  	s4 =	simm.s32 $_scs_section_size  }
0x9a: {  	s5 =	simm.s32 $_size__tile_overlayer_lowered;
	s6 =	simm.s32 $_tile_overlayer_lowered  }
0x9b: {  	s22 =	simm.s32 $0x1BFF;
	s21 =	sshll.u32 s6, $0x1;
	s3 =	sadd.s32 s4, s19  }
0x9c: {  	s7 =	simm.s32 $0x0;
	s20 =	sshll.u32 s5, $0x1;
	s5 =	sadd.s32 s21, s3  }
0x9d: {  	[timem:s7], [sflag:s22] =	dma.local [hbm:s5], s20  }
0x9e: {  	_ =	swait.ge [sflag:s22], s20  }
0x9f: {  	s4 =	ssub.s32 $0x0, s20;
	[sflag:s22] =	ssyncset.done $0x0  }
0xa0: {  	[sflag:s22] =	ssyncadd.s32 s4;
	_ =	sdelay $0x1  }
0xa1: {  	s23 =	simm.s32 $0x1B8B  }
0xa2: {  	_ =	swait.ge [sflag:s23], $0x1  }
0xa3: {  	[sflag:s23] =	ssyncset.done $0x0  }
0xa4: {  	s25 =	simm.s32 $0x1B8E;
	s24 =	sld [smem:$0x3FFE];
	[sflag:s23] =	ssyncadd.s32 $0xFFFFFFFF  }
0xa5: {  	s26 =	simm.s32 $execute0_lowered;
	[smem:$0x3FD2] =	sst s25  }
0xa6: {  	s5 =	sshll.u32 s26, $0x1;
	_ =	strace $0x8000004F;
	[dreg:$0x1] =	wrdreg $0xFFFFFFFF  }
0xa7: {  	s28 =	simm.s32 $_size_execute0_lowered;
	s3 =	sadd.s32 s3, s5;
	[dreg:$0x0] =	wrdreg $0x0  }
0xa8: {  	s5 =	sshll.u32 s28, $0x1;
	[dreg:$0x2] =	wrdreg s3  }
0xa9: {  	[dreg:$0x3] =	wrdreg s5  }
0xaa: {  	[dreg:$0x4] =	wrdreg $0xC0  }
0xab: {  	_ =	task [dreg:s7], $0x5FFFF  }
0xac: {  	[dreg:$0x1] =	wrdreg $0xFFFFFFFF  }
0xad: {  	[dreg:$0x0] =	wrdreg $0x60  }
0xae: {  	[dreg:$0x2] =	wrdreg s2  }
0xaf: {  	[dreg:$0x3] =	wrdreg s24  }
0xb0: {  	[dreg:$0x4] =	wrdreg $0x9  }
0xb1: {  	_ =	task.clear_ibuf [dreg:s7], $0x5FFFF;
	_ =	strace $0x9000004F  }
0xb2: {  	s29 =	simm.s32 $0x9;
	_ =	strace $0x80000051  }
0xb3: {  	_ =	swait.ge [sflag:s29], $0x1  }
0xb4: {  	[sflag:s29] =	ssyncadd.s32 $0xFFFFFFFF  }
0xb5: {  	_ =	strace $0x90000051  }
0xb6: {  	_ =	sfence  }
0xb7: {  	s30 =	sld [smem:$0x0];
	_ =	sdelay $0x2  }
0xb8: {  	s31 =	sshll.u32 s1, $0xD;
	s1 =	sshrl.u32 s1, $0x2  }
0xb9: {  	s3 =	sand.u32 $0x4000, s31;
	s1 =	sadd.s32 s1, s30  }
0xba: {  	s0 =	sor.u32 s3, s0;
	s1 =	sshll.u32 s1, $0x11  }
0xbb: {  	s0 =	sor.u32 s1, s0  }
0xbc: {  	s0 =	sadd.s32 $0x8F2B, s0  }
0xbd: {  	[sflag:s0] =	ssyncadd.remote.s32 $0x1  }
0xbe: {  	_ =	sfence.sel $0xFFFF  }
0xbf: {  	[dreg:$0x0] =	wrdreg $0xFFFFFFFF;
	(pc) =	sbr.abs _section_cstart, $3  }
0xc0: {  	[dreg:$0x1] =	wrdreg $0xFFFFFFFF  }
0xc1: {  	_ =	task.clear_ibuf [dreg:s7], $0x2FFFF;
	_ =	strace $0x9FFFFFFF  }
0xc2: {  	(tm) =	ssettm $0x7FFFFFFF  }
0xc3: {  	_ =	shalt  }
tec
execute0_lowered:
.L_overlay_start_1:
0x0: {  	(tag) =	ssettag $0x1  }
0x1: {  	s4 =	rddreg [dreg:$0x0]  }
0x2: {  	s5 =	rddreg [dreg:$0x1]  }
0x3: {  	s0 =	rddreg [dreg:$0x2];
	s2 =	simm.s32 $0x0;
	s3 =	srdreg.scid  }
0x4: {  	s1 =	stileid.u32;
	s11 =	simm.s32 $0x9000;
	s12 =	simm.s32 $0x0  }
0x5: {  	[smem:$0x7FF] =	sst s2;
	s7 =	sand.u32 $0x1, s3;
	s6 =	sshll.u32 s1, $0xD  }
0x6: {  	s3 =	sadd.s32 $0x2A00, s5;
	s26 =	sadd.s32 $0x222A00, s5;
	s31 =	sshll.u32 s1, $0x11  }
0x7: {  	_ =	strace $0x80000050;
	s8 =	sshll.u32 s7, $0xC;
	s9 =	ssub.s32 $0x2, s7  }
0x8: {  	s7 =	sshll.u32 s7, $0x10;
	s6 =	sor.u32 s8, s6;
	s28 =	sshrl.u32 s9, $0x1  }
0x9: {  	s8 =	sadd.s32 s31, s26;
	s10 =	sshll.u32 s6, $0x4;
	s9 =	ssub.s32 s9, s28  }
0xa: {  	s29 =	sshrl.u32 s6, $0x3;
	s7 =	sadd.s32 s7, s8;
	s8 =	simm.s32 $0x3  }
0xb: {  	s30 =	sadd.s32 s10, s26;
	s4 =	sadd.s32 s4, s29;
	s6 =	smax.u32 s9, $0x1  }
0xc: {  	s9 =	simm.s32 $0x1000;
	s10 =	simm.s32 $0x1;
	s5 =	sadd.s32 $0xF000, s30  }
.LBB2_1:
0xd: {  	[tilespmem:s2], [sflag:$0x3] =	stream.linear.gather [hbm4b:s4+s2], $0x1000, $0x38;
	[tilespmem:$0x11000] =	vst v63  }
0xe: {  	_ =	swait.ge [sflag:s8], $0x1000  }
0xf: {  	[sflag:s8] =	ssyncset.done $0x0  }
0x10: {  	s13 =	simm.s32 $0x100;
	[sflag:s8] =	ssyncadd.s32 $0xFFFFF000  }
0x11: {  	[tilespmem:s9], [sflag:$0x1] =	stream.indirect.gather [hbm4b:s3+s13], $0x80, s2, s13, $0xb8;
	[tilespmem:$0x11000] =	vst v63  }
0x12: {  	s14 =	sand.u32 $0x1, s2;
	_ =	swait.ge [sflag:s10], $0x8000  }
0x13: {  	p0 =	seq.s32 s14, $0x1;
	[sflag:s10] =	ssyncset.done $0x0  }
0x14: {  	s14 =	simm.s32 @p0 $0x100;
	s15 =	simm.s32 @p0 $0x1000;
	[sflag:s10] =	ssyncadd.s32 $0xFFFF8000  }
0x15: {  	[tilespmem:s15], [sflag:$0x1] =	stream.indirect.gather @p0 [hbm4b:s3+s14], $0x80, s13, s14, $0xb8;
	[tilespmem:$0x11000] =	vst v63  }
0x16: {  	s16 =	simm.s32 @!p0 $0x1000;
	s14 =	simm.s32 @!p0 $0x100;
	s15 =	simm.s32 @!p0 $0x9000  }
0x17: {  	[tilespmem:s15], [sflag:$0x2] =	stream.indirect.gather @!p0 [hbm4b:s3+s14], $0x80, s13, s14, $0xb8;
	[tilespmem:$0x11000] =	vst v63  }
0x18: {  	s16 =	simm.s32 @p0 $0x9000  }
0x19: {  	[hbm4b:s7+s2] =	stream.linear.scatter [tilespmem:s16], [sflag:$0x3], $0x8000, $0x38;
	[tilespmem:$0x11000] =	vst v63  }
0x1a: {  	_ =	swait.ge [sflag:s8], $0x8000  }
0x1b: {  	s30 =	simm.s32 $0x1;
	s16 =	simm.s32 @!p0 $0x2;
	[sflag:s8] =	ssyncset.done $0x0  }
0x1c: {  	s31 =	sand.u32 $0x1, s30;
	s16 =	simm.s32 @p0 $0x1;
	[sflag:s8] =	ssyncadd.s32 $0xFFFF8000  }
0x1d: {  	s15 =	simm.s32 $0x2;
	s13 =	simm.s32 $0x200;
	_ =	swait.ge [sflag:s16], $0x8000  }
0x1e: {  	s14 =	sadd.s32 $0x1000, s7;
	p0 =	seq.s32 s31, $0x1;
	[sflag:s16] =	ssyncset.done $0x0  }
.LBB2_2:
0x1f: {  	s17 =	simm.s32 @p0 $0x100;
	s18 =	simm.s32 @p0 $0x1000;
	[sflag:s16] =	ssyncadd.s32 $0xFFFF8000  }
0x20: {  	[tilespmem:s18], [sflag:$0x1] =	stream.indirect.gather @p0 [hbm4b:s3+s17], $0x80, s13, s17, $0xb8;
	[tilespmem:$0x11000] =	vst v63  }
0x21: {  	s16 =	simm.s32 @!p0 $0x100;
	s17 =	simm.s32 @!p0 $0x9000;
	s18 =	simm.s32 @!p0 $0x1000  }
0x22: {  	[tilespmem:s17], [sflag:$0x2] =	stream.indirect.gather @!p0 [hbm4b:s3+s16], $0x80, s13, s16, $0xb8;
	[tilespmem:$0x11000] =	vst v63  }
0x23: {  	s17 =	smov.u32 s15;
	s15 =	sadd.s32 $0x1, s15  }
0x24: {  	s18 =	simm.s32 @p0 $0x9000;
	p1 =	sne.s32 s15, $0xF  }
0x25: {  	[hbm4b:s14+s2] =	stream.linear.scatter [tilespmem:s18], [sflag:$0x3], $0x8000, $0x38;
	[tilespmem:$0x11000] =	vst v63  }
.Ltmp0:
0x26: {  	_ =	swait.ge [sflag:s8], $0x8000;
	(pc) =	sbr.rel @p1 .LBB2_2-.Ltmp0, $4  }
0x27: {  	s16 =	simm.s32 @!p0 $0x2;
	[sflag:s8] =	ssyncset.done $0x0  }
0x28: {  	s16 =	simm.s32 @p0 $0x1;
	[sflag:s8] =	ssyncadd.s32 $0xFFFF8000  }
0x29: {  	s13 =	sadd.s32 $0x100, s13;
	s17 =	sand.u32 $0x1, s17;
	_ =	swait.ge [sflag:s16], $0x8000  }
0x2a: {  	p0 =	seq.s32 s17, $0x1;
	s14 =	sadd.s32 $0x1000, s14;
	[sflag:s16] =	ssyncset.done $0x0  }
0x2b: {  	s15 =	simm.s32 @p0 $0x100;
	s17 =	simm.s32 @p0 $0x1000;
	[sflag:s16] =	ssyncadd.s32 $0xFFFF8000  }
0x2c: {  	[tilespmem:s17], [sflag:$0x1] =	stream.indirect.gather @p0 [hbm4b:s3+s15], $0x80, s13, s15, $0xb8;
	[tilespmem:$0x11000] =	vst v63  }
0x2d: {  	s16 =	simm.s32 @!p0 $0x9000;
	s15 =	simm.s32 @!p0 $0x100;
	s17 =	simm.s32 @!p0 $0x1000  }
0x2e: {  	[tilespmem:s16], [sflag:$0x2] =	stream.indirect.gather @!p0 [hbm4b:s3+s15], $0x80, s13, s15, $0xb8;
	[tilespmem:$0x11000] =	vst v63  }
0x2f: {  	s17 =	simm.s32 @p0 $0x9000  }
0x30: {  	[hbm4b:s14+s2] =	stream.linear.scatter [tilespmem:s17], [sflag:$0x3], $0x8000, $0x38;
	[tilespmem:$0x11000] =	vst v63  }
0x31: {  	_ =	swait.ge [sflag:s8], $0x8000  }
0x32: {  	s13 =	simm.s32 @!p0 $0x2;
	[sflag:s8] =	ssyncset.done $0x0  }
0x33: {  	s13 =	simm.s32 @p0 $0x1;
	[sflag:s8] =	ssyncadd.s32 $0xFFFF8000  }
0x34: {  	s12 =	sadd.s32 $0x1, s12;
	_ =	swait.ge [sflag:s13], $0x8000  }
0x35: {  	p0 =	sne.s32 s12, s6;
	[sflag:s13] =	ssyncset.done $0x0  }
.Ltmp1:
0x36: {  	[sflag:s13] =	ssyncadd.s32 $0xFFFF8000;
	(pc) =	sbr.rel @p0 .LBB2_1-.Ltmp1, $4  }
0x37: {  	[hbm4b:s5+s2] =	stream.linear.scatter [tilespmem:s11], [sflag:$0x3], $0x8000, $0x38;
	[tilespmem:$0x11000] =	vst v63  }
0x38: {  	_ =	swait.ge [sflag:s8], $0x8000  }
0x39: {  	[sflag:s8] =	ssyncset.done $0x0  }
0x3a: {  	[sflag:s8] =	ssyncadd.s32 $0xFFFF8000  }
0x3b: {  	_ =	sfence.sel $0x180000  }
0x3c: {  	[bflag:$0x0] =	sbarrier.arrive $0xFFFF  }
0x3d: {  	p0 =	sne.s32 s1, $0x0;
	_ =	strace $0x90000050  }
0x3e: {  	s0 =	sadd.s32 @!p0 $0x100000, s0;
	[bflag:$0x2] =	sbarrier.arrive $0xFFFF  }
0x3f: {  	[sflag:s0] =	ssyncadd.tile.s32 @!p0 $0x1;
	_ =	shalt  }
.Lfunc_end2:
_tile_overlayer_lowered:
.L_overlay_start_2:
0x40: {  	(tag) =	ssettag $0x2  }
0x41: {  	s0 =	rddreg [dreg:$0x0];
	s2 =	stileid.u32  }
0x42: {  	s1 =	rddreg [dreg:$0x1];
	p0 =	sne.s32 s2, $0x0  }
0x43: {  	s3 =	rddreg [dreg:$0x2];
	[bflag:$0x3] =	sbarrier.arrive $0xFFFF;
	s2 =	simm.s32 @!p0 $0x1C03  }
0x44: {  	[timem:s3], [sflag:s2] =	dma.local @!p0 [hbm:s0], s1  }
0x45: {  	s0 =	simm.s32 @!p0 $0x3  }
0x46: {  	_ =	swait.ge @!p0 [sflag:s0], s1  }
0x47: {  	s1 =	ssub.s32 @!p0 $0x0, s1;
	[sflag:s0] =	ssyncset.done @!p0 $0x0  }
0x48: {  	[sflag:s0] =	ssyncadd.s32 @!p0 s1  }
0x49: {  	[bflag:$0x3] =	sbarrier.arrive $0xFFFF  }
0x4a: {  	_ =	shalt  }

// kernel: kernel.9.cloned.1.call-start
scs
__scs_entry_jumppad:
0x0: {  	(pc) =	sbr.rel $0x88, $3  }
0x1: {  	(tag) =	ssettag $0x0;
	lr =	simm.s32 $0x1  }
0x2: {  	[smem:$0x3F95] =	sst lr;
	_ =	strace $0xD0000000  }
0x3: {  	_ = 	snop  }
0x4: {  	_ = 	snop  }
0x5: {  	_ = 	snop  }
0x6: {  	_ = 	snop  }
0x7: {  	_ = 	snop  }
__scs_overlays_trampoline_lowered:
0x8: {  	[smem:$0x3FA4] =	sst s0  }
0x9: {  	[smem:$0x3FA5] =	sst s1  }
0xa: {  	[smem:$0x3FA6] =	sst s2  }
0xb: {  	[smem:$0x3FA7] =	sst s3  }
0xc: {  	[smem:$0x3FA8] =	sst s4  }
0xd: {  	[smem:$0x3FA9] =	sst s5  }
0xe: {  	[smem:$0x3FAA] =	sst s6  }
0xf: {  	[smem:$0x3FAB] =	sst s7  }
0x10: {  	[smem:$0x3FAC] =	sst s8  }
0x11: {  	[smem:$0x3FAD] =	sst s9;
	s0 =	simm.s32 @!p0 $0x0  }
0x12: {  	s1 =	sld [smem:$0x3F93];
	s0 =	simm.s32 @p0 $0x1  }
0x13: {  	[smem:$0x3FAE] =	sst s0;
	s0 =	simm.s32 @!p1 $0x0  }
0x14: {  	s2 =	sld [smem:$0x3F92];
	s0 =	simm.s32 @p1 $0x1  }
0x15: {  	[smem:$0x3FAF] =	sst s0;
	s0 =	simm.s32 @!p2 $0x0  }
0x16: {  	s3 =	sld [smem:$0x3FDB];
	s0 =	simm.s32 @p2 $0x1  }
0x17: {  	s4 =	simm.s32 $0x1BF5;
	[smem:$0x3FB1] =	sst s0  }
0x18: {  	s0 =	sld [smem:$0x3F94];
	_ =	swait.ge [sflag:s4], $0x0  }
0x19: {  	s7 =	sld [smem:$0x3F95]  }
0x1a: {  	s8 =	sadd.s32 $0xFFFFE003, lr  }
0x1b: {  	s9 =	sadd.s32 $0xFFFFFEF7, lr;
	s5 =	simm.s32 $0xFFFFFFFF;
	p2 =	slt.u32 s8, $0xFFFFF086  }
0x1c: {  	p1 =	slt.u32 s9, $0xF7A;
	s5 =	simm.s32 @!p2 $0x0  }
0x1d: {  	s5 =	simm.s32 @p1 $0x1;
	p0 =	seq.s32 s7, s2  }
0x1e: {  	s7 =	smul.u32 @!p0 $0xF7A, s2;
	p2 =	seq.s32 @!p0 s5, $0x0  }
0x1f: {  	s9 =	smul.u32 $0xF7A, s1;
	s8 =	simm.s32 @!p0 $0x1BF5;
	p2 =	por !p2, p0  }
0x20: {  	[sflag:s8] =	ssyncset.s32 @!p0 $0xFFFFF086;
	s6 =	sadd.s32 @!p0 s3, s7;
	s7 =	simm.s32 @!p0 $0x108  }
0x21: {  	s3 =	sadd.s32 s3, s9;
	s6 =	sadd.s32 @!p0 $0x88, s6;
	s7 =	simm.s32 @p2 $0x1082  }
0x22: {  	[simem:s7], [sflag:s8] =	dma.local @!p0 [hbm:s6], $0xF7A  }
0x23: {  	s9 =	sor.u32 $0xD0000000, s2;
	s6 =	simm.s32 $0x108;
	_ =	swait.ge @!p0 [sflag:s8], $0x0  }
0x24: {  	s3 =	sadd.s32 $0x88, s3;
	s6 =	simm.s32 @!p1 $0x1082;
	[sflag:s4] =	ssyncset.s32 $0xFFFFF086  }
0x25: {  	[simem:s6], [sflag:s4] =	dma.local [hbm:s3], $0xF7A  }
0x26: {  	[smem:$0x3F95] =	sst s1;
	(tag) =	ssettag s2;
	_ =	strace s9  }
0x27: {  	s1 =	sld [smem:$0x3FA5]  }
0x28: {  	s2 =	sld [smem:$0x3FA6]  }
0x29: {  	s4 =	sld [smem:$0x3FA8]  }
0x2a: {  	p0 =	seq.s32 s5, $0x0;
	s5 =	sld [smem:$0x3FA9]  }
0x2b: {  	s6 =	sld [smem:$0x3FAA]  }
0x2c: {  	s7 =	sld [smem:$0x3FAB]  }
0x2d: {  	s3 =	simm.s32 $0x108;
	s8 =	sld [smem:$0x3FAC]  }
0x2e: {  	s3 =	simm.s32 @!p0 $0x1082;
	s9 =	sld [smem:$0x3FAD]  }
0x2f: {  	lr =	sadd.s32 s0, s3;
	s0 =	sld [smem:$0x3FA4]  }
0x30: {  	s3 =	sld [smem:$0x3FA7]  }
0x31: {  	[smem:$0x3FB0] =	sst s10  }
0x32: {  	s10 =	sld [smem:$0x3FAE];
	_ =	sdelay $0x3  }
0x33: {  	p0 =	seq.s32 s10, $0x1;
	s10 =	sld [smem:$0x3FB0];
	_ =	sdelay $0x3  }
0x34: {  	[smem:$0x3FB0] =	sst s10  }
0x35: {  	s10 =	sld [smem:$0x3FAF];
	_ =	sdelay $0x3  }
0x36: {  	p1 =	seq.s32 s10, $0x1;
	s10 =	sld [smem:$0x3FB0];
	_ =	sdelay $0x3  }
0x37: {  	[smem:$0x3FB0] =	sst s10  }
0x38: {  	s10 =	sld [smem:$0x3FB1]  }
0x39: {  	_ = 	snop;
	(pc) =	sbr.ind lr, $3  }
0x3a: {  	_ = 	snop  }
0x3b: {  	_ = 	snop  }
0x3c: {  	p2 =	seq.s32 s10, $0x1;
	s10 =	sld [smem:$0x3FB0]  }
0x3d: {  	_ =	shalt  }
0x3e: {  	_ =	shalt  }
0x3f: {  	_ =	shalt  }
0x40: {  	_ =	shalt  }
0x41: {  	_ =	shalt  }
0x42: {  	_ =	shalt  }
0x43: {  	_ =	shalt  }
0x44: {  	_ =	shalt  }
0x45: {  	_ =	shalt  }
0x46: {  	_ =	shalt  }
0x47: {  	_ =	shalt  }
0x48: {  	_ =	shalt  }
0x49: {  	_ =	shalt  }
0x4a: {  	_ =	shalt  }
0x4b: {  	_ =	shalt  }
0x4c: {  	_ =	shalt  }
0x4d: {  	_ =	shalt  }
0x4e: {  	_ =	shalt  }
0x4f: {  	_ =	shalt  }
0x50: {  	_ =	shalt  }
0x51: {  	_ =	shalt  }
0x52: {  	_ =	shalt  }
0x53: {  	_ =	shalt  }
0x54: {  	_ =	shalt  }
0x55: {  	_ =	shalt  }
0x56: {  	_ =	shalt  }
0x57: {  	_ =	shalt  }
0x58: {  	_ =	shalt  }
0x59: {  	_ =	shalt  }
0x5a: {  	_ =	shalt  }
0x5b: {  	_ =	shalt  }
0x5c: {  	_ =	shalt  }
0x5d: {  	_ =	shalt  }
0x5e: {  	_ =	shalt  }
0x5f: {  	_ =	shalt  }
0x60: {  	_ =	shalt  }
0x61: {  	_ =	shalt  }
0x62: {  	_ =	shalt  }
0x63: {  	_ =	shalt  }
0x64: {  	_ =	shalt  }
0x65: {  	_ =	shalt  }
0x66: {  	_ =	shalt  }
0x67: {  	_ =	shalt  }
0x68: {  	_ =	shalt  }
0x69: {  	_ =	shalt  }
0x6a: {  	_ =	shalt  }
0x6b: {  	_ =	shalt  }
0x6c: {  	_ =	shalt  }
0x6d: {  	_ =	shalt  }
0x6e: {  	_ =	shalt  }
0x6f: {  	_ =	shalt  }
0x70: {  	_ =	shalt  }
0x71: {  	_ =	shalt  }
0x72: {  	_ =	shalt  }
0x73: {  	_ =	shalt  }
0x74: {  	_ =	shalt  }
0x75: {  	_ =	shalt  }
0x76: {  	_ =	shalt  }
0x77: {  	_ =	shalt  }
0x78: {  	_ =	shalt  }
0x79: {  	_ =	shalt  }
0x7a: {  	_ =	shalt  }
0x7b: {  	_ =	shalt  }
0x7c: {  	_ =	shalt  }
0x7d: {  	_ =	shalt  }
0x7e: {  	_ =	shalt  }
0x7f: {  	_ =	shalt  }
0x80: {  	_ =	shalt  }
0x81: {  	_ =	shalt  }
0x82: {  	_ =	shalt  }
0x83: {  	_ =	shalt  }
0x84: {  	_ =	shalt  }
0x85: {  	_ =	shalt  }
0x86: {  	_ =	shalt  }
0x87: {  	_ =	shalt  }
.Lfunc_end0:
.L_simem_size_0:
called_computation_lowered:
.L_overlay_start_0:
0x88: {  	s2 =	sld [smem:$0x3FD9]  }
0x89: {  	s3 =	sld [smem:$0x3FFE];
	_ =	sdelay $0x1  }
0x8a: {  	s1 =	srdreg.scid  }
0x8b: {  	s0 =	sand.u32 $0x1, s1  }
0x8c: {  	s17 =	sshll.u32 s0, $0xA;
	s2 =	sadd.s32 s3, s2  }
0x8d: {  	s2 =	sadd.s32 s2, s17  }
0x8e: {  	[smem:$0x3FBC] =	sst s2  }
0x8f: {  	_ = 	snop  }
0x90: {  	s2 =	sld [smem:$0x3FC8];
	(tm) =	ssettm $0x1  }
0x91: {  	s18 =	sld [smem:$0x3FFB];
	_ =	sdelay $0x3  }
0x92: {  	_ =	strace s18  }
0x93: {  	s3 =	sld [smem:$0x3FFC];
	_ =	sdelay $0x3  }
0x94: {  	_ =	strace s3  }
0x95: {  	s3 =	sld [smem:$0x3FFD];
	_ =	sdelay $0x3  }
0x96: {  	_ =	strace s3  }
0x97: {  	_ =	strace $0x8FFFFFFF  }
0x98: {  	s19 =	sld [smem:$0x3FDB];
	_ =	sdelay $0x1  }
0x99: {  	s4 =	simm.s32 $_scs_section_size  }
0x9a: {  	s5 =	simm.s32 $_size__tile_overlayer_lowered;
	s6 =	simm.s32 $_tile_overlayer_lowered  }
0x9b: {  	s22 =	simm.s32 $0x1BFF;
	s21 =	sshll.u32 s6, $0x1;
	s3 =	sadd.s32 s4, s19  }
0x9c: {  	s7 =	simm.s32 $0x0;
	s20 =	sshll.u32 s5, $0x1;
	s5 =	sadd.s32 s21, s3  }
0x9d: {  	[timem:s7], [sflag:s22] =	dma.local [hbm:s5], s20  }
0x9e: {  	_ =	swait.ge [sflag:s22], s20  }
0x9f: {  	s4 =	ssub.s32 $0x0, s20;
	[sflag:s22] =	ssyncset.done $0x0  }
0xa0: {  	[sflag:s22] =	ssyncadd.s32 s4;
	_ =	sdelay $0x1  }
0xa1: {  	s23 =	simm.s32 $0x1B8B  }
0xa2: {  	_ =	swait.ge [sflag:s23], $0x1  }
0xa3: {  	[sflag:s23] =	ssyncset.done $0x0  }
0xa4: {  	s25 =	simm.s32 $0x1B8E;
	s24 =	sld [smem:$0x3FFE];
	[sflag:s23] =	ssyncadd.s32 $0xFFFFFFFF  }
0xa5: {  	s26 =	simm.s32 $execute0_lowered;
	[smem:$0x3FD2] =	sst s25  }
0xa6: {  	s5 =	sshll.u32 s26, $0x1;
	_ =	strace $0x80000046;
	[dreg:$0x1] =	wrdreg $0xFFFFFFFF  }
0xa7: {  	s28 =	simm.s32 $_size_execute0_lowered;
	s3 =	sadd.s32 s3, s5;
	[dreg:$0x0] =	wrdreg $0x0  }
0xa8: {  	s5 =	sshll.u32 s28, $0x1;
	[dreg:$0x2] =	wrdreg s3  }
0xa9: {  	[dreg:$0x3] =	wrdreg s5  }
0xaa: {  	[dreg:$0x4] =	wrdreg $0xC0  }
0xab: {  	_ =	task [dreg:s7], $0x5FFFF  }
0xac: {  	[dreg:$0x1] =	wrdreg $0xFFFFFFFF  }
0xad: {  	[dreg:$0x0] =	wrdreg $0x60  }
0xae: {  	[dreg:$0x2] =	wrdreg s2  }
0xaf: {  	[dreg:$0x3] =	wrdreg s24  }
0xb0: {  	[dreg:$0x4] =	wrdreg $0x9  }
0xb1: {  	_ =	task.clear_ibuf [dreg:s7], $0x5FFFF;
	_ =	strace $0x90000046  }
0xb2: {  	s29 =	simm.s32 $0x9;
	_ =	strace $0x80000048  }
0xb3: {  	_ =	swait.ge [sflag:s29], $0x1  }
0xb4: {  	[sflag:s29] =	ssyncadd.s32 $0xFFFFFFFF  }
0xb5: {  	_ =	strace $0x90000048  }
0xb6: {  	_ =	sfence  }
0xb7: {  	s30 =	sld [smem:$0x0];
	_ =	sdelay $0x2  }
0xb8: {  	s31 =	sshll.u32 s1, $0xD;
	s1 =	sshrl.u32 s1, $0x2  }
0xb9: {  	s3 =	sand.u32 $0x4000, s31;
	s1 =	sadd.s32 s1, s30  }
0xba: {  	s0 =	sor.u32 s3, s0;
	s1 =	sshll.u32 s1, $0x11  }
0xbb: {  	s0 =	sor.u32 s1, s0  }
0xbc: {  	s0 =	sadd.s32 $0x8F2B, s0  }
0xbd: {  	[sflag:s0] =	ssyncadd.remote.s32 $0x1  }
0xbe: {  	_ =	sfence.sel $0xFFFF  }
0xbf: {  	[dreg:$0x0] =	wrdreg $0xFFFFFFFF;
	(pc) =	sbr.abs _section_cstart, $3  }
0xc0: {  	[dreg:$0x1] =	wrdreg $0xFFFFFFFF  }
0xc1: {  	_ =	task.clear_ibuf [dreg:s7], $0x2FFFF;
	_ =	strace $0x9FFFFFFF  }
0xc2: {  	(tm) =	ssettm $0x7FFFFFFF  }
0xc3: {  	_ =	shalt  }
tec
execute0_lowered:
.L_overlay_start_1:
0x0: {  	(tag) =	ssettag $0x1  }
0x1: {  	s3 =	rddreg [dreg:$0x0]  }
0x2: {  	s4 =	rddreg [dreg:$0x1]  }
0x3: {  	s0 =	rddreg [dreg:$0x2]  }
0x4: {  	s5 =	srdreg.scid;
	s1 =	stileid.u32  }
0x5: {  	s2 =	simm.s32 $0x0;
	s5 =	sand.u32 $0x1, s5;
	s6 =	sshll.u32 s1, $0x1  }
0x6: {  	[smem:$0x7FF] =	sst s2;
	s6 =	sor.u32 s5, s6;
	s5 =	ssub.s32 $0x2, s5  }
0x7: {  	_ =	strace $0x80000047;
	s7 =	sshll.u32 s6, $0x4;
	s8 =	sshrl.u32 s5, $0x1  }
0x8: {  	s6 =	sshll.u32 s6, $0x9;
	s4 =	sadd.s32 s7, s4;
	s5 =	ssub.s32 s5, s8  }
0x9: {  	s3 =	sadd.s32 s3, s6;
	s6 =	simm.s32 $0x1;
	s7 =	simm.s32 $0x1000  }
0xa: {  	v0 =	vimm.s32 $0x0;
	v1 =	vimm.s32 $0x1;
	s8 =	simm.s32 $0x0;
	s4 =	sadd.s32 $0x2A00, s4;
	s5 =	smax.u32 s5, $0x1  }
.LBB2_1:
0xb: {  	[tilespmem:s2], [sflag:$0x1] =	stream.linear.gather [hbm4b:s3+s2], $0x1000, $0x38;
	[tilespmem:$0x1080] =	vst v63  }
0xc: {  	_ =	swait.ge [sflag:s6], $0x1000  }
0xd: {  	[sflag:s6] =	ssyncset.done $0x0  }
0xe: {  	[sflag:s6] =	ssyncadd.s32 $0xFFFFF000  }
0xf: {  	s10 =	simm.s32 $0x0;
	s9 =	simm.s32 $0x40;
	[tilespmem:$0x1000] =	vst v0  }
.LBB2_2:
0x10: {  	p0 =	sne.s32 s9, $0x3FC0;
	v2 =	vld [tilespmem:s10+$0x0];
	_ =	sdelay $0x3  }
.Ltmp0:
0x11: {  	(pc) =	sbr.rel @p0 .LBB2_2-.Ltmp0, $2  }
0x12: {  	_ =	sdelay $0x2  }
0x13: {  	s10 =	sshra.s32 s9, $0x2;
	s9 =	sadd.s32 $0x40, s9;
	[tilespmem:v2+s7+$0x0] =	vst.idx.add.s32.msk $0xffff, v1  }
0x14: {  	v2 =	vld [tilespmem:s10+$0x0];
	_ =	sdelay $0x5  }
0x15: {  	s8 =	sadd.s32 $0x1, s8  }
0x16: {  	p0 =	sne.s32 s8, s5  }
.Ltmp1:
0x17: {  	[tilespmem:v2+s7+$0x0] =	vst.idx.add.s32.msk $0xffff, v1;
	(pc) =	sbr.rel @p0 .LBB2_1-.Ltmp1, $4  }
0x18: {  	[hbm4b:s4+s2] =	stream.linear.scatter [tilespmem:s7], [sflag:$0x1], $0x80, $0x38;
	[tilespmem:$0x1080] =	vst v63  }
0x19: {  	_ =	swait.ge [sflag:s6], $0x80  }
0x1a: {  	[sflag:s6] =	ssyncset.done $0x0  }
0x1b: {  	[sflag:s6] =	ssyncadd.s32 $0xFFFFFF80  }
0x1c: {  	_ =	sfence.sel $0x180000  }
0x1d: {  	[bflag:$0x0] =	sbarrier.arrive $0xFFFF  }
0x1e: {  	p0 =	sne.s32 s1, $0x0;
	_ =	strace $0x90000047  }
0x1f: {  	s0 =	sadd.s32 @!p0 $0x100000, s0;
	[bflag:$0x2] =	sbarrier.arrive $0xFFFF  }
0x20: {  	[sflag:s0] =	ssyncadd.tile.s32 @!p0 $0x1;
	_ =	shalt  }
.Lfunc_end2:
_tile_overlayer_lowered:
.L_overlay_start_2:
0x21: {  	(tag) =	ssettag $0x2  }
0x22: {  	s0 =	rddreg [dreg:$0x0];
	s2 =	stileid.u32  }
0x23: {  	s1 =	rddreg [dreg:$0x1];
	p0 =	sne.s32 s2, $0x0  }
0x24: {  	s3 =	rddreg [dreg:$0x2];
	[bflag:$0x3] =	sbarrier.arrive $0xFFFF;
	s2 =	simm.s32 @!p0 $0x1C01  }
0x25: {  	[timem:s3], [sflag:s2] =	dma.local @!p0 [hbm:s0], s1  }
0x26: {  	s0 =	simm.s32 @!p0 $0x1  }
0x27: {  	_ =	swait.ge @!p0 [sflag:s0], s1  }
0x28: {  	s1 =	ssub.s32 @!p0 $0x0, s1;
	[sflag:s0] =	ssyncset.done @!p0 $0x0  }
0x29: {  	[sflag:s0] =	ssyncadd.s32 @!p0 s1  }
0x2a: {  	[bflag:$0x3] =	sbarrier.arrive $0xFFFF  }
0x2b: {  	_ =	shalt  }

</sc_bundles>
